<compile_context>
chip_gen: v7x
topology: tpu7x:2x2x1
jax: 0.10.2.dev20260603
libtpu: 0.0.44.dev20260713+nightly
codegen_flags: <defaults>
</compile_context>

<pallas_src>
import functools

import jax
import jax.numpy as jnp
from jax import lax
from jax.experimental import pallas as pl
from jax.experimental.pallas import tpu as pltpu
from jax.experimental.pallas import tpu_sc as plsc

_N = 10000
_E = 320000
_D = 128

_NC = 2
_NS = 16
_NW = _NC * _NS

_EPT = _E // _NW
_N_PAD = 10112
_SLAB = _N_PAD // _NS

_BLK = 1280
_GRID = 8
_NSLAB = 8
_CNT_PAD = _NSLAB * _BLK


def _lrelu(v):
    return jnp.where(v >= 0, v, 0.01 * v)



_sc_mesh = plsc.VectorSubcoreMesh(core_axis_name="c", subcore_axis_name="s")


def _make_sc_agg(chunk, idxblk, nidx, with_counts):
    out_type = [jax.ShapeDtypeStruct((_NC, _N_PAD, _D), jnp.float32)]
    scratch = [
        pltpu.VMEM((idxblk, chunk), jnp.int32),
        pltpu.VMEM((idxblk, chunk), jnp.int32),
        pltpu.VMEM((chunk, _D), jnp.float32),
        pltpu.VMEM((chunk, _D), jnp.float32),
        pltpu.VMEM_SHARED((_N_PAD, _D), jnp.float32),
        pltpu.SemaphoreType.DMA,
        pltpu.SemaphoreType.DMA,
        pltpu.SemaphoreType.DMA,
        pltpu.SemaphoreType.DMA,
    ]
    if with_counts:
        out_type.append(jax.ShapeDtypeStruct((_NSLAB, _NW, _BLK), jnp.float32))
        scratch.insert(4, pltpu.VMEM((_CNT_PAD,), jnp.float32))

    @functools.partial(
        pl.kernel,
        mesh=_sc_mesh,
        compiler_params=pltpu.CompilerParams(needs_layout_passes=False),
        out_type=tuple(out_type),
        scratch_types=scratch,
    )
    def _sc_agg(h_hbm, edge_hbm, *rest):
        if with_counts:
            (agg_out, cnt_out, src_v, dst_v, rows_a, rows_b, cnt_v,
             agg_sh, sem_a, sem_b, sem_s, sem_t) = rest
        else:
            (agg_out, src_v, dst_v, rows_a, rows_b,
             agg_sh, sem_a, sem_b, sem_s, sem_t) = rest
        cid = lax.axis_index("c")
        sid = lax.axis_index("s")
        wid = sid * _NC + cid

        zbase = sid * _SLAB
        def zrow(i, carry):
            for g in range(_D // 16):
                rows_a[i, pl.ds(g * 16, 16)] = jnp.zeros((16,), jnp.float32)
            return carry
        lax.fori_loop(0, chunk, zrow, 0)
        zds = []
        for f in range(_SLAB // chunk):
            zds.append(pltpu.async_copy(
                rows_a, agg_sh.at[pl.ds(zbase + f * chunk, chunk)], sem_s))
        rem = _SLAB % chunk
        if rem:
            zds.append(pltpu.async_copy(
                rows_a.at[pl.ds(0, rem)],
                agg_sh.at[pl.ds(zbase + (_SLAB // chunk) * chunk, rem)], sem_s))

        if with_counts:
            def zbody(i, carry):
                cnt_v[pl.ds(i * 16, 16)] = jnp.zeros((16,), jnp.float32)
                return carry
            lax.fori_loop(0, _CNT_PAD // 16, zbody, 0)

        for d in zds:
            d.wait()
        plsc.subcore_barrier()

        ones16 = jnp.full((16,), 1.0, jnp.float32)

        def _counts(j):
            for g in range(chunk // 16):
                idx = dst_v[j, pl.ds(g * 16, 16)]
                plsc.addupdate_scatter(cnt_v, [idx], ones16)

        def _gather(j, rows, sem):
            pltpu.async_copy(h_hbm.at[src_v.at[j]], rows, sem)

        def _wait(j, rows, sem):
            pltpu.make_async_copy(h_hbm.at[src_v.at[j]], rows, sem).wait()

        def _scatter_sync(j, rows):
            pltpu.sync_copy(rows, agg_sh.at[dst_v.at[j]], add=True)

        def _process(j, rows):
            if with_counts:
                _counts(j)
            _scatter_sync(j, rows)

        def outer(b, carry):
            d0 = pltpu.async_copy(edge_hbm.at[0, wid, b], src_v, sem_t)
            d1 = pltpu.async_copy(edge_hbm.at[1, wid, b], dst_v, sem_t)
            d0.wait()
            d1.wait()

            _gather(0, rows_a, sem_a)

            def pair(t, c2):
                j0 = 2 * t
                _gather(j0 + 1, rows_b, sem_b)
                if with_counts:
                    _counts(j0)
                    _counts(j0 + 1)
                _wait(j0, rows_a, sem_a)
                _scatter_sync(j0, rows_a)
                _gather(j0 + 2, rows_a, sem_a)
                _wait(j0 + 1, rows_b, sem_b)
                _scatter_sync(j0 + 1, rows_b)
                return c2

            if idxblk % 2:
                carry = lax.fori_loop(0, (idxblk - 1) // 2, pair, carry)
                jl = idxblk - 1
                _wait(jl, rows_a, sem_a)
                _process(jl, rows_a)
            else:
                carry = lax.fori_loop(0, idxblk // 2 - 1, pair, carry)
                j0 = idxblk - 2
                _gather(j0 + 1, rows_b, sem_b)
                _wait(j0, rows_a, sem_a)
                _process(j0, rows_a)
                _wait(j0 + 1, rows_b, sem_b)
                _process(j0 + 1, rows_b)
            return carry

        lax.fori_loop(0, nidx, outer, 0)

        plsc.subcore_barrier()

        wds = [pltpu.async_copy(agg_sh.at[pl.ds(zbase, _SLAB)],
                                agg_out.at[cid, pl.ds(zbase, _SLAB)], sem_s)]
        if with_counts:
            for s in range(_NSLAB):
                wds.append(pltpu.async_copy(cnt_v.at[pl.ds(s * _BLK, _BLK)],
                                            cnt_out.at[s, wid], sem_t))
        for d in wds:
            d.wait()

    return _sc_agg


_CH1, _IB1, _NX1 = 80, 25, 5
_CH2, _IB2, _NX2 = 125, 20, 4
_sc_agg1 = _make_sc_agg(_CH1, _IB1, _NX1, with_counts=True)
_sc_agg2 = _make_sc_agg(_CH2, _IB2, _NX2, with_counts=False)



def _dotg(a, w):
    return lax.dot_general(a, w, (((1,), (1,)), ((), ())),
                           preferred_element_type=jnp.float32)


def _mean(aggp_ref, cntp_ref):
    agg = aggp_ref[0] + aggp_ref[1]
    cnt = jnp.sum(cntp_ref[0], axis=0)[:, None]
    return agg / jnp.maximum(cnt, 1.0)


def _tc_root_body(x_ref, wroot_ref, out_ref):
    out_ref[...] = _dotg(x_ref[...], wroot_ref[...])


def _tc1_body(aggp_ref, cntp_ref, xroot_ref, wrel_ref, brel_ref, out_ref):
    agg = _mean(aggp_ref, cntp_ref)
    h = _dotg(agg, wrel_ref[...]) + brel_ref[...] + xroot_ref[...]
    out_ref[...] = _lrelu(h)


def _tc2_body(aggp_ref, cntp_ref, hroot_ref, wrel_ref, brel_ref,
              wl0_ref, bl0_ref, wl1_ref, bl1_ref, wl2_ref, bl2_ref, out_ref):
    agg = _mean(aggp_ref, cntp_ref)
    h2 = _dotg(agg, wrel_ref[...]) + brel_ref[...] + hroot_ref[...]
    t = _lrelu(_dotg(h2, wl0_ref[...]) + bl0_ref[...])
    t = _lrelu(_dotg(t, wl1_ref[...]) + bl1_ref[...])
    y = jnp.sum(t * wl2_ref[...], axis=1) + bl2_ref[0, 0]
    out_ref[...] = jax.nn.sigmoid(y)[None, :]


_full128 = pl.BlockSpec((_D, _D), lambda i: (0, 0))
_bias = pl.BlockSpec((1, _D), lambda i: (0, 0))
_rows = pl.BlockSpec((_BLK, _D), lambda i: (i, 0))
_aggp_spec = pl.BlockSpec((_NC, _BLK, _D), lambda i: (0, i, 0))
_cntp_spec = pl.BlockSpec((1, _NW, _BLK), lambda i: (i, 0, 0))

_tc_root = pl.pallas_call(
    _tc_root_body,
    grid=(_GRID,),
    in_specs=[_rows, _full128],
    out_specs=_rows,
    out_shape=jax.ShapeDtypeStruct((_N, _D), jnp.float32),
)

_tc1 = pl.pallas_call(
    _tc1_body,
    grid=(_GRID,),
    in_specs=[_aggp_spec, _cntp_spec, _rows, _full128, _bias],
    out_specs=_rows,
    out_shape=jax.ShapeDtypeStruct((_N, _D), jnp.float32),
)

_tc2 = pl.pallas_call(
    _tc2_body,
    grid=(_GRID,),
    in_specs=[_aggp_spec, _cntp_spec, _rows, _full128, _bias,
              _full128, _bias, _full128, _bias,
              pl.BlockSpec((1, _D), lambda i: (0, 0)),
              pl.BlockSpec((1, 1), lambda i: (0, 0))],
    out_specs=pl.BlockSpec((1, _BLK), lambda i: (0, i)),
    out_shape=jax.ShapeDtypeStruct((1, _N), jnp.float32),
)


def kernel(x, edge_index, W_rel1, b_rel1, W_root1, W_rel2, b_rel2, W_root2,
           W_l0, b_l0, W_l1, b_l1, W_l2, b_l2):
    edges1 = edge_index.reshape(2, _NW, _NX1, _IB1, _CH1)
    edges2 = edge_index.reshape(2, _NW, _NX2, _IB2, _CH2)

    xroot = _tc_root(x, W_root1)
    agg1, cnt1 = _sc_agg1(x, edges1)
    h1 = _tc1(agg1, cnt1, xroot, W_rel1, b_rel1.reshape(1, _D))
    hroot = _tc_root(h1, W_root2)
    res2 = _sc_agg2(h1, edges2)
    agg2 = res2[0] if isinstance(res2, (tuple, list)) else res2
    out = _tc2(agg2, cnt1, hroot, W_rel2, b_rel2.reshape(1, _D),
               W_l0, b_l0.reshape(1, _D), W_l1, b_l1.reshape(1, _D),
               W_l2, b_l2.reshape(1, 1))
    return out.reshape(_N, 1)

# --- scband reference (transcript-rebuilt; emitter-appended) ---
"""Pipeline reference for scband-net-gcn-4724464026017 (READ-ONLY COPY).

The authoritative reference and input builder live on the scoring server;
editing this copy changes nothing except your own understanding.
"""

import jax, jax.numpy as jnp
import numpy as np

N = 10000
E = 320000
D = 128
H = 128


def setup_inputs(seed: int = 0) -> dict:
    key = jax.random.key(seed)
    ks = jax.random.split(key, 16)
    x = jax.random.normal(ks[0], (N, D), dtype=jnp.float32)
    edge_index = jax.random.randint(ks[1], (2, E), 0, N, dtype=jnp.int32)
    s = 1.0 / np.sqrt(D)
    sh = 1.0 / np.sqrt(H)
    # GraphConv layer 1 (in=D, out=H): lin_rel (with bias) + lin_root (no bias)
    W_rel1 = jax.random.normal(ks[2], (H, D), dtype=jnp.float32) * s
    b_rel1 = jnp.zeros((H,), dtype=jnp.float32)
    W_root1 = jax.random.normal(ks[3], (H, D), dtype=jnp.float32) * s
    # GraphConv layer 2 (in=H, out=H)
    W_rel2 = jax.random.normal(ks[4], (H, H), dtype=jnp.float32) * sh
    b_rel2 = jnp.zeros((H,), dtype=jnp.float32)
    W_root2 = jax.random.normal(ks[5], (H, H), dtype=jnp.float32) * sh
    # Linear head: H -> H -> H -> 1
    W_l0 = jax.random.normal(ks[6], (H, H), dtype=jnp.float32) * sh
    b_l0 = jnp.zeros((H,), dtype=jnp.float32)
    W_l1 = jax.random.normal(ks[7], (H, H), dtype=jnp.float32) * sh
    b_l1 = jnp.zeros((H,), dtype=jnp.float32)
    W_l2 = jax.random.normal(ks[8], (1, H), dtype=jnp.float32) * sh
    b_l2 = jnp.zeros((1,), dtype=jnp.float32)
    return {"x": x, "edge_index": edge_index,
            "W_rel1": W_rel1, "b_rel1": b_rel1, "W_root1": W_root1,
            "W_rel2": W_rel2, "b_rel2": b_rel2, "W_root2": W_root2,
            "W_l0": W_l0, "b_l0": b_l0, "W_l1": W_l1, "b_l1": b_l1,
            "W_l2": W_l2, "b_l2": b_l2}


def _lrelu(v):
    return jnp.where(v >= 0, v, 0.01 * v)


def reference(x, edge_index, W_rel1, b_rel1, W_root1, W_rel2, b_rel2, W_root2,
              W_l0, b_l0, W_l1, b_l1, W_l2, b_l2):
    src = edge_index[0]
    dst = edge_index[1]

    def graph_conv_mean(h, W_rel, b_rel, W_root):
        # PyG GraphConv(aggr='mean'): out = lin_rel(mean_{j in N(i)} x_j) + lin_root(x_i)
        msgs = h[src]  # gather
        agg = jax.ops.segment_sum(msgs, dst, num_segments=N)  # scatter-add
        cnt = jax.ops.segment_sum(jnp.ones((E,), dtype=h.dtype), dst, num_segments=N)
        agg = agg / jnp.maximum(cnt, 1.0)[:, None]
        return agg @ W_rel.T + b_rel + h @ W_root.T

    h = graph_conv_mean(x, W_rel1, b_rel1, W_root1)
    h = _lrelu(h)
    h = graph_conv_mean(h, W_rel2, b_rel2, W_root2)  # last conv: no nonlinearity
    # linear head (dropout p=0.0 is identity)
    h = _lrelu(h @ W_l0.T + b_l0)
    h = _lrelu(h @ W_l1.T + b_l1)
    h = h @ W_l2.T + b_l2
    return jax.nn.sigmoid(h)

if __name__ == "__main__":
    import jax
    _d = setup_inputs()
    print(jax.jit(kernel)(*tuple(_d.values())))

</pallas_src>

<mosaic_0001>
#map = affine_map<(d0, d1) -> (0, 0)>
#map1 = affine_map<(d0, d1) -> (0, 0, 0, 0, 0)>
#map2 = affine_map<(d0, d1) -> (0, 0, 0)>
module attributes {stable_mosaic.version = 14 : i64} {
  func.func @_sc_agg(%arg0: i32, %arg1: i32, %arg2: memref<10000x128xf32, #tpu.memory_space<hbm>>, %arg3: memref<2x32x5x25x80xi32, #tpu.memory_space<hbm>>, %arg4: memref<2x10112x128xf32, #tpu.memory_space<hbm>>, %arg5: memref<8x32x1280xf32, #tpu.memory_space<hbm>>, %arg6: memref<25x80xi32, #tpu.memory_space<vmem>>, %arg7: memref<25x80xi32, #tpu.memory_space<vmem>>, %arg8: memref<80x128xf32, #tpu.memory_space<vmem>>, %arg9: memref<80x128xf32, #tpu.memory_space<vmem>>, %arg10: memref<10240xf32, #tpu.memory_space<vmem>>, %arg11: memref<10112x128xf32, #tpu.memory_space<vmem_shared>>, %arg12: memref<!tpu.dma_semaphore, #tpu.memory_space<semaphore_mem>>, %arg13: memref<!tpu.dma_semaphore, #tpu.memory_space<semaphore_mem>>, %arg14: memref<!tpu.dma_semaphore, #tpu.memory_space<semaphore_mem>>, %arg15: memref<!tpu.dma_semaphore, #tpu.memory_space<semaphore_mem>>) attributes {dimension_semantics = [#tpu.dimension_semantics<core_parallel>, #tpu.dimension_semantics<subcore_parallel>], iteration_bounds = array<i64: 2, 16>, scalar_prefetch = 0 : i64, scratch_operands = 10 : i64, tpu.core_type = #tpu.core_type<sc_vector_subcore>, window_params = [{transform_indices = #map}, {transform_indices = #map1}, {transform_indices = #map2}, {transform_indices = #map2}]} {
    %mul3A = arith.constant 2 : i32
    %mul3A_0 = arith.muli %arg1, %mul3A : i32
    %add3A = arith.addi %mul3A_0, %arg0 : i32
    %mul3A_1 = arith.constant 632 : i32
    %mul3A_2 = arith.muli %arg1, %mul3A_1 : i32
    %scan3A = arith.constant 0 : i32
    %scan3A_3 = arith.constant 0 : i32
    %scan3A_4 = arith.constant 80 : i32
    %scan3A_5 = arith.addi %scan3A_3, %scan3A_4 : i32
    %scan3A_6 = arith.constant 1 : i32
    scf.for %scan3A_298 = %scan3A_3 to %scan3A_5 step %scan3A_6  : i32 {
      %broadcast_in_dim3A_299 = arith.constant 0.000000e+00 : f32
      %broadcast_in_dim3A_300 = vector.broadcast %broadcast_in_dim3A_299 : f32 to vector<16xf32>
      %swap3A = arith.index_cast %scan3A_298 : i32 to index
      %swap3A_301 = arith.constant 0 : index
      %swap3A_302 = tpu.vector_load %arg8[%swap3A, %swap3A_301] {strides = array<i32>} : memref<80x128xf32, #tpu.memory_space<vmem>>, vector<16xf32>,
      tpu.vector_store %arg8[%swap3A, %swap3A_301], %broadcast_in_dim3A_300 {strides = array<i32>} : memref<80x128xf32, #tpu.memory_space<vmem>>, vector<16xf32>,
      %broadcast_in_dim3A_303 = arith.constant 0.000000e+00 : f32
      %broadcast_in_dim3A_304 = vector.broadcast %broadcast_in_dim3A_303 : f32 to vector<16xf32>
      %swap3A_305 = arith.index_cast %scan3A_298 : i32 to index
      %swap3A_306 = arith.constant 16 : index
      %swap3A_307 = tpu.vector_load %arg8[%swap3A_305, %swap3A_306] {strides = array<i32>} : memref<80x128xf32, #tpu.memory_space<vmem>>, vector<16xf32>,
      tpu.vector_store %arg8[%swap3A_305, %swap3A_306], %broadcast_in_dim3A_304 {strides = array<i32>} : memref<80x128xf32, #tpu.memory_space<vmem>>, vector<16xf32>,
      %broadcast_in_dim3A_308 = arith.constant 0.000000e+00 : f32
      %broadcast_in_dim3A_309 = vector.broadcast %broadcast_in_dim3A_308 : f32 to vector<16xf32>
      %swap3A_310 = arith.index_cast %scan3A_298 : i32 to index
      %swap3A_311 = arith.constant 32 : index
      %swap3A_312 = tpu.vector_load %arg8[%swap3A_310, %swap3A_311] {strides = array<i32>} : memref<80x128xf32, #tpu.memory_space<vmem>>, vector<16xf32>,
      tpu.vector_store %arg8[%swap3A_310, %swap3A_311], %broadcast_in_dim3A_309 {strides = array<i32>} : memref<80x128xf32, #tpu.memory_space<vmem>>, vector<16xf32>,
      %broadcast_in_dim3A_313 = arith.constant 0.000000e+00 : f32
      %broadcast_in_dim3A_314 = vector.broadcast %broadcast_in_dim3A_313 : f32 to vector<16xf32>
      %swap3A_315 = arith.index_cast %scan3A_298 : i32 to index
      %swap3A_316 = arith.constant 48 : index
      %swap3A_317 = tpu.vector_load %arg8[%swap3A_315, %swap3A_316] {strides = array<i32>} : memref<80x128xf32, #tpu.memory_space<vmem>>, vector<16xf32>,
      tpu.vector_store %arg8[%swap3A_315, %swap3A_316], %broadcast_in_dim3A_314 {strides = array<i32>} : memref<80x128xf32, #tpu.memory_space<vmem>>, vector<16xf32>,
      %broadcast_in_dim3A_318 = arith.constant 0.000000e+00 : f32
      %broadcast_in_dim3A_319 = vector.broadcast %broadcast_in_dim3A_318 : f32 to vector<16xf32>
      %swap3A_320 = arith.index_cast %scan3A_298 : i32 to index
      %swap3A_321 = arith.constant 64 : index
      %swap3A_322 = tpu.vector_load %arg8[%swap3A_320, %swap3A_321] {strides = array<i32>} : memref<80x128xf32, #tpu.memory_space<vmem>>, vector<16xf32>,
      tpu.vector_store %arg8[%swap3A_320, %swap3A_321], %broadcast_in_dim3A_319 {strides = array<i32>} : memref<80x128xf32, #tpu.memory_space<vmem>>, vector<16xf32>,
      %broadcast_in_dim3A_323 = arith.constant 0.000000e+00 : f32
      %broadcast_in_dim3A_324 = vector.broadcast %broadcast_in_dim3A_323 : f32 to vector<16xf32>
      %swap3A_325 = arith.index_cast %scan3A_298 : i32 to index
      %swap3A_326 = arith.constant 80 : index
      %swap3A_327 = tpu.vector_load %arg8[%swap3A_325, %swap3A_326] {strides = array<i32>} : memref<80x128xf32, #tpu.memory_space<vmem>>, vector<16xf32>,
      tpu.vector_store %arg8[%swap3A_325, %swap3A_326], %broadcast_in_dim3A_324 {strides = array<i32>} : memref<80x128xf32, #tpu.memory_space<vmem>>, vector<16xf32>,
      %broadcast_in_dim3A_328 = arith.constant 0.000000e+00 : f32
      %broadcast_in_dim3A_329 = vector.broadcast %broadcast_in_dim3A_328 : f32 to vector<16xf32>
      %swap3A_330 = arith.index_cast %scan3A_298 : i32 to index
      %swap3A_331 = arith.constant 96 : index
      %swap3A_332 = tpu.vector_load %arg8[%swap3A_330, %swap3A_331] {strides = array<i32>} : memref<80x128xf32, #tpu.memory_space<vmem>>, vector<16xf32>,
      tpu.vector_store %arg8[%swap3A_330, %swap3A_331], %broadcast_in_dim3A_329 {strides = array<i32>} : memref<80x128xf32, #tpu.memory_space<vmem>>, vector<16xf32>,
      %broadcast_in_dim3A_333 = arith.constant 0.000000e+00 : f32
      %broadcast_in_dim3A_334 = vector.broadcast %broadcast_in_dim3A_333 : f32 to vector<16xf32>
      %swap3A_335 = arith.index_cast %scan3A_298 : i32 to index
      %swap3A_336 = arith.constant 112 : index
      %swap3A_337 = tpu.vector_load %arg8[%swap3A_335, %swap3A_336] {strides = array<i32>} : memref<80x128xf32, #tpu.memory_space<vmem>>, vector<16xf32>,
      tpu.vector_store %arg8[%swap3A_335, %swap3A_336], %broadcast_in_dim3A_334 {strides = array<i32>} : memref<80x128xf32, #tpu.memory_space<vmem>>, vector<16xf32>,
    }
    %scan3A_7 = arith.constant 80 : i32
    %add3A_8 = arith.constant 0 : i32
    %add3A_9 = arith.addi %mul3A_2, %add3A_8 : i32
    %dma_start3A = arith.constant 0 : i32
    %dma_start3A_10 = tpu.memref_slice %arg11[%add3A_9, %dma_start3A] : memref<10112x128xf32, #tpu.memory_space<vmem_shared>> -> memref<80x128xf32, #tpu.memory_space<vmem_shared>>
    %dma_start3A_11 = arith.constant 0 : i32
    %dma_start3A_12 = tpu.memref_slice %arg11[%add3A_9, %dma_start3A_11] : memref<10112x128xf32, #tpu.memory_space<vmem_shared>> -> memref<80x128xf32, #tpu.memory_space<vmem_shared>>
    tpu.enqueue_dma source(%arg8 : memref<80x128xf32, #tpu.memory_space<vmem>>) target(%dma_start3A_12 : memref<80x128xf32, #tpu.memory_space<vmem_shared>>) target_semaphore(%arg14 : memref<!tpu.dma_semaphore, #tpu.memory_space<semaphore_mem>>)
    %add3A_13 = arith.constant 80 : i32
    %add3A_14 = arith.addi %mul3A_2, %add3A_13 : i32
    %dma_start3A_15 = arith.constant 0 : i32
    %dma_start3A_16 = tpu.memref_slice %arg11[%add3A_14, %dma_start3A_15] : memref<10112x128xf32, #tpu.memory_space<vmem_shared>> -> memref<80x128xf32, #tpu.memory_space<vmem_shared>>
    %dma_start3A_17 = arith.constant 0 : i32
    %dma_start3A_18 = tpu.memref_slice %arg11[%add3A_14, %dma_start3A_17] : memref<10112x128xf32, #tpu.memory_space<vmem_shared>> -> memref<80x128xf32, #tpu.memory_space<vmem_shared>>
    tpu.enqueue_dma source(%arg8 : memref<80x128xf32, #tpu.memory_space<vmem>>) target(%dma_start3A_18 : memref<80x128xf32, #tpu.memory_space<vmem_shared>>) target_semaphore(%arg14 : memref<!tpu.dma_semaphore, #tpu.memory_space<semaphore_mem>>)
    %add3A_19 = arith.constant 160 : i32
    %add3A_20 = arith.addi %mul3A_2, %add3A_19 : i32
    %dma_start3A_21 = arith.constant 0 : i32
    %dma_start3A_22 = tpu.memref_slice %arg11[%add3A_20, %dma_start3A_21] : memref<10112x128xf32, #tpu.memory_space<vmem_shared>> -> memref<80x128xf32, #tpu.memory_space<vmem_shared>>
    %dma_start3A_23 = arith.constant 0 : i32
    %dma_start3A_24 = tpu.memref_slice %arg11[%add3A_20, %dma_start3A_23] : memref<10112x128xf32, #tpu.memory_space<vmem_shared>> -> memref<80x128xf32, #tpu.memory_space<vmem_shared>>
    tpu.enqueue_dma source(%arg8 : memref<80x128xf32, #tpu.memory_space<vmem>>) target(%dma_start3A_24 : memref<80x128xf32, #tpu.memory_space<vmem_shared>>) target_semaphore(%arg14 : memref<!tpu.dma_semaphore, #tpu.memory_space<semaphore_mem>>)
    %add3A_25 = arith.constant 240 : i32
    %add3A_26 = arith.addi %mul3A_2, %add3A_25 : i32
    %dma_start3A_27 = arith.constant 0 : i32
    %dma_start3A_28 = tpu.memref_slice %arg11[%add3A_26, %dma_start3A_27] : memref<10112x128xf32, #tpu.memory_space<vmem_shared>> -> memref<80x128xf32, #tpu.memory_space<vmem_shared>>
    %dma_start3A_29 = arith.constant 0 : i32
    %dma_start3A_30 = tpu.memref_slice %arg11[%add3A_26, %dma_start3A_29] : memref<10112x128xf32, #tpu.memory_space<vmem_shared>> -> memref<80x128xf32, #tpu.memory_space<vmem_shared>>
    tpu.enqueue_dma source(%arg8 : memref<80x128xf32, #tpu.memory_space<vmem>>) target(%dma_start3A_30 : memref<80x128xf32, #tpu.memory_space<vmem_shared>>) target_semaphore(%arg14 : memref<!tpu.dma_semaphore, #tpu.memory_space<semaphore_mem>>)
    %add3A_31 = arith.constant 320 : i32
    %add3A_32 = arith.addi %mul3A_2, %add3A_31 : i32
    %dma_start3A_33 = arith.constant 0 : i32
    %dma_start3A_34 = tpu.memref_slice %arg11[%add3A_32, %dma_start3A_33] : memref<10112x128xf32, #tpu.memory_space<vmem_shared>> -> memref<80x128xf32, #tpu.memory_space<vmem_shared>>
    %dma_start3A_35 = arith.constant 0 : i32
    %dma_start3A_36 = tpu.memref_slice %arg11[%add3A_32, %dma_start3A_35] : memref<10112x128xf32, #tpu.memory_space<vmem_shared>> -> memref<80x128xf32, #tpu.memory_space<vmem_shared>>
    tpu.enqueue_dma source(%arg8 : memref<80x128xf32, #tpu.memory_space<vmem>>) target(%dma_start3A_36 : memref<80x128xf32, #tpu.memory_space<vmem_shared>>) target_semaphore(%arg14 : memref<!tpu.dma_semaphore, #tpu.memory_space<semaphore_mem>>)
    %add3A_37 = arith.constant 400 : i32
    %add3A_38 = arith.addi %mul3A_2, %add3A_37 : i32
    %dma_start3A_39 = arith.constant 0 : i32
    %dma_start3A_40 = tpu.memref_slice %arg11[%add3A_38, %dma_start3A_39] : memref<10112x128xf32, #tpu.memory_space<vmem_shared>> -> memref<80x128xf32, #tpu.memory_space<vmem_shared>>
    %dma_start3A_41 = arith.constant 0 : i32
    %dma_start3A_42 = tpu.memref_slice %arg11[%add3A_38, %dma_start3A_41] : memref<10112x128xf32, #tpu.memory_space<vmem_shared>> -> memref<80x128xf32, #tpu.memory_space<vmem_shared>>
    tpu.enqueue_dma source(%arg8 : memref<80x128xf32, #tpu.memory_space<vmem>>) target(%dma_start3A_42 : memref<80x128xf32, #tpu.memory_space<vmem_shared>>) target_semaphore(%arg14 : memref<!tpu.dma_semaphore, #tpu.memory_space<semaphore_mem>>)
    %add3A_43 = arith.constant 480 : i32
    %add3A_44 = arith.addi %mul3A_2, %add3A_43 : i32
    %dma_start3A_45 = arith.constant 0 : i32
    %dma_start3A_46 = tpu.memref_slice %arg11[%add3A_44, %dma_start3A_45] : memref<10112x128xf32, #tpu.memory_space<vmem_shared>> -> memref<80x128xf32, #tpu.memory_space<vmem_shared>>
    %dma_start3A_47 = arith.constant 0 : i32
    %dma_start3A_48 = tpu.memref_slice %arg11[%add3A_44, %dma_start3A_47] : memref<10112x128xf32, #tpu.memory_space<vmem_shared>> -> memref<80x128xf32, #tpu.memory_space<vmem_shared>>
    tpu.enqueue_dma source(%arg8 : memref<80x128xf32, #tpu.memory_space<vmem>>) target(%dma_start3A_48 : memref<80x128xf32, #tpu.memory_space<vmem_shared>>) target_semaphore(%arg14 : memref<!tpu.dma_semaphore, #tpu.memory_space<semaphore_mem>>)
    %add3A_49 = arith.constant 560 : i32
    %add3A_50 = arith.addi %mul3A_2, %add3A_49 : i32
    %dma_start3A_51 = arith.constant 0 : i32
    %dma_start3A_52 = arith.constant 0 : i32
    %dma_start3A_53 = tpu.memref_slice %arg8[%dma_start3A_51, %dma_start3A_52] : memref<80x128xf32, #tpu.memory_space<vmem>> -> memref<72x128xf32, #tpu.memory_space<vmem>>
    %dma_start3A_54 = arith.constant 0 : i32
    %dma_start3A_55 = tpu.memref_slice %arg11[%add3A_50, %dma_start3A_54] : memref<10112x128xf32, #tpu.memory_space<vmem_shared>> -> memref<72x128xf32, #tpu.memory_space<vmem_shared>>
    %dma_start3A_56 = arith.constant 0 : i32
    %dma_start3A_57 = tpu.memref_slice %arg11[%add3A_50, %dma_start3A_56] : memref<10112x128xf32, #tpu.memory_space<vmem_shared>> -> memref<72x128xf32, #tpu.memory_space<vmem_shared>>
    %dma_start3A_58 = arith.constant 0 : i32
    %dma_start3A_59 = arith.constant 0 : i32
    %dma_start3A_60 = tpu.memref_slice %arg8[%dma_start3A_58, %dma_start3A_59] : memref<80x128xf32, #tpu.memory_space<vmem>> -> memref<72x128xf32, #tpu.memory_space<vmem>>
    tpu.enqueue_dma source(%dma_start3A_60 : memref<72x128xf32, #tpu.memory_space<vmem>>) target(%dma_start3A_57 : memref<72x128xf32, #tpu.memory_space<vmem_shared>>) target_semaphore(%arg14 : memref<!tpu.dma_semaphore, #tpu.memory_space<semaphore_mem>>)
    %scan3A_61 = arith.constant 0 : i32
    %scan3A_62 = arith.constant 0 : i32
    %scan3A_63 = arith.constant 640 : i32
    %scan3A_64 = arith.addi %scan3A_62, %scan3A_63 : i32
    %scan3A_65 = arith.constant 1 : i32
    scf.for %scan3A_298 = %scan3A_62 to %scan3A_64 step %scan3A_65  : i32 {
      %broadcast_in_dim3A_299 = arith.constant 0.000000e+00 : f32
      %broadcast_in_dim3A_300 = vector.broadcast %broadcast_in_dim3A_299 : f32 to vector<16xf32>
      %mul3A_301 = arith.constant 16 : i32
      %mul3A_302 = arith.muli %scan3A_298, %mul3A_301 : i32
      %swap3A = arith.index_cast %mul3A_302 : i32 to index
      %swap3A_303 = tpu.vector_load %arg10[%swap3A] {strides = array<i32>} : memref<10240xf32, #tpu.memory_space<vmem>>, vector<16xf32>,
      tpu.vector_store %arg10[%swap3A], %broadcast_in_dim3A_300 {strides = array<i32>} : memref<10240xf32, #tpu.memory_space<vmem>>, vector<16xf32>,
    }
    %scan3A_66 = arith.constant 640 : i32
    %dma_wait3A = arith.constant 0 : i32
    %dma_wait3A_67 = tpu.memref_slice %arg11[%add3A_9, %dma_wait3A] : memref<10112x128xf32, #tpu.memory_space<vmem_shared>> -> memref<80x128xf32, #tpu.memory_space<vmem_shared>>
    %dma_wait3A_68 = arith.constant 0 : i32
    %dma_wait3A_69 = tpu.memref_slice %arg11[%add3A_9, %dma_wait3A_68] : memref<10112x128xf32, #tpu.memory_space<vmem_shared>> -> memref<80x128xf32, #tpu.memory_space<vmem_shared>>
    tpu.wait_dma2 semaphore(%arg14 : memref<!tpu.dma_semaphore, #tpu.memory_space<semaphore_mem>>) src(%arg8 : memref<80x128xf32, #tpu.memory_space<vmem>>) dst(%dma_wait3A_69 : memref<80x128xf32, #tpu.memory_space<vmem_shared>>)
    %dma_wait3A_70 = arith.constant 0 : i32
    %dma_wait3A_71 = tpu.memref_slice %arg11[%add3A_14, %dma_wait3A_70] : memref<10112x128xf32, #tpu.memory_space<vmem_shared>> -> memref<80x128xf32, #tpu.memory_space<vmem_shared>>
    %dma_wait3A_72 = arith.constant 0 : i32
    %dma_wait3A_73 = tpu.memref_slice %arg11[%add3A_14, %dma_wait3A_72] : memref<10112x128xf32, #tpu.memory_space<vmem_shared>> -> memref<80x128xf32, #tpu.memory_space<vmem_shared>>
    tpu.wait_dma2 semaphore(%arg14 : memref<!tpu.dma_semaphore, #tpu.memory_space<semaphore_mem>>) src(%arg8 : memref<80x128xf32, #tpu.memory_space<vmem>>) dst(%dma_wait3A_73 : memref<80x128xf32, #tpu.memory_space<vmem_shared>>)
    %dma_wait3A_74 = arith.constant 0 : i32
    %dma_wait3A_75 = tpu.memref_slice %arg11[%add3A_20, %dma_wait3A_74] : memref<10112x128xf32, #tpu.memory_space<vmem_shared>> -> memref<80x128xf32, #tpu.memory_space<vmem_shared>>
    %dma_wait3A_76 = arith.constant 0 : i32
    %dma_wait3A_77 = tpu.memref_slice %arg11[%add3A_20, %dma_wait3A_76] : memref<10112x128xf32, #tpu.memory_space<vmem_shared>> -> memref<80x128xf32, #tpu.memory_space<vmem_shared>>
    tpu.wait_dma2 semaphore(%arg14 : memref<!tpu.dma_semaphore, #tpu.memory_space<semaphore_mem>>) src(%arg8 : memref<80x128xf32, #tpu.memory_space<vmem>>) dst(%dma_wait3A_77 : memref<80x128xf32, #tpu.memory_space<vmem_shared>>)
    %dma_wait3A_78 = arith.constant 0 : i32
    %dma_wait3A_79 = tpu.memref_slice %arg11[%add3A_26, %dma_wait3A_78] : memref<10112x128xf32, #tpu.memory_space<vmem_shared>> -> memref<80x128xf32, #tpu.memory_space<vmem_shared>>
    %dma_wait3A_80 = arith.constant 0 : i32
    %dma_wait3A_81 = tpu.memref_slice %arg11[%add3A_26, %dma_wait3A_80] : memref<10112x128xf32, #tpu.memory_space<vmem_shared>> -> memref<80x128xf32, #tpu.memory_space<vmem_shared>>
    tpu.wait_dma2 semaphore(%arg14 : memref<!tpu.dma_semaphore, #tpu.memory_space<semaphore_mem>>) src(%arg8 : memref<80x128xf32, #tpu.memory_space<vmem>>) dst(%dma_wait3A_81 : memref<80x128xf32, #tpu.memory_space<vmem_shared>>)
    %dma_wait3A_82 = arith.constant 0 : i32
    %dma_wait3A_83 = tpu.memref_slice %arg11[%add3A_32, %dma_wait3A_82] : memref<10112x128xf32, #tpu.memory_space<vmem_shared>> -> memref<80x128xf32, #tpu.memory_space<vmem_shared>>
    %dma_wait3A_84 = arith.constant 0 : i32
    %dma_wait3A_85 = tpu.memref_slice %arg11[%add3A_32, %dma_wait3A_84] : memref<10112x128xf32, #tpu.memory_space<vmem_shared>> -> memref<80x128xf32, #tpu.memory_space<vmem_shared>>
    tpu.wait_dma2 semaphore(%arg14 : memref<!tpu.dma_semaphore, #tpu.memory_space<semaphore_mem>>) src(%arg8 : memref<80x128xf32, #tpu.memory_space<vmem>>) dst(%dma_wait3A_85 : memref<80x128xf32, #tpu.memory_space<vmem_shared>>)
    %dma_wait3A_86 = arith.constant 0 : i32
    %dma_wait3A_87 = tpu.memref_slice %arg11[%add3A_38, %dma_wait3A_86] : memref<10112x128xf32, #tpu.memory_space<vmem_shared>> -> memref<80x128xf32, #tpu.memory_space<vmem_shared>>
    %dma_wait3A_88 = arith.constant 0 : i32
    %dma_wait3A_89 = tpu.memref_slice %arg11[%add3A_38, %dma_wait3A_88] : memref<10112x128xf32, #tpu.memory_space<vmem_shared>> -> memref<80x128xf32, #tpu.memory_space<vmem_shared>>
    tpu.wait_dma2 semaphore(%arg14 : memref<!tpu.dma_semaphore, #tpu.memory_space<semaphore_mem>>) src(%arg8 : memref<80x128xf32, #tpu.memory_space<vmem>>) dst(%dma_wait3A_89 : memref<80x128xf32, #tpu.memory_space<vmem_shared>>)
    %dma_wait3A_90 = arith.constant 0 : i32
    %dma_wait3A_91 = tpu.memref_slice %arg11[%add3A_44, %dma_wait3A_90] : memref<10112x128xf32, #tpu.memory_space<vmem_shared>> -> memref<80x128xf32, #tpu.memory_space<vmem_shared>>
    %dma_wait3A_92 = arith.constant 0 : i32
    %dma_wait3A_93 = tpu.memref_slice %arg11[%add3A_44, %dma_wait3A_92] : memref<10112x128xf32, #tpu.memory_space<vmem_shared>> -> memref<80x128xf32, #tpu.memory_space<vmem_shared>>
    tpu.wait_dma2 semaphore(%arg14 : memref<!tpu.dma_semaphore, #tpu.memory_space<semaphore_mem>>) src(%arg8 : memref<80x128xf32, #tpu.memory_space<vmem>>) dst(%dma_wait3A_93 : memref<80x128xf32, #tpu.memory_space<vmem_shared>>)
    %dma_wait3A_94 = arith.constant 0 : i32
    %dma_wait3A_95 = arith.constant 0 : i32
    %dma_wait3A_96 = tpu.memref_slice %arg8[%dma_wait3A_94, %dma_wait3A_95] : memref<80x128xf32, #tpu.memory_space<vmem>> -> memref<72x128xf32, #tpu.memory_space<vmem>>
    %dma_wait3A_97 = arith.constant 0 : i32
    %dma_wait3A_98 = tpu.memref_slice %arg11[%add3A_50, %dma_wait3A_97] : memref<10112x128xf32, #tpu.memory_space<vmem_shared>> -> memref<72x128xf32, #tpu.memory_space<vmem_shared>>
    %dma_wait3A_99 = arith.constant 0 : i32
    %dma_wait3A_100 = tpu.memref_slice %arg11[%add3A_50, %dma_wait3A_99] : memref<10112x128xf32, #tpu.memory_space<vmem_shared>> -> memref<72x128xf32, #tpu.memory_space<vmem_shared>>
    %dma_wait3A_101 = arith.constant 0 : i32
    %dma_wait3A_102 = arith.constant 0 : i32
    %dma_wait3A_103 = tpu.memref_slice %arg8[%dma_wait3A_101, %dma_wait3A_102] : memref<80x128xf32, #tpu.memory_space<vmem>> -> memref<72x128xf32, #tpu.memory_space<vmem>>
    tpu.wait_dma2 semaphore(%arg14 : memref<!tpu.dma_semaphore, #tpu.memory_space<semaphore_mem>>) src(%dma_wait3A_103 : memref<72x128xf32, #tpu.memory_space<vmem>>) dst(%dma_wait3A_100 : memref<72x128xf32, #tpu.memory_space<vmem_shared>>)
    %barrier3A = arith.constant 0 : index
    tpu.barrier barrier_id(%barrier3A)
    %broadcast_in_dim3A = arith.constant 1.000000e+00 : f32
    %broadcast_in_dim3A_104 = vector.broadcast %broadcast_in_dim3A : f32 to vector<16xf32>
    %scan3A_105 = arith.constant 0 : i32
    %scan3A_106 = arith.constant 0 : i32
    %scan3A_107 = arith.constant 5 : i32
    %scan3A_108 = arith.addi %scan3A_106, %scan3A_107 : i32
    %scan3A_109 = arith.constant 1 : i32
    scf.for %scan3A_298 = %scan3A_106 to %scan3A_108 step %scan3A_109  : i32 {
      %dma_start3A_299 = arith.constant 0 : i32
      %dma_start3A_300 = arith.constant 0 : i32
      %dma_start3A_301 = arith.constant 0 : i32
      %dma_start3A_302 = tpu.memref_slice %arg3[%dma_start3A_299, %add3A, %scan3A_298, %dma_start3A_300, %dma_start3A_301] : memref<2x32x5x25x80xi32, #tpu.memory_space<hbm>> -> memref<1x1x1x25x80xi32, #tpu.memory_space<hbm>>
      %dma_start3A_303 = tpu.memref_squeeze %dma_start3A_302 : memref<1x1x1x25x80xi32, #tpu.memory_space<hbm>> -> memref<25x80xi32, #tpu.memory_space<hbm>>
      %dma_start3A_304 = arith.constant 0 : i32
      %dma_start3A_305 = arith.constant 0 : i32
      %dma_start3A_306 = tpu.memref_slice %arg3[%dma_start3A_299, %add3A, %scan3A_298, %dma_start3A_304, %dma_start3A_305] : memref<2x32x5x25x80xi32, #tpu.memory_space<hbm>> -> memref<1x1x1x25x80xi32, #tpu.memory_space<hbm>>
      %dma_start3A_307 = tpu.memref_squeeze %dma_start3A_306 : memref<1x1x1x25x80xi32, #tpu.memory_space<hbm>> -> memref<25x80xi32, #tpu.memory_space<hbm>>
      tpu.enqueue_dma source(%dma_start3A_307 : memref<25x80xi32, #tpu.memory_space<hbm>>) target(%arg6 : memref<25x80xi32, #tpu.memory_space<vmem>>) target_semaphore(%arg15 : memref<!tpu.dma_semaphore, #tpu.memory_space<semaphore_mem>>)
      %dma_start3A_308 = arith.constant 1 : i32
      %dma_start3A_309 = arith.constant 0 : i32
      %dma_start3A_310 = arith.constant 0 : i32
      %dma_start3A_311 = tpu.memref_slice %arg3[%dma_start3A_308, %add3A, %scan3A_298, %dma_start3A_309, %dma_start3A_310] : memref<2x32x5x25x80xi32, #tpu.memory_space<hbm>> -> memref<1x1x1x25x80xi32, #tpu.memory_space<hbm>>
      %dma_start3A_312 = tpu.memref_squeeze %dma_start3A_311 : memref<1x1x1x25x80xi32, #tpu.memory_space<hbm>> -> memref<25x80xi32, #tpu.memory_space<hbm>>
      %dma_start3A_313 = arith.constant 0 : i32
      %dma_start3A_314 = arith.constant 0 : i32
      %dma_start3A_315 = tpu.memref_slice %arg3[%dma_start3A_308, %add3A, %scan3A_298, %dma_start3A_313, %dma_start3A_314] : memref<2x32x5x25x80xi32, #tpu.memory_space<hbm>> -> memref<1x1x1x25x80xi32, #tpu.memory_space<hbm>>
      %dma_start3A_316 = tpu.memref_squeeze %dma_start3A_315 : memref<1x1x1x25x80xi32, #tpu.memory_space<hbm>> -> memref<25x80xi32, #tpu.memory_space<hbm>>
      tpu.enqueue_dma source(%dma_start3A_316 : memref<25x80xi32, #tpu.memory_space<hbm>>) target(%arg7 : memref<25x80xi32, #tpu.memory_space<vmem>>) target_semaphore(%arg15 : memref<!tpu.dma_semaphore, #tpu.memory_space<semaphore_mem>>)
      %dma_wait3A_317 = arith.constant 0 : i32
      %dma_wait3A_318 = arith.constant 0 : i32
      %dma_wait3A_319 = arith.constant 0 : i32
      %dma_wait3A_320 = tpu.memref_slice %arg3[%dma_wait3A_317, %add3A, %scan3A_298, %dma_wait3A_318, %dma_wait3A_319] : memref<2x32x5x25x80xi32, #tpu.memory_space<hbm>> -> memref<1x1x1x25x80xi32, #tpu.memory_space<hbm>>
      %dma_wait3A_321 = tpu.memref_squeeze %dma_wait3A_320 : memref<1x1x1x25x80xi32, #tpu.memory_space<hbm>> -> memref<25x80xi32, #tpu.memory_space<hbm>>
      %dma_wait3A_322 = arith.constant 0 : i32
      %dma_wait3A_323 = arith.constant 0 : i32
      %dma_wait3A_324 = tpu.memref_slice %arg3[%dma_wait3A_317, %add3A, %scan3A_298, %dma_wait3A_322, %dma_wait3A_323] : memref<2x32x5x25x80xi32, #tpu.memory_space<hbm>> -> memref<1x1x1x25x80xi32, #tpu.memory_space<hbm>>
      %dma_wait3A_325 = tpu.memref_squeeze %dma_wait3A_324 : memref<1x1x1x25x80xi32, #tpu.memory_space<hbm>> -> memref<25x80xi32, #tpu.memory_space<hbm>>
      tpu.wait_dma2 semaphore(%arg15 : memref<!tpu.dma_semaphore, #tpu.memory_space<semaphore_mem>>) src(%dma_wait3A_325 : memref<25x80xi32, #tpu.memory_space<hbm>>) dst(%arg6 : memref<25x80xi32, #tpu.memory_space<vmem>>)
      %dma_wait3A_326 = arith.constant 1 : i32
      %dma_wait3A_327 = arith.constant 0 : i32
      %dma_wait3A_328 = arith.constant 0 : i32
      %dma_wait3A_329 = tpu.memref_slice %arg3[%dma_wait3A_326, %add3A, %scan3A_298, %dma_wait3A_327, %dma_wait3A_328] : memref<2x32x5x25x80xi32, #tpu.memory_space<hbm>> -> memref<1x1x1x25x80xi32, #tpu.memory_space<hbm>>
      %dma_wait3A_330 = tpu.memref_squeeze %dma_wait3A_329 : memref<1x1x1x25x80xi32, #tpu.memory_space<hbm>> -> memref<25x80xi32, #tpu.memory_space<hbm>>
      %dma_wait3A_331 = arith.constant 0 : i32
      %dma_wait3A_332 = arith.constant 0 : i32
      %dma_wait3A_333 = tpu.memref_slice %arg3[%dma_wait3A_326, %add3A, %scan3A_298, %dma_wait3A_331, %dma_wait3A_332] : memref<2x32x5x25x80xi32, #tpu.memory_space<hbm>> -> memref<1x1x1x25x80xi32, #tpu.memory_space<hbm>>
      %dma_wait3A_334 = tpu.memref_squeeze %dma_wait3A_333 : memref<1x1x1x25x80xi32, #tpu.memory_space<hbm>> -> memref<25x80xi32, #tpu.memory_space<hbm>>
      tpu.wait_dma2 semaphore(%arg15 : memref<!tpu.dma_semaphore, #tpu.memory_space<semaphore_mem>>) src(%dma_wait3A_334 : memref<25x80xi32, #tpu.memory_space<hbm>>) dst(%arg7 : memref<25x80xi32, #tpu.memory_space<vmem>>)
      %dma_start3A_335 = arith.constant 0 : i32
      %dma_start3A_336 = arith.constant 0 : i32
      %dma_start3A_337 = tpu.memref_slice %arg6[%dma_start3A_335, %dma_start3A_336] : memref<25x80xi32, #tpu.memory_space<vmem>> -> memref<1x80xi32, #tpu.memory_space<vmem>>
      %dma_start3A_338 = tpu.memref_squeeze %dma_start3A_337 : memref<1x80xi32, #tpu.memory_space<vmem>> -> memref<80xi32, #tpu.memory_space<vmem>>
      %dma_start3A_339 = arith.constant 0 : i32
      %dma_start3A_340 = arith.constant 0 : i32
      %dma_start3A_341 = tpu.memref_slice %arg2[%dma_start3A_339, %dma_start3A_340] : memref<10000x128xf32, #tpu.memory_space<hbm>> -> memref<10000x128xf32, #tpu.memory_space<hbm>>
      tpu.enqueue_indirect_dma source(%dma_start3A_341 : memref<10000x128xf32, #tpu.memory_space<hbm>>) target(%arg8 : memref<80x128xf32, #tpu.memory_space<vmem>>) offsets(%dma_start3A_338 : memref<80xi32, #tpu.memory_space<vmem>>) semaphore(%arg12 : memref<!tpu.dma_semaphore, #tpu.memory_space<semaphore_mem>>)
      %scan3A_342 = arith.constant 0 : i32
      %scan3A_343 = arith.constant 12 : i32
      %scan3A_344 = arith.addi %scan3A_342, %scan3A_343 : i32
      %scan3A_345 = arith.constant 1 : i32
      scf.for %scan3A_373 = %scan3A_342 to %scan3A_344 step %scan3A_345  : i32 {
        %mul3A_374 = arith.constant 2 : i32
        %mul3A_375 = arith.muli %mul3A_374, %scan3A_373 : i32
        %add3A_376 = arith.constant 1 : i32
        %add3A_377 = arith.addi %mul3A_375, %add3A_376 : i32
        %dma_start3A_378 = arith.constant 0 : i32
        %dma_start3A_379 = tpu.memref_slice %arg6[%add3A_377, %dma_start3A_378] : memref<25x80xi32, #tpu.memory_space<vmem>> -> memref<1x80xi32, #tpu.memory_space<vmem>>
        %dma_start3A_380 = tpu.memref_squeeze %dma_start3A_379 : memref<1x80xi32, #tpu.memory_space<vmem>> -> memref<80xi32, #tpu.memory_space<vmem>>
        %dma_start3A_381 = arith.constant 0 : i32
        %dma_start3A_382 = arith.constant 0 : i32
        %dma_start3A_383 = tpu.memref_slice %arg2[%dma_start3A_381, %dma_start3A_382] : memref<10000x128xf32, #tpu.memory_space<hbm>> -> memref<10000x128xf32, #tpu.memory_space<hbm>>
        tpu.enqueue_indirect_dma source(%dma_start3A_383 : memref<10000x128xf32, #tpu.memory_space<hbm>>) target(%arg9 : memref<80x128xf32, #tpu.memory_space<vmem>>) offsets(%dma_start3A_380 : memref<80xi32, #tpu.memory_space<vmem>>) semaphore(%arg13 : memref<!tpu.dma_semaphore, #tpu.memory_space<semaphore_mem>>)
        %get3A_384 = arith.index_cast %mul3A_375 : i32 to index
        %get3A_385 = arith.constant 0 : index
        %get3A_386 = tpu.vector_load %arg7[%get3A_384, %get3A_385] {strides = array<i32>} : memref<25x80xi32, #tpu.memory_space<vmem>>, vector<16xi32>,
        tpu.vector_store_idx %arg10[%get3A_386], %broadcast_in_dim3A_104 {add = true} : memref<10240xf32, #tpu.memory_space<vmem>>[vector<16xi32>], vector<16xf32>,
        %get3A_387 = arith.index_cast %mul3A_375 : i32 to index
        %get3A_388 = arith.constant 16 : index
        %get3A_389 = tpu.vector_load %arg7[%get3A_387, %get3A_388] {strides = array<i32>} : memref<25x80xi32, #tpu.memory_space<vmem>>, vector<16xi32>,
        tpu.vector_store_idx %arg10[%get3A_389], %broadcast_in_dim3A_104 {add = true} : memref<10240xf32, #tpu.memory_space<vmem>>[vector<16xi32>], vector<16xf32>,
        %get3A_390 = arith.index_cast %mul3A_375 : i32 to index
        %get3A_391 = arith.constant 32 : index
        %get3A_392 = tpu.vector_load %arg7[%get3A_390, %get3A_391] {strides = array<i32>} : memref<25x80xi32, #tpu.memory_space<vmem>>, vector<16xi32>,
        tpu.vector_store_idx %arg10[%get3A_392], %broadcast_in_dim3A_104 {add = true} : memref<10240xf32, #tpu.memory_space<vmem>>[vector<16xi32>], vector<16xf32>,
        %get3A_393 = arith.index_cast %mul3A_375 : i32 to index
        %get3A_394 = arith.constant 48 : index
        %get3A_395 = tpu.vector_load %arg7[%get3A_393, %get3A_394] {strides = array<i32>} : memref<25x80xi32, #tpu.memory_space<vmem>>, vector<16xi32>,
        tpu.vector_store_idx %arg10[%get3A_395], %broadcast_in_dim3A_104 {add = true} : memref<10240xf32, #tpu.memory_space<vmem>>[vector<16xi32>], vector<16xf32>,
        %get3A_396 = arith.index_cast %mul3A_375 : i32 to index
        %get3A_397 = arith.constant 64 : index
        %get3A_398 = tpu.vector_load %arg7[%get3A_396, %get3A_397] {strides = array<i32>} : memref<25x80xi32, #tpu.memory_space<vmem>>, vector<16xi32>,
        tpu.vector_store_idx %arg10[%get3A_398], %broadcast_in_dim3A_104 {add = true} : memref<10240xf32, #tpu.memory_space<vmem>>[vector<16xi32>], vector<16xf32>,
        %add3A_399 = arith.constant 1 : i32
        %add3A_400 = arith.addi %mul3A_375, %add3A_399 : i32
        %get3A_401 = arith.index_cast %add3A_400 : i32 to index
        %get3A_402 = arith.constant 0 : index
        %get3A_403 = tpu.vector_load %arg7[%get3A_401, %get3A_402] {strides = array<i32>} : memref<25x80xi32, #tpu.memory_space<vmem>>, vector<16xi32>,
        tpu.vector_store_idx %arg10[%get3A_403], %broadcast_in_dim3A_104 {add = true} : memref<10240xf32, #tpu.memory_space<vmem>>[vector<16xi32>], vector<16xf32>,
        %get3A_404 = arith.index_cast %add3A_400 : i32 to index
        %get3A_405 = arith.constant 16 : index
        %get3A_406 = tpu.vector_load %arg7[%get3A_404, %get3A_405] {strides = array<i32>} : memref<25x80xi32, #tpu.memory_space<vmem>>, vector<16xi32>,
        tpu.vector_store_idx %arg10[%get3A_406], %broadcast_in_dim3A_104 {add = true} : memref<10240xf32, #tpu.memory_space<vmem>>[vector<16xi32>], vector<16xf32>,
        %get3A_407 = arith.index_cast %add3A_400 : i32 to index
        %get3A_408 = arith.constant 32 : index
        %get3A_409 = tpu.vector_load %arg7[%get3A_407, %get3A_408] {strides = array<i32>} : memref<25x80xi32, #tpu.memory_space<vmem>>, vector<16xi32>,
        tpu.vector_store_idx %arg10[%get3A_409], %broadcast_in_dim3A_104 {add = true} : memref<10240xf32, #tpu.memory_space<vmem>>[vector<16xi32>], vector<16xf32>,
        %get3A_410 = arith.index_cast %add3A_400 : i32 to index
        %get3A_411 = arith.constant 48 : index
        %get3A_412 = tpu.vector_load %arg7[%get3A_410, %get3A_411] {strides = array<i32>} : memref<25x80xi32, #tpu.memory_space<vmem>>, vector<16xi32>,
        tpu.vector_store_idx %arg10[%get3A_412], %broadcast_in_dim3A_104 {add = true} : memref<10240xf32, #tpu.memory_space<vmem>>[vector<16xi32>], vector<16xf32>,
        %get3A_413 = arith.index_cast %add3A_400 : i32 to index
        %get3A_414 = arith.constant 64 : index
        %get3A_415 = tpu.vector_load %arg7[%get3A_413, %get3A_414] {strides = array<i32>} : memref<25x80xi32, #tpu.memory_space<vmem>>, vector<16xi32>,
        tpu.vector_store_idx %arg10[%get3A_415], %broadcast_in_dim3A_104 {add = true} : memref<10240xf32, #tpu.memory_space<vmem>>[vector<16xi32>], vector<16xf32>,
        %dma_wait3A_416 = arith.constant 0 : i32
        %dma_wait3A_417 = tpu.memref_slice %arg6[%mul3A_375, %dma_wait3A_416] : memref<25x80xi32, #tpu.memory_space<vmem>> -> memref<1x80xi32, #tpu.memory_space<vmem>>
        %dma_wait3A_418 = tpu.memref_squeeze %dma_wait3A_417 : memref<1x80xi32, #tpu.memory_space<vmem>> -> memref<80xi32, #tpu.memory_space<vmem>>
        %dma_wait3A_419 = arith.constant 0 : i32
        %dma_wait3A_420 = arith.constant 0 : i32
        %dma_wait3A_421 = tpu.memref_slice %arg2[%dma_wait3A_419, %dma_wait3A_420] : memref<10000x128xf32, #tpu.memory_space<hbm>> -> memref<10000x128xf32, #tpu.memory_space<hbm>>
        tpu.wait_indirect_dma semaphore(%arg12 : memref<!tpu.dma_semaphore, #tpu.memory_space<semaphore_mem>>) src(%dma_wait3A_421 : memref<10000x128xf32, #tpu.memory_space<hbm>>) dst(%arg8 : memref<80x128xf32, #tpu.memory_space<vmem>>)
        "tpu.region"() ({
          %run_scoped3A_440 = tpu.sem_alloc : memref<!tpu.dma_semaphore, #tpu.memory_space<semaphore_mem>>
          %dma_start3A_441 = arith.constant 0 : i32
          %dma_start3A_442 = tpu.memref_slice %arg7[%mul3A_375, %dma_start3A_441] : memref<25x80xi32, #tpu.memory_space<vmem>> -> memref<1x80xi32, #tpu.memory_space<vmem>>
          %dma_start3A_443 = tpu.memref_squeeze %dma_start3A_442 : memref<1x80xi32, #tpu.memory_space<vmem>> -> memref<80xi32, #tpu.memory_space<vmem>>
          %dma_start3A_444 = arith.constant 0 : i32
          %dma_start3A_445 = arith.constant 0 : i32
          %dma_start3A_446 = tpu.memref_slice %arg11[%dma_start3A_444, %dma_start3A_445] : memref<10112x128xf32, #tpu.memory_space<vmem_shared>> -> memref<10112x128xf32, #tpu.memory_space<vmem_shared>>
          tpu.enqueue_indirect_dma source(%arg8 : memref<80x128xf32, #tpu.memory_space<vmem>>) target(%dma_start3A_446 : memref<10112x128xf32, #tpu.memory_space<vmem_shared>>) offsets(%dma_start3A_443 : memref<80xi32, #tpu.memory_space<vmem>>) semaphore(%run_scoped3A_440 : memref<!tpu.dma_semaphore, #tpu.memory_space<semaphore_mem>>) {add = true}
          %dma_wait3A_447 = arith.constant 0 : i32
          %dma_wait3A_448 = tpu.memref_slice %arg7[%mul3A_375, %dma_wait3A_447] : memref<25x80xi32, #tpu.memory_space<vmem>> -> memref<1x80xi32, #tpu.memory_space<vmem>>
          %dma_wait3A_449 = tpu.memref_squeeze %dma_wait3A_448 : memref<1x80xi32, #tpu.memory_space<vmem>> -> memref<80xi32, #tpu.memory_space<vmem>>
          %dma_wait3A_450 = arith.constant 0 : i32
          %dma_wait3A_451 = arith.constant 0 : i32
          %dma_wait3A_452 = tpu.memref_slice %arg11[%dma_wait3A_450, %dma_wait3A_451] : memref<10112x128xf32, #tpu.memory_space<vmem_shared>> -> memref<10112x128xf32, #tpu.memory_space<vmem_shared>>
          tpu.wait_indirect_dma semaphore(%run_scoped3A_440 : memref<!tpu.dma_semaphore, #tpu.memory_space<semaphore_mem>>) src(%arg8 : memref<80x128xf32, #tpu.memory_space<vmem>>) dst(%dma_wait3A_452 : memref<10112x128xf32, #tpu.memory_space<vmem_shared>>)
          tpu.yield
        }) : () -> ()
        %add3A_422 = arith.constant 2 : i32
        %add3A_423 = arith.addi %mul3A_375, %add3A_422 : i32
        %dma_start3A_424 = arith.constant 0 : i32
        %dma_start3A_425 = tpu.memref_slice %arg6[%add3A_423, %dma_start3A_424] : memref<25x80xi32, #tpu.memory_space<vmem>> -> memref<1x80xi32, #tpu.memory_space<vmem>>
        %dma_start3A_426 = tpu.memref_squeeze %dma_start3A_425 : memref<1x80xi32, #tpu.memory_space<vmem>> -> memref<80xi32, #tpu.memory_space<vmem>>
        %dma_start3A_427 = arith.constant 0 : i32
        %dma_start3A_428 = arith.constant 0 : i32
        %dma_start3A_429 = tpu.memref_slice %arg2[%dma_start3A_427, %dma_start3A_428] : memref<10000x128xf32, #tpu.memory_space<hbm>> -> memref<10000x128xf32, #tpu.memory_space<hbm>>
        tpu.enqueue_indirect_dma source(%dma_start3A_429 : memref<10000x128xf32, #tpu.memory_space<hbm>>) target(%arg8 : memref<80x128xf32, #tpu.memory_space<vmem>>) offsets(%dma_start3A_426 : memref<80xi32, #tpu.memory_space<vmem>>) semaphore(%arg12 : memref<!tpu.dma_semaphore, #tpu.memory_space<semaphore_mem>>)
        %add3A_430 = arith.constant 1 : i32
        %add3A_431 = arith.addi %mul3A_375, %add3A_430 : i32
        %dma_wait3A_432 = arith.constant 0 : i32
        %dma_wait3A_433 = tpu.memref_slice %arg6[%add3A_431, %dma_wait3A_432] : memref<25x80xi32, #tpu.memory_space<vmem>> -> memref<1x80xi32, #tpu.memory_space<vmem>>
        %dma_wait3A_434 = tpu.memref_squeeze %dma_wait3A_433 : memref<1x80xi32, #tpu.memory_space<vmem>> -> memref<80xi32, #tpu.memory_space<vmem>>
        %dma_wait3A_435 = arith.constant 0 : i32
        %dma_wait3A_436 = arith.constant 0 : i32
        %dma_wait3A_437 = tpu.memref_slice %arg2[%dma_wait3A_435, %dma_wait3A_436] : memref<10000x128xf32, #tpu.memory_space<hbm>> -> memref<10000x128xf32, #tpu.memory_space<hbm>>
        tpu.wait_indirect_dma semaphore(%arg13 : memref<!tpu.dma_semaphore, #tpu.memory_space<semaphore_mem>>) src(%dma_wait3A_437 : memref<10000x128xf32, #tpu.memory_space<hbm>>) dst(%arg9 : memref<80x128xf32, #tpu.memory_space<vmem>>)
        %add3A_438 = arith.constant 1 : i32
        %add3A_439 = arith.addi %mul3A_375, %add3A_438 : i32
        "tpu.region"() ({
          %run_scoped3A_440 = tpu.sem_alloc : memref<!tpu.dma_semaphore, #tpu.memory_space<semaphore_mem>>
          %dma_start3A_441 = arith.constant 0 : i32
          %dma_start3A_442 = tpu.memref_slice %arg7[%add3A_439, %dma_start3A_441] : memref<25x80xi32, #tpu.memory_space<vmem>> -> memref<1x80xi32, #tpu.memory_space<vmem>>
          %dma_start3A_443 = tpu.memref_squeeze %dma_start3A_442 : memref<1x80xi32, #tpu.memory_space<vmem>> -> memref<80xi32, #tpu.memory_space<vmem>>
          %dma_start3A_444 = arith.constant 0 : i32
          %dma_start3A_445 = arith.constant 0 : i32
          %dma_start3A_446 = tpu.memref_slice %arg11[%dma_start3A_444, %dma_start3A_445] : memref<10112x128xf32, #tpu.memory_space<vmem_shared>> -> memref<10112x128xf32, #tpu.memory_space<vmem_shared>>
          tpu.enqueue_indirect_dma source(%arg9 : memref<80x128xf32, #tpu.memory_space<vmem>>) target(%dma_start3A_446 : memref<10112x128xf32, #tpu.memory_space<vmem_shared>>) offsets(%dma_start3A_443 : memref<80xi32, #tpu.memory_space<vmem>>) semaphore(%run_scoped3A_440 : memref<!tpu.dma_semaphore, #tpu.memory_space<semaphore_mem>>) {add = true}
          %dma_wait3A_447 = arith.constant 0 : i32
          %dma_wait3A_448 = tpu.memref_slice %arg7[%add3A_439, %dma_wait3A_447] : memref<25x80xi32, #tpu.memory_space<vmem>> -> memref<1x80xi32, #tpu.memory_space<vmem>>
          %dma_wait3A_449 = tpu.memref_squeeze %dma_wait3A_448 : memref<1x80xi32, #tpu.memory_space<vmem>> -> memref<80xi32, #tpu.memory_space<vmem>>
          %dma_wait3A_450 = arith.constant 0 : i32
          %dma_wait3A_451 = arith.constant 0 : i32
          %dma_wait3A_452 = tpu.memref_slice %arg11[%dma_wait3A_450, %dma_wait3A_451] : memref<10112x128xf32, #tpu.memory_space<vmem_shared>> -> memref<10112x128xf32, #tpu.memory_space<vmem_shared>>
          tpu.wait_indirect_dma semaphore(%run_scoped3A_440 : memref<!tpu.dma_semaphore, #tpu.memory_space<semaphore_mem>>) src(%arg9 : memref<80x128xf32, #tpu.memory_space<vmem>>) dst(%dma_wait3A_452 : memref<10112x128xf32, #tpu.memory_space<vmem_shared>>)
          tpu.yield
        }) : () -> ()
      }
      %scan3A_346 = arith.constant 12 : i32
      %dma_wait3A_347 = arith.constant 24 : i32
      %dma_wait3A_348 = arith.constant 0 : i32
      %dma_wait3A_349 = tpu.memref_slice %arg6[%dma_wait3A_347, %dma_wait3A_348] : memref<25x80xi32, #tpu.memory_space<vmem>> -> memref<1x80xi32, #tpu.memory_space<vmem>>
      %dma_wait3A_350 = tpu.memref_squeeze %dma_wait3A_349 : memref<1x80xi32, #tpu.memory_space<vmem>> -> memref<80xi32, #tpu.memory_space<vmem>>
      %dma_wait3A_351 = arith.constant 0 : i32
      %dma_wait3A_352 = arith.constant 0 : i32
      %dma_wait3A_353 = tpu.memref_slice %arg2[%dma_wait3A_351, %dma_wait3A_352] : memref<10000x128xf32, #tpu.memory_space<hbm>> -> memref<10000x128xf32, #tpu.memory_space<hbm>>
      tpu.wait_indirect_dma semaphore(%arg12 : memref<!tpu.dma_semaphore, #tpu.memory_space<semaphore_mem>>) src(%dma_wait3A_353 : memref<10000x128xf32, #tpu.memory_space<hbm>>) dst(%arg8 : memref<80x128xf32, #tpu.memory_space<vmem>>)
      %get3A = arith.constant 24 : i32
      %get3A_354 = arith.index_cast %get3A : i32 to index
      %get3A_355 = arith.constant 0 : index
      %get3A_356 = tpu.vector_load %arg7[%get3A_354, %get3A_355] {strides = array<i32>} : memref<25x80xi32, #tpu.memory_space<vmem>>, vector<16xi32>,
      tpu.vector_store_idx %arg10[%get3A_356], %broadcast_in_dim3A_104 {add = true} : memref<10240xf32, #tpu.memory_space<vmem>>[vector<16xi32>], vector<16xf32>,
      %get3A_357 = arith.constant 24 : i32
      %get3A_358 = arith.index_cast %get3A_357 : i32 to index
      %get3A_359 = arith.constant 16 : index
      %get3A_360 = tpu.vector_load %arg7[%get3A_358, %get3A_359] {strides = array<i32>} : memref<25x80xi32, #tpu.memory_space<vmem>>, vector<16xi32>,
      tpu.vector_store_idx %arg10[%get3A_360], %broadcast_in_dim3A_104 {add = true} : memref<10240xf32, #tpu.memory_space<vmem>>[vector<16xi32>], vector<16xf32>,
      %get3A_361 = arith.constant 24 : i32
      %get3A_362 = arith.index_cast %get3A_361 : i32 to index
      %get3A_363 = arith.constant 32 : index
      %get3A_364 = tpu.vector_load %arg7[%get3A_362, %get3A_363] {strides = array<i32>} : memref<25x80xi32, #tpu.memory_space<vmem>>, vector<16xi32>,
      tpu.vector_store_idx %arg10[%get3A_364], %broadcast_in_dim3A_104 {add = true} : memref<10240xf32, #tpu.memory_space<vmem>>[vector<16xi32>], vector<16xf32>,
      %get3A_365 = arith.constant 24 : i32
      %get3A_366 = arith.index_cast %get3A_365 : i32 to index
      %get3A_367 = arith.constant 48 : index
      %get3A_368 = tpu.vector_load %arg7[%get3A_366, %get3A_367] {strides = array<i32>} : memref<25x80xi32, #tpu.memory_space<vmem>>, vector<16xi32>,
      tpu.vector_store_idx %arg10[%get3A_368], %broadcast_in_dim3A_104 {add = true} : memref<10240xf32, #tpu.memory_space<vmem>>[vector<16xi32>], vector<16xf32>,
      %get3A_369 = arith.constant 24 : i32
      %get3A_370 = arith.index_cast %get3A_369 : i32 to index
      %get3A_371 = arith.constant 64 : index
      %get3A_372 = tpu.vector_load %arg7[%get3A_370, %get3A_371] {strides = array<i32>} : memref<25x80xi32, #tpu.memory_space<vmem>>, vector<16xi32>,
      tpu.vector_store_idx %arg10[%get3A_372], %broadcast_in_dim3A_104 {add = true} : memref<10240xf32, #tpu.memory_space<vmem>>[vector<16xi32>], vector<16xf32>,
      %run_scoped3A = arith.constant 24 : i32
      "tpu.region"() ({
        %run_scoped3A_373 = tpu.sem_alloc : memref<!tpu.dma_semaphore, #tpu.memory_space<semaphore_mem>>
        %dma_start3A_374 = arith.constant 0 : i32
        %dma_start3A_375 = tpu.memref_slice %arg7[%run_scoped3A, %dma_start3A_374] : memref<25x80xi32, #tpu.memory_space<vmem>> -> memref<1x80xi32, #tpu.memory_space<vmem>>
        %dma_start3A_376 = tpu.memref_squeeze %dma_start3A_375 : memref<1x80xi32, #tpu.memory_space<vmem>> -> memref<80xi32, #tpu.memory_space<vmem>>
        %dma_start3A_377 = arith.constant 0 : i32
        %dma_start3A_378 = arith.constant 0 : i32
        %dma_start3A_379 = tpu.memref_slice %arg11[%dma_start3A_377, %dma_start3A_378] : memref<10112x128xf32, #tpu.memory_space<vmem_shared>> -> memref<10112x128xf32, #tpu.memory_space<vmem_shared>>
        tpu.enqueue_indirect_dma source(%arg8 : memref<80x128xf32, #tpu.memory_space<vmem>>) target(%dma_start3A_379 : memref<10112x128xf32, #tpu.memory_space<vmem_shared>>) offsets(%dma_start3A_376 : memref<80xi32, #tpu.memory_space<vmem>>) semaphore(%run_scoped3A_373 : memref<!tpu.dma_semaphore, #tpu.memory_space<semaphore_mem>>) {add = true}
        %dma_wait3A_380 = arith.constant 0 : i32
        %dma_wait3A_381 = tpu.memref_slice %arg7[%run_scoped3A, %dma_wait3A_380] : memref<25x80xi32, #tpu.memory_space<vmem>> -> memref<1x80xi32, #tpu.memory_space<vmem>>
        %dma_wait3A_382 = tpu.memref_squeeze %dma_wait3A_381 : memref<1x80xi32, #tpu.memory_space<vmem>> -> memref<80xi32, #tpu.memory_space<vmem>>
        %dma_wait3A_383 = arith.constant 0 : i32
        %dma_wait3A_384 = arith.constant 0 : i32
        %dma_wait3A_385 = tpu.memref_slice %arg11[%dma_wait3A_383, %dma_wait3A_384] : memref<10112x128xf32, #tpu.memory_space<vmem_shared>> -> memref<10112x128xf32, #tpu.memory_space<vmem_shared>>
        tpu.wait_indirect_dma semaphore(%run_scoped3A_373 : memref<!tpu.dma_semaphore, #tpu.memory_space<semaphore_mem>>) src(%arg8 : memref<80x128xf32, #tpu.memory_space<vmem>>) dst(%dma_wait3A_385 : memref<10112x128xf32, #tpu.memory_space<vmem_shared>>)
        tpu.yield
      }) : () -> ()
    }
    %scan3A_110 = arith.constant 5 : i32
    %barrier3A_111 = arith.constant 0 : index
    tpu.barrier barrier_id(%barrier3A_111)
    %dma_start3A_112 = arith.constant 0 : i32
    %dma_start3A_113 = tpu.memref_slice %arg4[%arg0, %mul3A_2, %dma_start3A_112] : memref<2x10112x128xf32, #tpu.memory_space<hbm>> -> memref<1x632x128xf32, #tpu.memory_space<hbm>>
    %dma_start3A_114 = tpu.memref_squeeze %dma_start3A_113 : memref<1x632x128xf32, #tpu.memory_space<hbm>> -> memref<632x128xf32, #tpu.memory_space<hbm>>
    %dma_start3A_115 = arith.constant 0 : i32
    %dma_start3A_116 = tpu.memref_slice %arg11[%mul3A_2, %dma_start3A_115] : memref<10112x128xf32, #tpu.memory_space<vmem_shared>> -> memref<632x128xf32, #tpu.memory_space<vmem_shared>>
    tpu.enqueue_dma source(%dma_start3A_116 : memref<632x128xf32, #tpu.memory_space<vmem_shared>>) target(%dma_start3A_114 : memref<632x128xf32, #tpu.memory_space<hbm>>) target_semaphore(%arg14 : memref<!tpu.dma_semaphore, #tpu.memory_space<semaphore_mem>>)
    %dma_start3A_117 = arith.constant 0 : i32
    %dma_start3A_118 = arith.constant 0 : i32
    %dma_start3A_119 = tpu.memref_slice %arg10[%dma_start3A_118] : memref<10240xf32, #tpu.memory_space<vmem>> -> memref<1280xf32, #tpu.memory_space<vmem>>
    %dma_start3A_120 = arith.constant 0 : i32
    %dma_start3A_121 = tpu.memref_slice %arg5[%dma_start3A_117, %add3A, %dma_start3A_120] : memref<8x32x1280xf32, #tpu.memory_space<hbm>> -> memref<1x1x1280xf32, #tpu.memory_space<hbm>>
    %dma_start3A_122 = tpu.memref_squeeze %dma_start3A_121 : memref<1x1x1280xf32, #tpu.memory_space<hbm>> -> memref<1280xf32, #tpu.memory_space<hbm>>
    %dma_start3A_123 = arith.constant 0 : i32
    %dma_start3A_124 = tpu.memref_slice %arg5[%dma_start3A_117, %add3A, %dma_start3A_123] : memref<8x32x1280xf32, #tpu.memory_space<hbm>> -> memref<1x1x1280xf32, #tpu.memory_space<hbm>>
    %dma_start3A_125 = tpu.memref_squeeze %dma_start3A_124 : memref<1x1x1280xf32, #tpu.memory_space<hbm>> -> memref<1280xf32, #tpu.memory_space<hbm>>
    %dma_start3A_126 = arith.constant 0 : i32
    %dma_start3A_127 = tpu.memref_slice %arg10[%dma_start3A_126] : memref<10240xf32, #tpu.memory_space<vmem>> -> memref<1280xf32, #tpu.memory_space<vmem>>
    tpu.enqueue_dma source(%dma_start3A_127 : memref<1280xf32, #tpu.memory_space<vmem>>) target(%dma_start3A_125 : memref<1280xf32, #tpu.memory_space<hbm>>) target_semaphore(%arg15 : memref<!tpu.dma_semaphore, #tpu.memory_space<semaphore_mem>>)
    %dma_start3A_128 = arith.constant 1 : i32
    %dma_start3A_129 = arith.constant 1280 : i32
    %dma_start3A_130 = tpu.memref_slice %arg10[%dma_start3A_129] : memref<10240xf32, #tpu.memory_space<vmem>> -> memref<1280xf32, #tpu.memory_space<vmem>>
    %dma_start3A_131 = arith.constant 0 : i32
    %dma_start3A_132 = tpu.memref_slice %arg5[%dma_start3A_128, %add3A, %dma_start3A_131] : memref<8x32x1280xf32, #tpu.memory_space<hbm>> -> memref<1x1x1280xf32, #tpu.memory_space<hbm>>
    %dma_start3A_133 = tpu.memref_squeeze %dma_start3A_132 : memref<1x1x1280xf32, #tpu.memory_space<hbm>> -> memref<1280xf32, #tpu.memory_space<hbm>>
    %dma_start3A_134 = arith.constant 0 : i32
    %dma_start3A_135 = tpu.memref_slice %arg5[%dma_start3A_128, %add3A, %dma_start3A_134] : memref<8x32x1280xf32, #tpu.memory_space<hbm>> -> memref<1x1x1280xf32, #tpu.memory_space<hbm>>
    %dma_start3A_136 = tpu.memref_squeeze %dma_start3A_135 : memref<1x1x1280xf32, #tpu.memory_space<hbm>> -> memref<1280xf32, #tpu.memory_space<hbm>>
    %dma_start3A_137 = arith.constant 1280 : i32
    %dma_start3A_138 = tpu.memref_slice %arg10[%dma_start3A_137] : memref<10240xf32, #tpu.memory_space<vmem>> -> memref<1280xf32, #tpu.memory_space<vmem>>
    tpu.enqueue_dma source(%dma_start3A_138 : memref<1280xf32, #tpu.memory_space<vmem>>) target(%dma_start3A_136 : memref<1280xf32, #tpu.memory_space<hbm>>) target_semaphore(%arg15 : memref<!tpu.dma_semaphore, #tpu.memory_space<semaphore_mem>>)
    %dma_start3A_139 = arith.constant 2 : i32
    %dma_start3A_140 = arith.constant 2560 : i32
    %dma_start3A_141 = tpu.memref_slice %arg10[%dma_start3A_140] : memref<10240xf32, #tpu.memory_space<vmem>> -> memref<1280xf32, #tpu.memory_space<vmem>>
    %dma_start3A_142 = arith.constant 0 : i32
    %dma_start3A_143 = tpu.memref_slice %arg5[%dma_start3A_139, %add3A, %dma_start3A_142] : memref<8x32x1280xf32, #tpu.memory_space<hbm>> -> memref<1x1x1280xf32, #tpu.memory_space<hbm>>
    %dma_start3A_144 = tpu.memref_squeeze %dma_start3A_143 : memref<1x1x1280xf32, #tpu.memory_space<hbm>> -> memref<1280xf32, #tpu.memory_space<hbm>>
    %dma_start3A_145 = arith.constant 0 : i32
    %dma_start3A_146 = tpu.memref_slice %arg5[%dma_start3A_139, %add3A, %dma_start3A_145] : memref<8x32x1280xf32, #tpu.memory_space<hbm>> -> memref<1x1x1280xf32, #tpu.memory_space<hbm>>
    %dma_start3A_147 = tpu.memref_squeeze %dma_start3A_146 : memref<1x1x1280xf32, #tpu.memory_space<hbm>> -> memref<1280xf32, #tpu.memory_space<hbm>>
    %dma_start3A_148 = arith.constant 2560 : i32
    %dma_start3A_149 = tpu.memref_slice %arg10[%dma_start3A_148] : memref<10240xf32, #tpu.memory_space<vmem>> -> memref<1280xf32, #tpu.memory_space<vmem>>
    tpu.enqueue_dma source(%dma_start3A_149 : memref<1280xf32, #tpu.memory_space<vmem>>) target(%dma_start3A_147 : memref<1280xf32, #tpu.memory_space<hbm>>) target_semaphore(%arg15 : memref<!tpu.dma_semaphore, #tpu.memory_space<semaphore_mem>>)
    %dma_start3A_150 = arith.constant 3 : i32
    %dma_start3A_151 = arith.constant 3840 : i32
    %dma_start3A_152 = tpu.memref_slice %arg10[%dma_start3A_151] : memref<10240xf32, #tpu.memory_space<vmem>> -> memref<1280xf32, #tpu.memory_space<vmem>>
    %dma_start3A_153 = arith.constant 0 : i32
    %dma_start3A_154 = tpu.memref_slice %arg5[%dma_start3A_150, %add3A, %dma_start3A_153] : memref<8x32x1280xf32, #tpu.memory_space<hbm>> -> memref<1x1x1280xf32, #tpu.memory_space<hbm>>
    %dma_start3A_155 = tpu.memref_squeeze %dma_start3A_154 : memref<1x1x1280xf32, #tpu.memory_space<hbm>> -> memref<1280xf32, #tpu.memory_space<hbm>>
    %dma_start3A_156 = arith.constant 0 : i32
    %dma_start3A_157 = tpu.memref_slice %arg5[%dma_start3A_150, %add3A, %dma_start3A_156] : memref<8x32x1280xf32, #tpu.memory_space<hbm>> -> memref<1x1x1280xf32, #tpu.memory_space<hbm>>
    %dma_start3A_158 = tpu.memref_squeeze %dma_start3A_157 : memref<1x1x1280xf32, #tpu.memory_space<hbm>> -> memref<1280xf32, #tpu.memory_space<hbm>>
    %dma_start3A_159 = arith.constant 3840 : i32
    %dma_start3A_160 = tpu.memref_slice %arg10[%dma_start3A_159] : memref<10240xf32, #tpu.memory_space<vmem>> -> memref<1280xf32, #tpu.memory_space<vmem>>
    tpu.enqueue_dma source(%dma_start3A_160 : memref<1280xf32, #tpu.memory_space<vmem>>) target(%dma_start3A_158 : memref<1280xf32, #tpu.memory_space<hbm>>) target_semaphore(%arg15 : memref<!tpu.dma_semaphore, #tpu.memory_space<semaphore_mem>>)
    %dma_start3A_161 = arith.constant 4 : i32
    %dma_start3A_162 = arith.constant 5120 : i32
    %dma_start3A_163 = tpu.memref_slice %arg10[%dma_start3A_162] : memref<10240xf32, #tpu.memory_space<vmem>> -> memref<1280xf32, #tpu.memory_space<vmem>>
    %dma_start3A_164 = arith.constant 0 : i32
    %dma_start3A_165 = tpu.memref_slice %arg5[%dma_start3A_161, %add3A, %dma_start3A_164] : memref<8x32x1280xf32, #tpu.memory_space<hbm>> -> memref<1x1x1280xf32, #tpu.memory_space<hbm>>
    %dma_start3A_166 = tpu.memref_squeeze %dma_start3A_165 : memref<1x1x1280xf32, #tpu.memory_space<hbm>> -> memref<1280xf32, #tpu.memory_space<hbm>>
    %dma_start3A_167 = arith.constant 0 : i32
    %dma_start3A_168 = tpu.memref_slice %arg5[%dma_start3A_161, %add3A, %dma_start3A_167] : memref<8x32x1280xf32, #tpu.memory_space<hbm>> -> memref<1x1x1280xf32, #tpu.memory_space<hbm>>
    %dma_start3A_169 = tpu.memref_squeeze %dma_start3A_168 : memref<1x1x1280xf32, #tpu.memory_space<hbm>> -> memref<1280xf32, #tpu.memory_space<hbm>>
    %dma_start3A_170 = arith.constant 5120 : i32
    %dma_start3A_171 = tpu.memref_slice %arg10[%dma_start3A_170] : memref<10240xf32, #tpu.memory_space<vmem>> -> memref<1280xf32, #tpu.memory_space<vmem>>
    tpu.enqueue_dma source(%dma_start3A_171 : memref<1280xf32, #tpu.memory_space<vmem>>) target(%dma_start3A_169 : memref<1280xf32, #tpu.memory_space<hbm>>) target_semaphore(%arg15 : memref<!tpu.dma_semaphore, #tpu.memory_space<semaphore_mem>>)
    %dma_start3A_172 = arith.constant 5 : i32
    %dma_start3A_173 = arith.constant 6400 : i32
    %dma_start3A_174 = tpu.memref_slice %arg10[%dma_start3A_173] : memref<10240xf32, #tpu.memory_space<vmem>> -> memref<1280xf32, #tpu.memory_space<vmem>>
    %dma_start3A_175 = arith.constant 0 : i32
    %dma_start3A_176 = tpu.memref_slice %arg5[%dma_start3A_172, %add3A, %dma_start3A_175] : memref<8x32x1280xf32, #tpu.memory_space<hbm>> -> memref<1x1x1280xf32, #tpu.memory_space<hbm>>
    %dma_start3A_177 = tpu.memref_squeeze %dma_start3A_176 : memref<1x1x1280xf32, #tpu.memory_space<hbm>> -> memref<1280xf32, #tpu.memory_space<hbm>>
    %dma_start3A_178 = arith.constant 0 : i32
    %dma_start3A_179 = tpu.memref_slice %arg5[%dma_start3A_172, %add3A, %dma_start3A_178] : memref<8x32x1280xf32, #tpu.memory_space<hbm>> -> memref<1x1x1280xf32, #tpu.memory_space<hbm>>
    %dma_start3A_180 = tpu.memref_squeeze %dma_start3A_179 : memref<1x1x1280xf32, #tpu.memory_space<hbm>> -> memref<1280xf32, #tpu.memory_space<hbm>>
    %dma_start3A_181 = arith.constant 6400 : i32
    %dma_start3A_182 = tpu.memref_slice %arg10[%dma_start3A_181] : memref<10240xf32, #tpu.memory_space<vmem>> -> memref<1280xf32, #tpu.memory_space<vmem>>
    tpu.enqueue_dma source(%dma_start3A_182 : memref<1280xf32, #tpu.memory_space<vmem>>) target(%dma_start3A_180 : memref<1280xf32, #tpu.memory_space<hbm>>) target_semaphore(%arg15 : memref<!tpu.dma_semaphore, #tpu.memory_space<semaphore_mem>>)
    %dma_start3A_183 = arith.constant 6 : i32
    %dma_start3A_184 = arith.constant 7680 : i32
    %dma_start3A_185 = tpu.memref_slice %arg10[%dma_start3A_184] : memref<10240xf32, #tpu.memory_space<vmem>> -> memref<1280xf32, #tpu.memory_space<vmem>>
    %dma_start3A_186 = arith.constant 0 : i32
    %dma_start3A_187 = tpu.memref_slice %arg5[%dma_start3A_183, %add3A, %dma_start3A_186] : memref<8x32x1280xf32, #tpu.memory_space<hbm>> -> memref<1x1x1280xf32, #tpu.memory_space<hbm>>
    %dma_start3A_188 = tpu.memref_squeeze %dma_start3A_187 : memref<1x1x1280xf32, #tpu.memory_space<hbm>> -> memref<1280xf32, #tpu.memory_space<hbm>>
    %dma_start3A_189 = arith.constant 0 : i32
    %dma_start3A_190 = tpu.memref_slice %arg5[%dma_start3A_183, %add3A, %dma_start3A_189] : memref<8x32x1280xf32, #tpu.memory_space<hbm>> -> memref<1x1x1280xf32, #tpu.memory_space<hbm>>
    %dma_start3A_191 = tpu.memref_squeeze %dma_start3A_190 : memref<1x1x1280xf32, #tpu.memory_space<hbm>> -> memref<1280xf32, #tpu.memory_space<hbm>>
    %dma_start3A_192 = arith.constant 7680 : i32
    %dma_start3A_193 = tpu.memref_slice %arg10[%dma_start3A_192] : memref<10240xf32, #tpu.memory_space<vmem>> -> memref<1280xf32, #tpu.memory_space<vmem>>
    tpu.enqueue_dma source(%dma_start3A_193 : memref<1280xf32, #tpu.memory_space<vmem>>) target(%dma_start3A_191 : memref<1280xf32, #tpu.memory_space<hbm>>) target_semaphore(%arg15 : memref<!tpu.dma_semaphore, #tpu.memory_space<semaphore_mem>>)
    %dma_start3A_194 = arith.constant 7 : i32
    %dma_start3A_195 = arith.constant 8960 : i32
    %dma_start3A_196 = tpu.memref_slice %arg10[%dma_start3A_195] : memref<10240xf32, #tpu.memory_space<vmem>> -> memref<1280xf32, #tpu.memory_space<vmem>>
    %dma_start3A_197 = arith.constant 0 : i32
    %dma_start3A_198 = tpu.memref_slice %arg5[%dma_start3A_194, %add3A, %dma_start3A_197] : memref<8x32x1280xf32, #tpu.memory_space<hbm>> -> memref<1x1x1280xf32, #tpu.memory_space<hbm>>
    %dma_start3A_199 = tpu.memref_squeeze %dma_start3A_198 : memref<1x1x1280xf32, #tpu.memory_space<hbm>> -> memref<1280xf32, #tpu.memory_space<hbm>>
    %dma_start3A_200 = arith.constant 0 : i32
    %dma_start3A_201 = tpu.memref_slice %arg5[%dma_start3A_194, %add3A, %dma_start3A_200] : memref<8x32x1280xf32, #tpu.memory_space<hbm>> -> memref<1x1x1280xf32, #tpu.memory_space<hbm>>
    %dma_start3A_202 = tpu.memref_squeeze %dma_start3A_201 : memref<1x1x1280xf32, #tpu.memory_space<hbm>> -> memref<1280xf32, #tpu.memory_space<hbm>>
    %dma_start3A_203 = arith.constant 8960 : i32
    %dma_start3A_204 = tpu.memref_slice %arg10[%dma_start3A_203] : memref<10240xf32, #tpu.memory_space<vmem>> -> memref<1280xf32, #tpu.memory_space<vmem>>
    tpu.enqueue_dma source(%dma_start3A_204 : memref<1280xf32, #tpu.memory_space<vmem>>) target(%dma_start3A_202 : memref<1280xf32, #tpu.memory_space<hbm>>) target_semaphore(%arg15 : memref<!tpu.dma_semaphore, #tpu.memory_space<semaphore_mem>>)
    %dma_wait3A_205 = arith.constant 0 : i32
    %dma_wait3A_206 = tpu.memref_slice %arg4[%arg0, %mul3A_2, %dma_wait3A_205] : memref<2x10112x128xf32, #tpu.memory_space<hbm>> -> memref<1x632x128xf32, #tpu.memory_space<hbm>>
    %dma_wait3A_207 = tpu.memref_squeeze %dma_wait3A_206 : memref<1x632x128xf32, #tpu.memory_space<hbm>> -> memref<632x128xf32, #tpu.memory_space<hbm>>
    %dma_wait3A_208 = arith.constant 0 : i32
    %dma_wait3A_209 = tpu.memref_slice %arg11[%mul3A_2, %dma_wait3A_208] : memref<10112x128xf32, #tpu.memory_space<vmem_shared>> -> memref<632x128xf32, #tpu.memory_space<vmem_shared>>
    tpu.wait_dma2 semaphore(%arg14 : memref<!tpu.dma_semaphore, #tpu.memory_space<semaphore_mem>>) src(%dma_wait3A_209 : memref<632x128xf32, #tpu.memory_space<vmem_shared>>) dst(%dma_wait3A_207 : memref<632x128xf32, #tpu.memory_space<hbm>>)
    %dma_wait3A_210 = arith.constant 0 : i32
    %dma_wait3A_211 = arith.constant 0 : i32
    %dma_wait3A_212 = tpu.memref_slice %arg10[%dma_wait3A_211] : memref<10240xf32, #tpu.memory_space<vmem>> -> memref<1280xf32, #tpu.memory_space<vmem>>
    %dma_wait3A_213 = arith.constant 0 : i32
    %dma_wait3A_214 = tpu.memref_slice %arg5[%dma_wait3A_210, %add3A, %dma_wait3A_213] : memref<8x32x1280xf32, #tpu.memory_space<hbm>> -> memref<1x1x1280xf32, #tpu.memory_space<hbm>>
    %dma_wait3A_215 = tpu.memref_squeeze %dma_wait3A_214 : memref<1x1x1280xf32, #tpu.memory_space<hbm>> -> memref<1280xf32, #tpu.memory_space<hbm>>
    %dma_wait3A_216 = arith.constant 0 : i32
    %dma_wait3A_217 = tpu.memref_slice %arg5[%dma_wait3A_210, %add3A, %dma_wait3A_216] : memref<8x32x1280xf32, #tpu.memory_space<hbm>> -> memref<1x1x1280xf32, #tpu.memory_space<hbm>>
    %dma_wait3A_218 = tpu.memref_squeeze %dma_wait3A_217 : memref<1x1x1280xf32, #tpu.memory_space<hbm>> -> memref<1280xf32, #tpu.memory_space<hbm>>
    %dma_wait3A_219 = arith.constant 0 : i32
    %dma_wait3A_220 = tpu.memref_slice %arg10[%dma_wait3A_219] : memref<10240xf32, #tpu.memory_space<vmem>> -> memref<1280xf32, #tpu.memory_space<vmem>>
    tpu.wait_dma2 semaphore(%arg15 : memref<!tpu.dma_semaphore, #tpu.memory_space<semaphore_mem>>) src(%dma_wait3A_220 : memref<1280xf32, #tpu.memory_space<vmem>>) dst(%dma_wait3A_218 : memref<1280xf32, #tpu.memory_space<hbm>>)
    %dma_wait3A_221 = arith.constant 1 : i32
    %dma_wait3A_222 = arith.constant 1280 : i32
    %dma_wait3A_223 = tpu.memref_slice %arg10[%dma_wait3A_222] : memref<10240xf32, #tpu.memory_space<vmem>> -> memref<1280xf32, #tpu.memory_space<vmem>>
    %dma_wait3A_224 = arith.constant 0 : i32
    %dma_wait3A_225 = tpu.memref_slice %arg5[%dma_wait3A_221, %add3A, %dma_wait3A_224] : memref<8x32x1280xf32, #tpu.memory_space<hbm>> -> memref<1x1x1280xf32, #tpu.memory_space<hbm>>
    %dma_wait3A_226 = tpu.memref_squeeze %dma_wait3A_225 : memref<1x1x1280xf32, #tpu.memory_space<hbm>> -> memref<1280xf32, #tpu.memory_space<hbm>>
    %dma_wait3A_227 = arith.constant 0 : i32
    %dma_wait3A_228 = tpu.memref_slice %arg5[%dma_wait3A_221, %add3A, %dma_wait3A_227] : memref<8x32x1280xf32, #tpu.memory_space<hbm>> -> memref<1x1x1280xf32, #tpu.memory_space<hbm>>
    %dma_wait3A_229 = tpu.memref_squeeze %dma_wait3A_228 : memref<1x1x1280xf32, #tpu.memory_space<hbm>> -> memref<1280xf32, #tpu.memory_space<hbm>>
    %dma_wait3A_230 = arith.constant 1280 : i32
    %dma_wait3A_231 = tpu.memref_slice %arg10[%dma_wait3A_230] : memref<10240xf32, #tpu.memory_space<vmem>> -> memref<1280xf32, #tpu.memory_space<vmem>>
    tpu.wait_dma2 semaphore(%arg15 : memref<!tpu.dma_semaphore, #tpu.memory_space<semaphore_mem>>) src(%dma_wait3A_231 : memref<1280xf32, #tpu.memory_space<vmem>>) dst(%dma_wait3A_229 : memref<1280xf32, #tpu.memory_space<hbm>>)
    %dma_wait3A_232 = arith.constant 2 : i32
    %dma_wait3A_233 = arith.constant 2560 : i32
    %dma_wait3A_234 = tpu.memref_slice %arg10[%dma_wait3A_233] : memref<10240xf32, #tpu.memory_space<vmem>> -> memref<1280xf32, #tpu.memory_space<vmem>>
    %dma_wait3A_235 = arith.constant 0 : i32
    %dma_wait3A_236 = tpu.memref_slice %arg5[%dma_wait3A_232, %add3A, %dma_wait3A_235] : memref<8x32x1280xf32, #tpu.memory_space<hbm>> -> memref<1x1x1280xf32, #tpu.memory_space<hbm>>
    %dma_wait3A_237 = tpu.memref_squeeze %dma_wait3A_236 : memref<1x1x1280xf32, #tpu.memory_space<hbm>> -> memref<1280xf32, #tpu.memory_space<hbm>>
    %dma_wait3A_238 = arith.constant 0 : i32
    %dma_wait3A_239 = tpu.memref_slice %arg5[%dma_wait3A_232, %add3A, %dma_wait3A_238] : memref<8x32x1280xf32, #tpu.memory_space<hbm>> -> memref<1x1x1280xf32, #tpu.memory_space<hbm>>
    %dma_wait3A_240 = tpu.memref_squeeze %dma_wait3A_239 : memref<1x1x1280xf32, #tpu.memory_space<hbm>> -> memref<1280xf32, #tpu.memory_space<hbm>>
    %dma_wait3A_241 = arith.constant 2560 : i32
    %dma_wait3A_242 = tpu.memref_slice %arg10[%dma_wait3A_241] : memref<10240xf32, #tpu.memory_space<vmem>> -> memref<1280xf32, #tpu.memory_space<vmem>>
    tpu.wait_dma2 semaphore(%arg15 : memref<!tpu.dma_semaphore, #tpu.memory_space<semaphore_mem>>) src(%dma_wait3A_242 : memref<1280xf32, #tpu.memory_space<vmem>>) dst(%dma_wait3A_240 : memref<1280xf32, #tpu.memory_space<hbm>>)
    %dma_wait3A_243 = arith.constant 3 : i32
    %dma_wait3A_244 = arith.constant 3840 : i32
    %dma_wait3A_245 = tpu.memref_slice %arg10[%dma_wait3A_244] : memref<10240xf32, #tpu.memory_space<vmem>> -> memref<1280xf32, #tpu.memory_space<vmem>>
    %dma_wait3A_246 = arith.constant 0 : i32
    %dma_wait3A_247 = tpu.memref_slice %arg5[%dma_wait3A_243, %add3A, %dma_wait3A_246] : memref<8x32x1280xf32, #tpu.memory_space<hbm>> -> memref<1x1x1280xf32, #tpu.memory_space<hbm>>
    %dma_wait3A_248 = tpu.memref_squeeze %dma_wait3A_247 : memref<1x1x1280xf32, #tpu.memory_space<hbm>> -> memref<1280xf32, #tpu.memory_space<hbm>>
    %dma_wait3A_249 = arith.constant 0 : i32
    %dma_wait3A_250 = tpu.memref_slice %arg5[%dma_wait3A_243, %add3A, %dma_wait3A_249] : memref<8x32x1280xf32, #tpu.memory_space<hbm>> -> memref<1x1x1280xf32, #tpu.memory_space<hbm>>
    %dma_wait3A_251 = tpu.memref_squeeze %dma_wait3A_250 : memref<1x1x1280xf32, #tpu.memory_space<hbm>> -> memref<1280xf32, #tpu.memory_space<hbm>>
    %dma_wait3A_252 = arith.constant 3840 : i32
    %dma_wait3A_253 = tpu.memref_slice %arg10[%dma_wait3A_252] : memref<10240xf32, #tpu.memory_space<vmem>> -> memref<1280xf32, #tpu.memory_space<vmem>>
    tpu.wait_dma2 semaphore(%arg15 : memref<!tpu.dma_semaphore, #tpu.memory_space<semaphore_mem>>) src(%dma_wait3A_253 : memref<1280xf32, #tpu.memory_space<vmem>>) dst(%dma_wait3A_251 : memref<1280xf32, #tpu.memory_space<hbm>>)
    %dma_wait3A_254 = arith.constant 4 : i32
    %dma_wait3A_255 = arith.constant 5120 : i32
    %dma_wait3A_256 = tpu.memref_slice %arg10[%dma_wait3A_255] : memref<10240xf32, #tpu.memory_space<vmem>> -> memref<1280xf32, #tpu.memory_space<vmem>>
    %dma_wait3A_257 = arith.constant 0 : i32
    %dma_wait3A_258 = tpu.memref_slice %arg5[%dma_wait3A_254, %add3A, %dma_wait3A_257] : memref<8x32x1280xf32, #tpu.memory_space<hbm>> -> memref<1x1x1280xf32, #tpu.memory_space<hbm>>
    %dma_wait3A_259 = tpu.memref_squeeze %dma_wait3A_258 : memref<1x1x1280xf32, #tpu.memory_space<hbm>> -> memref<1280xf32, #tpu.memory_space<hbm>>
    %dma_wait3A_260 = arith.constant 0 : i32
    %dma_wait3A_261 = tpu.memref_slice %arg5[%dma_wait3A_254, %add3A, %dma_wait3A_260] : memref<8x32x1280xf32, #tpu.memory_space<hbm>> -> memref<1x1x1280xf32, #tpu.memory_space<hbm>>
    %dma_wait3A_262 = tpu.memref_squeeze %dma_wait3A_261 : memref<1x1x1280xf32, #tpu.memory_space<hbm>> -> memref<1280xf32, #tpu.memory_space<hbm>>
    %dma_wait3A_263 = arith.constant 5120 : i32
    %dma_wait3A_264 = tpu.memref_slice %arg10[%dma_wait3A_263] : memref<10240xf32, #tpu.memory_space<vmem>> -> memref<1280xf32, #tpu.memory_space<vmem>>
    tpu.wait_dma2 semaphore(%arg15 : memref<!tpu.dma_semaphore, #tpu.memory_space<semaphore_mem>>) src(%dma_wait3A_264 : memref<1280xf32, #tpu.memory_space<vmem>>) dst(%dma_wait3A_262 : memref<1280xf32, #tpu.memory_space<hbm>>)
    %dma_wait3A_265 = arith.constant 5 : i32
    %dma_wait3A_266 = arith.constant 6400 : i32
    %dma_wait3A_267 = tpu.memref_slice %arg10[%dma_wait3A_266] : memref<10240xf32, #tpu.memory_space<vmem>> -> memref<1280xf32, #tpu.memory_space<vmem>>
    %dma_wait3A_268 = arith.constant 0 : i32
    %dma_wait3A_269 = tpu.memref_slice %arg5[%dma_wait3A_265, %add3A, %dma_wait3A_268] : memref<8x32x1280xf32, #tpu.memory_space<hbm>> -> memref<1x1x1280xf32, #tpu.memory_space<hbm>>
    %dma_wait3A_270 = tpu.memref_squeeze %dma_wait3A_269 : memref<1x1x1280xf32, #tpu.memory_space<hbm>> -> memref<1280xf32, #tpu.memory_space<hbm>>
    %dma_wait3A_271 = arith.constant 0 : i32
    %dma_wait3A_272 = tpu.memref_slice %arg5[%dma_wait3A_265, %add3A, %dma_wait3A_271] : memref<8x32x1280xf32, #tpu.memory_space<hbm>> -> memref<1x1x1280xf32, #tpu.memory_space<hbm>>
    %dma_wait3A_273 = tpu.memref_squeeze %dma_wait3A_272 : memref<1x1x1280xf32, #tpu.memory_space<hbm>> -> memref<1280xf32, #tpu.memory_space<hbm>>
    %dma_wait3A_274 = arith.constant 6400 : i32
    %dma_wait3A_275 = tpu.memref_slice %arg10[%dma_wait3A_274] : memref<10240xf32, #tpu.memory_space<vmem>> -> memref<1280xf32, #tpu.memory_space<vmem>>
    tpu.wait_dma2 semaphore(%arg15 : memref<!tpu.dma_semaphore, #tpu.memory_space<semaphore_mem>>) src(%dma_wait3A_275 : memref<1280xf32, #tpu.memory_space<vmem>>) dst(%dma_wait3A_273 : memref<1280xf32, #tpu.memory_space<hbm>>)
    %dma_wait3A_276 = arith.constant 6 : i32
    %dma_wait3A_277 = arith.constant 7680 : i32
    %dma_wait3A_278 = tpu.memref_slice %arg10[%dma_wait3A_277] : memref<10240xf32, #tpu.memory_space<vmem>> -> memref<1280xf32, #tpu.memory_space<vmem>>
    %dma_wait3A_279 = arith.constant 0 : i32
    %dma_wait3A_280 = tpu.memref_slice %arg5[%dma_wait3A_276, %add3A, %dma_wait3A_279] : memref<8x32x1280xf32, #tpu.memory_space<hbm>> -> memref<1x1x1280xf32, #tpu.memory_space<hbm>>
    %dma_wait3A_281 = tpu.memref_squeeze %dma_wait3A_280 : memref<1x1x1280xf32, #tpu.memory_space<hbm>> -> memref<1280xf32, #tpu.memory_space<hbm>>
    %dma_wait3A_282 = arith.constant 0 : i32
    %dma_wait3A_283 = tpu.memref_slice %arg5[%dma_wait3A_276, %add3A, %dma_wait3A_282] : memref<8x32x1280xf32, #tpu.memory_space<hbm>> -> memref<1x1x1280xf32, #tpu.memory_space<hbm>>
    %dma_wait3A_284 = tpu.memref_squeeze %dma_wait3A_283 : memref<1x1x1280xf32, #tpu.memory_space<hbm>> -> memref<1280xf32, #tpu.memory_space<hbm>>
    %dma_wait3A_285 = arith.constant 7680 : i32
    %dma_wait3A_286 = tpu.memref_slice %arg10[%dma_wait3A_285] : memref<10240xf32, #tpu.memory_space<vmem>> -> memref<1280xf32, #tpu.memory_space<vmem>>
    tpu.wait_dma2 semaphore(%arg15 : memref<!tpu.dma_semaphore, #tpu.memory_space<semaphore_mem>>) src(%dma_wait3A_286 : memref<1280xf32, #tpu.memory_space<vmem>>) dst(%dma_wait3A_284 : memref<1280xf32, #tpu.memory_space<hbm>>)
    %dma_wait3A_287 = arith.constant 7 : i32
    %dma_wait3A_288 = arith.constant 8960 : i32
    %dma_wait3A_289 = tpu.memref_slice %arg10[%dma_wait3A_288] : memref<10240xf32, #tpu.memory_space<vmem>> -> memref<1280xf32, #tpu.memory_space<vmem>>
    %dma_wait3A_290 = arith.constant 0 : i32
    %dma_wait3A_291 = tpu.memref_slice %arg5[%dma_wait3A_287, %add3A, %dma_wait3A_290] : memref<8x32x1280xf32, #tpu.memory_space<hbm>> -> memref<1x1x1280xf32, #tpu.memory_space<hbm>>
    %dma_wait3A_292 = tpu.memref_squeeze %dma_wait3A_291 : memref<1x1x1280xf32, #tpu.memory_space<hbm>> -> memref<1280xf32, #tpu.memory_space<hbm>>
    %dma_wait3A_293 = arith.constant 0 : i32
    %dma_wait3A_294 = tpu.memref_slice %arg5[%dma_wait3A_287, %add3A, %dma_wait3A_293] : memref<8x32x1280xf32, #tpu.memory_space<hbm>> -> memref<1x1x1280xf32, #tpu.memory_space<hbm>>
    %dma_wait3A_295 = tpu.memref_squeeze %dma_wait3A_294 : memref<1x1x1280xf32, #tpu.memory_space<hbm>> -> memref<1280xf32, #tpu.memory_space<hbm>>
    %dma_wait3A_296 = arith.constant 8960 : i32
    %dma_wait3A_297 = tpu.memref_slice %arg10[%dma_wait3A_296] : memref<10240xf32, #tpu.memory_space<vmem>> -> memref<1280xf32, #tpu.memory_space<vmem>>
    tpu.wait_dma2 semaphore(%arg15 : memref<!tpu.dma_semaphore, #tpu.memory_space<semaphore_mem>>) src(%dma_wait3A_297 : memref<1280xf32, #tpu.memory_space<vmem>>) dst(%dma_wait3A_295 : memref<1280xf32, #tpu.memory_space<hbm>>)
    return
  }
}

#map = affine_map<(d0, d1) -> (0, 0)>
#map1 = affine_map<(d0, d1) -> (0, 0, 0, 0, 0)>
#map2 = affine_map<(d0, d1) -> (0, 0, 0)>
module attributes {stable_mosaic.version = 14 : i64} {
  func.func @_sc_agg(%arg0: i32, %arg1: i32, %arg2: memref<10000x128xf32, #tpu.memory_space<hbm>>, %arg3: memref<2x32x4x20x125xi32, #tpu.memory_space<hbm>>, %arg4: memref<2x10112x128xf32, #tpu.memory_space<hbm>>, %arg5: memref<20x125xi32, #tpu.memory_space<vmem>>, %arg6: memref<20x125xi32, #tpu.memory_space<vmem>>, %arg7: memref<125x128xf32, #tpu.memory_space<vmem>>, %arg8: memref<125x128xf32, #tpu.memory_space<vmem>>, %arg9: memref<10112x128xf32, #tpu.memory_space<vmem_shared>>, %arg10: memref<!tpu.dma_semaphore, #tpu.memory_space<semaphore_mem>>, %arg11: memref<!tpu.dma_semaphore, #tpu.memory_space<semaphore_mem>>, %arg12: memref<!tpu.dma_semaphore, #tpu.memory_space<semaphore_mem>>, %arg13: memref<!tpu.dma_semaphore, #tpu.memory_space<semaphore_mem>>) attributes {dimension_semantics = [#tpu.dimension_semantics<core_parallel>, #tpu.dimension_semantics<subcore_parallel>], iteration_bounds = array<i64: 2, 16>, scalar_prefetch = 0 : i64, scratch_operands = 9 : i64, tpu.core_type = #tpu.core_type<sc_vector_subcore>, window_params = [{transform_indices = #map}, {transform_indices = #map1}, {transform_indices = #map2}]} {
    %mul3A = arith.constant 2 : i32
    %mul3A_0 = arith.muli %arg1, %mul3A : i32
    %add3A = arith.addi %mul3A_0, %arg0 : i32
    %mul3A_1 = arith.constant 632 : i32
    %mul3A_2 = arith.muli %arg1, %mul3A_1 : i32
    %scan3A = arith.constant 0 : i32
    %scan3A_3 = arith.constant 0 : i32
    %scan3A_4 = arith.constant 125 : i32
    %scan3A_5 = arith.addi %scan3A_3, %scan3A_4 : i32
    %scan3A_6 = arith.constant 1 : i32
    scf.for %scan3A_96 = %scan3A_3 to %scan3A_5 step %scan3A_6  : i32 {
      %broadcast_in_dim3A_97 = arith.constant 0.000000e+00 : f32
      %broadcast_in_dim3A_98 = vector.broadcast %broadcast_in_dim3A_97 : f32 to vector<16xf32>
      %swap3A = arith.index_cast %scan3A_96 : i32 to index
      %swap3A_99 = arith.constant 0 : index
      %swap3A_100 = tpu.vector_load %arg7[%swap3A, %swap3A_99] {strides = array<i32>} : memref<125x128xf32, #tpu.memory_space<vmem>>, vector<16xf32>,
      tpu.vector_store %arg7[%swap3A, %swap3A_99], %broadcast_in_dim3A_98 {strides = array<i32>} : memref<125x128xf32, #tpu.memory_space<vmem>>, vector<16xf32>,
      %broadcast_in_dim3A_101 = arith.constant 0.000000e+00 : f32
      %broadcast_in_dim3A_102 = vector.broadcast %broadcast_in_dim3A_101 : f32 to vector<16xf32>
      %swap3A_103 = arith.index_cast %scan3A_96 : i32 to index
      %swap3A_104 = arith.constant 16 : index
      %swap3A_105 = tpu.vector_load %arg7[%swap3A_103, %swap3A_104] {strides = array<i32>} : memref<125x128xf32, #tpu.memory_space<vmem>>, vector<16xf32>,
      tpu.vector_store %arg7[%swap3A_103, %swap3A_104], %broadcast_in_dim3A_102 {strides = array<i32>} : memref<125x128xf32, #tpu.memory_space<vmem>>, vector<16xf32>,
      %broadcast_in_dim3A_106 = arith.constant 0.000000e+00 : f32
      %broadcast_in_dim3A_107 = vector.broadcast %broadcast_in_dim3A_106 : f32 to vector<16xf32>
      %swap3A_108 = arith.index_cast %scan3A_96 : i32 to index
      %swap3A_109 = arith.constant 32 : index
      %swap3A_110 = tpu.vector_load %arg7[%swap3A_108, %swap3A_109] {strides = array<i32>} : memref<125x128xf32, #tpu.memory_space<vmem>>, vector<16xf32>,
      tpu.vector_store %arg7[%swap3A_108, %swap3A_109], %broadcast_in_dim3A_107 {strides = array<i32>} : memref<125x128xf32, #tpu.memory_space<vmem>>, vector<16xf32>,
      %broadcast_in_dim3A_111 = arith.constant 0.000000e+00 : f32
      %broadcast_in_dim3A_112 = vector.broadcast %broadcast_in_dim3A_111 : f32 to vector<16xf32>
      %swap3A_113 = arith.index_cast %scan3A_96 : i32 to index
      %swap3A_114 = arith.constant 48 : index
      %swap3A_115 = tpu.vector_load %arg7[%swap3A_113, %swap3A_114] {strides = array<i32>} : memref<125x128xf32, #tpu.memory_space<vmem>>, vector<16xf32>,
      tpu.vector_store %arg7[%swap3A_113, %swap3A_114], %broadcast_in_dim3A_112 {strides = array<i32>} : memref<125x128xf32, #tpu.memory_space<vmem>>, vector<16xf32>,
      %broadcast_in_dim3A_116 = arith.constant 0.000000e+00 : f32
      %broadcast_in_dim3A_117 = vector.broadcast %broadcast_in_dim3A_116 : f32 to vector<16xf32>
      %swap3A_118 = arith.index_cast %scan3A_96 : i32 to index
      %swap3A_119 = arith.constant 64 : index
      %swap3A_120 = tpu.vector_load %arg7[%swap3A_118, %swap3A_119] {strides = array<i32>} : memref<125x128xf32, #tpu.memory_space<vmem>>, vector<16xf32>,
      tpu.vector_store %arg7[%swap3A_118, %swap3A_119], %broadcast_in_dim3A_117 {strides = array<i32>} : memref<125x128xf32, #tpu.memory_space<vmem>>, vector<16xf32>,
      %broadcast_in_dim3A_121 = arith.constant 0.000000e+00 : f32
      %broadcast_in_dim3A_122 = vector.broadcast %broadcast_in_dim3A_121 : f32 to vector<16xf32>
      %swap3A_123 = arith.index_cast %scan3A_96 : i32 to index
      %swap3A_124 = arith.constant 80 : index
      %swap3A_125 = tpu.vector_load %arg7[%swap3A_123, %swap3A_124] {strides = array<i32>} : memref<125x128xf32, #tpu.memory_space<vmem>>, vector<16xf32>,
      tpu.vector_store %arg7[%swap3A_123, %swap3A_124], %broadcast_in_dim3A_122 {strides = array<i32>} : memref<125x128xf32, #tpu.memory_space<vmem>>, vector<16xf32>,
      %broadcast_in_dim3A_126 = arith.constant 0.000000e+00 : f32
      %broadcast_in_dim3A_127 = vector.broadcast %broadcast_in_dim3A_126 : f32 to vector<16xf32>
      %swap3A_128 = arith.index_cast %scan3A_96 : i32 to index
      %swap3A_129 = arith.constant 96 : index
      %swap3A_130 = tpu.vector_load %arg7[%swap3A_128, %swap3A_129] {strides = array<i32>} : memref<125x128xf32, #tpu.memory_space<vmem>>, vector<16xf32>,
      tpu.vector_store %arg7[%swap3A_128, %swap3A_129], %broadcast_in_dim3A_127 {strides = array<i32>} : memref<125x128xf32, #tpu.memory_space<vmem>>, vector<16xf32>,
      %broadcast_in_dim3A_131 = arith.constant 0.000000e+00 : f32
      %broadcast_in_dim3A_132 = vector.broadcast %broadcast_in_dim3A_131 : f32 to vector<16xf32>
      %swap3A_133 = arith.index_cast %scan3A_96 : i32 to index
      %swap3A_134 = arith.constant 112 : index
      %swap3A_135 = tpu.vector_load %arg7[%swap3A_133, %swap3A_134] {strides = array<i32>} : memref<125x128xf32, #tpu.memory_space<vmem>>, vector<16xf32>,
      tpu.vector_store %arg7[%swap3A_133, %swap3A_134], %broadcast_in_dim3A_132 {strides = array<i32>} : memref<125x128xf32, #tpu.memory_space<vmem>>, vector<16xf32>,
    }
    %scan3A_7 = arith.constant 125 : i32
    %add3A_8 = arith.constant 0 : i32
    %add3A_9 = arith.addi %mul3A_2, %add3A_8 : i32
    %dma_start3A = arith.constant 0 : i32
    %dma_start3A_10 = tpu.memref_slice %arg9[%add3A_9, %dma_start3A] : memref<10112x128xf32, #tpu.memory_space<vmem_shared>> -> memref<125x128xf32, #tpu.memory_space<vmem_shared>>
    %dma_start3A_11 = arith.constant 0 : i32
    %dma_start3A_12 = tpu.memref_slice %arg9[%add3A_9, %dma_start3A_11] : memref<10112x128xf32, #tpu.memory_space<vmem_shared>> -> memref<125x128xf32, #tpu.memory_space<vmem_shared>>
    tpu.enqueue_dma source(%arg7 : memref<125x128xf32, #tpu.memory_space<vmem>>) target(%dma_start3A_12 : memref<125x128xf32, #tpu.memory_space<vmem_shared>>) target_semaphore(%arg12 : memref<!tpu.dma_semaphore, #tpu.memory_space<semaphore_mem>>)
    %add3A_13 = arith.constant 125 : i32
    %add3A_14 = arith.addi %mul3A_2, %add3A_13 : i32
    %dma_start3A_15 = arith.constant 0 : i32
    %dma_start3A_16 = tpu.memref_slice %arg9[%add3A_14, %dma_start3A_15] : memref<10112x128xf32, #tpu.memory_space<vmem_shared>> -> memref<125x128xf32, #tpu.memory_space<vmem_shared>>
    %dma_start3A_17 = arith.constant 0 : i32
    %dma_start3A_18 = tpu.memref_slice %arg9[%add3A_14, %dma_start3A_17] : memref<10112x128xf32, #tpu.memory_space<vmem_shared>> -> memref<125x128xf32, #tpu.memory_space<vmem_shared>>
    tpu.enqueue_dma source(%arg7 : memref<125x128xf32, #tpu.memory_space<vmem>>) target(%dma_start3A_18 : memref<125x128xf32, #tpu.memory_space<vmem_shared>>) target_semaphore(%arg12 : memref<!tpu.dma_semaphore, #tpu.memory_space<semaphore_mem>>)
    %add3A_19 = arith.constant 250 : i32
    %add3A_20 = arith.addi %mul3A_2, %add3A_19 : i32
    %dma_start3A_21 = arith.constant 0 : i32
    %dma_start3A_22 = tpu.memref_slice %arg9[%add3A_20, %dma_start3A_21] : memref<10112x128xf32, #tpu.memory_space<vmem_shared>> -> memref<125x128xf32, #tpu.memory_space<vmem_shared>>
    %dma_start3A_23 = arith.constant 0 : i32
    %dma_start3A_24 = tpu.memref_slice %arg9[%add3A_20, %dma_start3A_23] : memref<10112x128xf32, #tpu.memory_space<vmem_shared>> -> memref<125x128xf32, #tpu.memory_space<vmem_shared>>
    tpu.enqueue_dma source(%arg7 : memref<125x128xf32, #tpu.memory_space<vmem>>) target(%dma_start3A_24 : memref<125x128xf32, #tpu.memory_space<vmem_shared>>) target_semaphore(%arg12 : memref<!tpu.dma_semaphore, #tpu.memory_space<semaphore_mem>>)
    %add3A_25 = arith.constant 375 : i32
    %add3A_26 = arith.addi %mul3A_2, %add3A_25 : i32
    %dma_start3A_27 = arith.constant 0 : i32
    %dma_start3A_28 = tpu.memref_slice %arg9[%add3A_26, %dma_start3A_27] : memref<10112x128xf32, #tpu.memory_space<vmem_shared>> -> memref<125x128xf32, #tpu.memory_space<vmem_shared>>
    %dma_start3A_29 = arith.constant 0 : i32
    %dma_start3A_30 = tpu.memref_slice %arg9[%add3A_26, %dma_start3A_29] : memref<10112x128xf32, #tpu.memory_space<vmem_shared>> -> memref<125x128xf32, #tpu.memory_space<vmem_shared>>
    tpu.enqueue_dma source(%arg7 : memref<125x128xf32, #tpu.memory_space<vmem>>) target(%dma_start3A_30 : memref<125x128xf32, #tpu.memory_space<vmem_shared>>) target_semaphore(%arg12 : memref<!tpu.dma_semaphore, #tpu.memory_space<semaphore_mem>>)
    %add3A_31 = arith.constant 500 : i32
    %add3A_32 = arith.addi %mul3A_2, %add3A_31 : i32
    %dma_start3A_33 = arith.constant 0 : i32
    %dma_start3A_34 = tpu.memref_slice %arg9[%add3A_32, %dma_start3A_33] : memref<10112x128xf32, #tpu.memory_space<vmem_shared>> -> memref<125x128xf32, #tpu.memory_space<vmem_shared>>
    %dma_start3A_35 = arith.constant 0 : i32
    %dma_start3A_36 = tpu.memref_slice %arg9[%add3A_32, %dma_start3A_35] : memref<10112x128xf32, #tpu.memory_space<vmem_shared>> -> memref<125x128xf32, #tpu.memory_space<vmem_shared>>
    tpu.enqueue_dma source(%arg7 : memref<125x128xf32, #tpu.memory_space<vmem>>) target(%dma_start3A_36 : memref<125x128xf32, #tpu.memory_space<vmem_shared>>) target_semaphore(%arg12 : memref<!tpu.dma_semaphore, #tpu.memory_space<semaphore_mem>>)
    %add3A_37 = arith.constant 625 : i32
    %add3A_38 = arith.addi %mul3A_2, %add3A_37 : i32
    %dma_start3A_39 = arith.constant 0 : i32
    %dma_start3A_40 = arith.constant 0 : i32
    %dma_start3A_41 = tpu.memref_slice %arg7[%dma_start3A_39, %dma_start3A_40] : memref<125x128xf32, #tpu.memory_space<vmem>> -> memref<7x128xf32, #tpu.memory_space<vmem>>
    %dma_start3A_42 = arith.constant 0 : i32
    %dma_start3A_43 = tpu.memref_slice %arg9[%add3A_38, %dma_start3A_42] : memref<10112x128xf32, #tpu.memory_space<vmem_shared>> -> memref<7x128xf32, #tpu.memory_space<vmem_shared>>
    %dma_start3A_44 = arith.constant 0 : i32
    %dma_start3A_45 = tpu.memref_slice %arg9[%add3A_38, %dma_start3A_44] : memref<10112x128xf32, #tpu.memory_space<vmem_shared>> -> memref<7x128xf32, #tpu.memory_space<vmem_shared>>
    %dma_start3A_46 = arith.constant 0 : i32
    %dma_start3A_47 = arith.constant 0 : i32
    %dma_start3A_48 = tpu.memref_slice %arg7[%dma_start3A_46, %dma_start3A_47] : memref<125x128xf32, #tpu.memory_space<vmem>> -> memref<7x128xf32, #tpu.memory_space<vmem>>
    tpu.enqueue_dma source(%dma_start3A_48 : memref<7x128xf32, #tpu.memory_space<vmem>>) target(%dma_start3A_45 : memref<7x128xf32, #tpu.memory_space<vmem_shared>>) target_semaphore(%arg12 : memref<!tpu.dma_semaphore, #tpu.memory_space<semaphore_mem>>)
    %dma_wait3A = arith.constant 0 : i32
    %dma_wait3A_49 = tpu.memref_slice %arg9[%add3A_9, %dma_wait3A] : memref<10112x128xf32, #tpu.memory_space<vmem_shared>> -> memref<125x128xf32, #tpu.memory_space<vmem_shared>>
    %dma_wait3A_50 = arith.constant 0 : i32
    %dma_wait3A_51 = tpu.memref_slice %arg9[%add3A_9, %dma_wait3A_50] : memref<10112x128xf32, #tpu.memory_space<vmem_shared>> -> memref<125x128xf32, #tpu.memory_space<vmem_shared>>
    tpu.wait_dma2 semaphore(%arg12 : memref<!tpu.dma_semaphore, #tpu.memory_space<semaphore_mem>>) src(%arg7 : memref<125x128xf32, #tpu.memory_space<vmem>>) dst(%dma_wait3A_51 : memref<125x128xf32, #tpu.memory_space<vmem_shared>>)
    %dma_wait3A_52 = arith.constant 0 : i32
    %dma_wait3A_53 = tpu.memref_slice %arg9[%add3A_14, %dma_wait3A_52] : memref<10112x128xf32, #tpu.memory_space<vmem_shared>> -> memref<125x128xf32, #tpu.memory_space<vmem_shared>>
    %dma_wait3A_54 = arith.constant 0 : i32
    %dma_wait3A_55 = tpu.memref_slice %arg9[%add3A_14, %dma_wait3A_54] : memref<10112x128xf32, #tpu.memory_space<vmem_shared>> -> memref<125x128xf32, #tpu.memory_space<vmem_shared>>
    tpu.wait_dma2 semaphore(%arg12 : memref<!tpu.dma_semaphore, #tpu.memory_space<semaphore_mem>>) src(%arg7 : memref<125x128xf32, #tpu.memory_space<vmem>>) dst(%dma_wait3A_55 : memref<125x128xf32, #tpu.memory_space<vmem_shared>>)
    %dma_wait3A_56 = arith.constant 0 : i32
    %dma_wait3A_57 = tpu.memref_slice %arg9[%add3A_20, %dma_wait3A_56] : memref<10112x128xf32, #tpu.memory_space<vmem_shared>> -> memref<125x128xf32, #tpu.memory_space<vmem_shared>>
    %dma_wait3A_58 = arith.constant 0 : i32
    %dma_wait3A_59 = tpu.memref_slice %arg9[%add3A_20, %dma_wait3A_58] : memref<10112x128xf32, #tpu.memory_space<vmem_shared>> -> memref<125x128xf32, #tpu.memory_space<vmem_shared>>
    tpu.wait_dma2 semaphore(%arg12 : memref<!tpu.dma_semaphore, #tpu.memory_space<semaphore_mem>>) src(%arg7 : memref<125x128xf32, #tpu.memory_space<vmem>>) dst(%dma_wait3A_59 : memref<125x128xf32, #tpu.memory_space<vmem_shared>>)
    %dma_wait3A_60 = arith.constant 0 : i32
    %dma_wait3A_61 = tpu.memref_slice %arg9[%add3A_26, %dma_wait3A_60] : memref<10112x128xf32, #tpu.memory_space<vmem_shared>> -> memref<125x128xf32, #tpu.memory_space<vmem_shared>>
    %dma_wait3A_62 = arith.constant 0 : i32
    %dma_wait3A_63 = tpu.memref_slice %arg9[%add3A_26, %dma_wait3A_62] : memref<10112x128xf32, #tpu.memory_space<vmem_shared>> -> memref<125x128xf32, #tpu.memory_space<vmem_shared>>
    tpu.wait_dma2 semaphore(%arg12 : memref<!tpu.dma_semaphore, #tpu.memory_space<semaphore_mem>>) src(%arg7 : memref<125x128xf32, #tpu.memory_space<vmem>>) dst(%dma_wait3A_63 : memref<125x128xf32, #tpu.memory_space<vmem_shared>>)
    %dma_wait3A_64 = arith.constant 0 : i32
    %dma_wait3A_65 = tpu.memref_slice %arg9[%add3A_32, %dma_wait3A_64] : memref<10112x128xf32, #tpu.memory_space<vmem_shared>> -> memref<125x128xf32, #tpu.memory_space<vmem_shared>>
    %dma_wait3A_66 = arith.constant 0 : i32
    %dma_wait3A_67 = tpu.memref_slice %arg9[%add3A_32, %dma_wait3A_66] : memref<10112x128xf32, #tpu.memory_space<vmem_shared>> -> memref<125x128xf32, #tpu.memory_space<vmem_shared>>
    tpu.wait_dma2 semaphore(%arg12 : memref<!tpu.dma_semaphore, #tpu.memory_space<semaphore_mem>>) src(%arg7 : memref<125x128xf32, #tpu.memory_space<vmem>>) dst(%dma_wait3A_67 : memref<125x128xf32, #tpu.memory_space<vmem_shared>>)
    %dma_wait3A_68 = arith.constant 0 : i32
    %dma_wait3A_69 = arith.constant 0 : i32
    %dma_wait3A_70 = tpu.memref_slice %arg7[%dma_wait3A_68, %dma_wait3A_69] : memref<125x128xf32, #tpu.memory_space<vmem>> -> memref<7x128xf32, #tpu.memory_space<vmem>>
    %dma_wait3A_71 = arith.constant 0 : i32
    %dma_wait3A_72 = tpu.memref_slice %arg9[%add3A_38, %dma_wait3A_71] : memref<10112x128xf32, #tpu.memory_space<vmem_shared>> -> memref<7x128xf32, #tpu.memory_space<vmem_shared>>
    %dma_wait3A_73 = arith.constant 0 : i32
    %dma_wait3A_74 = tpu.memref_slice %arg9[%add3A_38, %dma_wait3A_73] : memref<10112x128xf32, #tpu.memory_space<vmem_shared>> -> memref<7x128xf32, #tpu.memory_space<vmem_shared>>
    %dma_wait3A_75 = arith.constant 0 : i32
    %dma_wait3A_76 = arith.constant 0 : i32
    %dma_wait3A_77 = tpu.memref_slice %arg7[%dma_wait3A_75, %dma_wait3A_76] : memref<125x128xf32, #tpu.memory_space<vmem>> -> memref<7x128xf32, #tpu.memory_space<vmem>>
    tpu.wait_dma2 semaphore(%arg12 : memref<!tpu.dma_semaphore, #tpu.memory_space<semaphore_mem>>) src(%dma_wait3A_77 : memref<7x128xf32, #tpu.memory_space<vmem>>) dst(%dma_wait3A_74 : memref<7x128xf32, #tpu.memory_space<vmem_shared>>)
    %barrier3A = arith.constant 0 : index
    tpu.barrier barrier_id(%barrier3A)
    %broadcast_in_dim3A = arith.constant 1.000000e+00 : f32
    %broadcast_in_dim3A_78 = vector.broadcast %broadcast_in_dim3A : f32 to vector<16xf32>
    %scan3A_79 = arith.constant 0 : i32
    %scan3A_80 = arith.constant 0 : i32
    %scan3A_81 = arith.constant 4 : i32
    %scan3A_82 = arith.addi %scan3A_80, %scan3A_81 : i32
    %scan3A_83 = arith.constant 1 : i32
    scf.for %scan3A_96 = %scan3A_80 to %scan3A_82 step %scan3A_83  : i32 {
      %dma_start3A_97 = arith.constant 0 : i32
      %dma_start3A_98 = arith.constant 0 : i32
      %dma_start3A_99 = arith.constant 0 : i32
      %dma_start3A_100 = tpu.memref_slice %arg3[%dma_start3A_97, %add3A, %scan3A_96, %dma_start3A_98, %dma_start3A_99] : memref<2x32x4x20x125xi32, #tpu.memory_space<hbm>> -> memref<1x1x1x20x125xi32, #tpu.memory_space<hbm>>
      %dma_start3A_101 = tpu.memref_squeeze %dma_start3A_100 : memref<1x1x1x20x125xi32, #tpu.memory_space<hbm>> -> memref<20x125xi32, #tpu.memory_space<hbm>>
      %dma_start3A_102 = arith.constant 0 : i32
      %dma_start3A_103 = arith.constant 0 : i32
      %dma_start3A_104 = tpu.memref_slice %arg3[%dma_start3A_97, %add3A, %scan3A_96, %dma_start3A_102, %dma_start3A_103] : memref<2x32x4x20x125xi32, #tpu.memory_space<hbm>> -> memref<1x1x1x20x125xi32, #tpu.memory_space<hbm>>
      %dma_start3A_105 = tpu.memref_squeeze %dma_start3A_104 : memref<1x1x1x20x125xi32, #tpu.memory_space<hbm>> -> memref<20x125xi32, #tpu.memory_space<hbm>>
      tpu.enqueue_dma source(%dma_start3A_105 : memref<20x125xi32, #tpu.memory_space<hbm>>) target(%arg5 : memref<20x125xi32, #tpu.memory_space<vmem>>) target_semaphore(%arg13 : memref<!tpu.dma_semaphore, #tpu.memory_space<semaphore_mem>>)
      %dma_start3A_106 = arith.constant 1 : i32
      %dma_start3A_107 = arith.constant 0 : i32
      %dma_start3A_108 = arith.constant 0 : i32
      %dma_start3A_109 = tpu.memref_slice %arg3[%dma_start3A_106, %add3A, %scan3A_96, %dma_start3A_107, %dma_start3A_108] : memref<2x32x4x20x125xi32, #tpu.memory_space<hbm>> -> memref<1x1x1x20x125xi32, #tpu.memory_space<hbm>>
      %dma_start3A_110 = tpu.memref_squeeze %dma_start3A_109 : memref<1x1x1x20x125xi32, #tpu.memory_space<hbm>> -> memref<20x125xi32, #tpu.memory_space<hbm>>
      %dma_start3A_111 = arith.constant 0 : i32
      %dma_start3A_112 = arith.constant 0 : i32
      %dma_start3A_113 = tpu.memref_slice %arg3[%dma_start3A_106, %add3A, %scan3A_96, %dma_start3A_111, %dma_start3A_112] : memref<2x32x4x20x125xi32, #tpu.memory_space<hbm>> -> memref<1x1x1x20x125xi32, #tpu.memory_space<hbm>>
      %dma_start3A_114 = tpu.memref_squeeze %dma_start3A_113 : memref<1x1x1x20x125xi32, #tpu.memory_space<hbm>> -> memref<20x125xi32, #tpu.memory_space<hbm>>
      tpu.enqueue_dma source(%dma_start3A_114 : memref<20x125xi32, #tpu.memory_space<hbm>>) target(%arg6 : memref<20x125xi32, #tpu.memory_space<vmem>>) target_semaphore(%arg13 : memref<!tpu.dma_semaphore, #tpu.memory_space<semaphore_mem>>)
      %dma_wait3A_115 = arith.constant 0 : i32
      %dma_wait3A_116 = arith.constant 0 : i32
      %dma_wait3A_117 = arith.constant 0 : i32
      %dma_wait3A_118 = tpu.memref_slice %arg3[%dma_wait3A_115, %add3A, %scan3A_96, %dma_wait3A_116, %dma_wait3A_117] : memref<2x32x4x20x125xi32, #tpu.memory_space<hbm>> -> memref<1x1x1x20x125xi32, #tpu.memory_space<hbm>>
      %dma_wait3A_119 = tpu.memref_squeeze %dma_wait3A_118 : memref<1x1x1x20x125xi32, #tpu.memory_space<hbm>> -> memref<20x125xi32, #tpu.memory_space<hbm>>
      %dma_wait3A_120 = arith.constant 0 : i32
      %dma_wait3A_121 = arith.constant 0 : i32
      %dma_wait3A_122 = tpu.memref_slice %arg3[%dma_wait3A_115, %add3A, %scan3A_96, %dma_wait3A_120, %dma_wait3A_121] : memref<2x32x4x20x125xi32, #tpu.memory_space<hbm>> -> memref<1x1x1x20x125xi32, #tpu.memory_space<hbm>>
      %dma_wait3A_123 = tpu.memref_squeeze %dma_wait3A_122 : memref<1x1x1x20x125xi32, #tpu.memory_space<hbm>> -> memref<20x125xi32, #tpu.memory_space<hbm>>
      tpu.wait_dma2 semaphore(%arg13 : memref<!tpu.dma_semaphore, #tpu.memory_space<semaphore_mem>>) src(%dma_wait3A_123 : memref<20x125xi32, #tpu.memory_space<hbm>>) dst(%arg5 : memref<20x125xi32, #tpu.memory_space<vmem>>)
      %dma_wait3A_124 = arith.constant 1 : i32
      %dma_wait3A_125 = arith.constant 0 : i32
      %dma_wait3A_126 = arith.constant 0 : i32
      %dma_wait3A_127 = tpu.memref_slice %arg3[%dma_wait3A_124, %add3A, %scan3A_96, %dma_wait3A_125, %dma_wait3A_126] : memref<2x32x4x20x125xi32, #tpu.memory_space<hbm>> -> memref<1x1x1x20x125xi32, #tpu.memory_space<hbm>>
      %dma_wait3A_128 = tpu.memref_squeeze %dma_wait3A_127 : memref<1x1x1x20x125xi32, #tpu.memory_space<hbm>> -> memref<20x125xi32, #tpu.memory_space<hbm>>
      %dma_wait3A_129 = arith.constant 0 : i32
      %dma_wait3A_130 = arith.constant 0 : i32
      %dma_wait3A_131 = tpu.memref_slice %arg3[%dma_wait3A_124, %add3A, %scan3A_96, %dma_wait3A_129, %dma_wait3A_130] : memref<2x32x4x20x125xi32, #tpu.memory_space<hbm>> -> memref<1x1x1x20x125xi32, #tpu.memory_space<hbm>>
      %dma_wait3A_132 = tpu.memref_squeeze %dma_wait3A_131 : memref<1x1x1x20x125xi32, #tpu.memory_space<hbm>> -> memref<20x125xi32, #tpu.memory_space<hbm>>
      tpu.wait_dma2 semaphore(%arg13 : memref<!tpu.dma_semaphore, #tpu.memory_space<semaphore_mem>>) src(%dma_wait3A_132 : memref<20x125xi32, #tpu.memory_space<hbm>>) dst(%arg6 : memref<20x125xi32, #tpu.memory_space<vmem>>)
      %dma_start3A_133 = arith.constant 0 : i32
      %dma_start3A_134 = arith.constant 0 : i32
      %dma_start3A_135 = tpu.memref_slice %arg5[%dma_start3A_133, %dma_start3A_134] : memref<20x125xi32, #tpu.memory_space<vmem>> -> memref<1x125xi32, #tpu.memory_space<vmem>>
      %dma_start3A_136 = tpu.memref_squeeze %dma_start3A_135 : memref<1x125xi32, #tpu.memory_space<vmem>> -> memref<125xi32, #tpu.memory_space<vmem>>
      %dma_start3A_137 = arith.constant 0 : i32
      %dma_start3A_138 = arith.constant 0 : i32
      %dma_start3A_139 = tpu.memref_slice %arg2[%dma_start3A_137, %dma_start3A_138] : memref<10000x128xf32, #tpu.memory_space<hbm>> -> memref<10000x128xf32, #tpu.memory_space<hbm>>
      tpu.enqueue_indirect_dma source(%dma_start3A_139 : memref<10000x128xf32, #tpu.memory_space<hbm>>) target(%arg7 : memref<125x128xf32, #tpu.memory_space<vmem>>) offsets(%dma_start3A_136 : memref<125xi32, #tpu.memory_space<vmem>>) semaphore(%arg10 : memref<!tpu.dma_semaphore, #tpu.memory_space<semaphore_mem>>)
      %scan3A_140 = arith.constant 0 : i32
      %scan3A_141 = arith.constant 9 : i32
      %scan3A_142 = arith.addi %scan3A_140, %scan3A_141 : i32
      %scan3A_143 = arith.constant 1 : i32
      scf.for %scan3A_167 = %scan3A_140 to %scan3A_142 step %scan3A_143  : i32 {
        %mul3A_168 = arith.constant 2 : i32
        %mul3A_169 = arith.muli %mul3A_168, %scan3A_167 : i32
        %add3A_170 = arith.constant 1 : i32
        %add3A_171 = arith.addi %mul3A_169, %add3A_170 : i32
        %dma_start3A_172 = arith.constant 0 : i32
        %dma_start3A_173 = tpu.memref_slice %arg5[%add3A_171, %dma_start3A_172] : memref<20x125xi32, #tpu.memory_space<vmem>> -> memref<1x125xi32, #tpu.memory_space<vmem>>
        %dma_start3A_174 = tpu.memref_squeeze %dma_start3A_173 : memref<1x125xi32, #tpu.memory_space<vmem>> -> memref<125xi32, #tpu.memory_space<vmem>>
        %dma_start3A_175 = arith.constant 0 : i32
        %dma_start3A_176 = arith.constant 0 : i32
        %dma_start3A_177 = tpu.memref_slice %arg2[%dma_start3A_175, %dma_start3A_176] : memref<10000x128xf32, #tpu.memory_space<hbm>> -> memref<10000x128xf32, #tpu.memory_space<hbm>>
        tpu.enqueue_indirect_dma source(%dma_start3A_177 : memref<10000x128xf32, #tpu.memory_space<hbm>>) target(%arg8 : memref<125x128xf32, #tpu.memory_space<vmem>>) offsets(%dma_start3A_174 : memref<125xi32, #tpu.memory_space<vmem>>) semaphore(%arg11 : memref<!tpu.dma_semaphore, #tpu.memory_space<semaphore_mem>>)
        %dma_wait3A_178 = arith.constant 0 : i32
        %dma_wait3A_179 = tpu.memref_slice %arg5[%mul3A_169, %dma_wait3A_178] : memref<20x125xi32, #tpu.memory_space<vmem>> -> memref<1x125xi32, #tpu.memory_space<vmem>>
        %dma_wait3A_180 = tpu.memref_squeeze %dma_wait3A_179 : memref<1x125xi32, #tpu.memory_space<vmem>> -> memref<125xi32, #tpu.memory_space<vmem>>
        %dma_wait3A_181 = arith.constant 0 : i32
        %dma_wait3A_182 = arith.constant 0 : i32
        %dma_wait3A_183 = tpu.memref_slice %arg2[%dma_wait3A_181, %dma_wait3A_182] : memref<10000x128xf32, #tpu.memory_space<hbm>> -> memref<10000x128xf32, #tpu.memory_space<hbm>>
        tpu.wait_indirect_dma semaphore(%arg10 : memref<!tpu.dma_semaphore, #tpu.memory_space<semaphore_mem>>) src(%dma_wait3A_183 : memref<10000x128xf32, #tpu.memory_space<hbm>>) dst(%arg7 : memref<125x128xf32, #tpu.memory_space<vmem>>)
        "tpu.region"() ({
          %run_scoped3A_202 = tpu.sem_alloc : memref<!tpu.dma_semaphore, #tpu.memory_space<semaphore_mem>>
          %dma_start3A_203 = arith.constant 0 : i32
          %dma_start3A_204 = tpu.memref_slice %arg6[%mul3A_169, %dma_start3A_203] : memref<20x125xi32, #tpu.memory_space<vmem>> -> memref<1x125xi32, #tpu.memory_space<vmem>>
          %dma_start3A_205 = tpu.memref_squeeze %dma_start3A_204 : memref<1x125xi32, #tpu.memory_space<vmem>> -> memref<125xi32, #tpu.memory_space<vmem>>
          %dma_start3A_206 = arith.constant 0 : i32
          %dma_start3A_207 = arith.constant 0 : i32
          %dma_start3A_208 = tpu.memref_slice %arg9[%dma_start3A_206, %dma_start3A_207] : memref<10112x128xf32, #tpu.memory_space<vmem_shared>> -> memref<10112x128xf32, #tpu.memory_space<vmem_shared>>
          tpu.enqueue_indirect_dma source(%arg7 : memref<125x128xf32, #tpu.memory_space<vmem>>) target(%dma_start3A_208 : memref<10112x128xf32, #tpu.memory_space<vmem_shared>>) offsets(%dma_start3A_205 : memref<125xi32, #tpu.memory_space<vmem>>) semaphore(%run_scoped3A_202 : memref<!tpu.dma_semaphore, #tpu.memory_space<semaphore_mem>>) {add = true}
          %dma_wait3A_209 = arith.constant 0 : i32
          %dma_wait3A_210 = tpu.memref_slice %arg6[%mul3A_169, %dma_wait3A_209] : memref<20x125xi32, #tpu.memory_space<vmem>> -> memref<1x125xi32, #tpu.memory_space<vmem>>
          %dma_wait3A_211 = tpu.memref_squeeze %dma_wait3A_210 : memref<1x125xi32, #tpu.memory_space<vmem>> -> memref<125xi32, #tpu.memory_space<vmem>>
          %dma_wait3A_212 = arith.constant 0 : i32
          %dma_wait3A_213 = arith.constant 0 : i32
          %dma_wait3A_214 = tpu.memref_slice %arg9[%dma_wait3A_212, %dma_wait3A_213] : memref<10112x128xf32, #tpu.memory_space<vmem_shared>> -> memref<10112x128xf32, #tpu.memory_space<vmem_shared>>
          tpu.wait_indirect_dma semaphore(%run_scoped3A_202 : memref<!tpu.dma_semaphore, #tpu.memory_space<semaphore_mem>>) src(%arg7 : memref<125x128xf32, #tpu.memory_space<vmem>>) dst(%dma_wait3A_214 : memref<10112x128xf32, #tpu.memory_space<vmem_shared>>)
          tpu.yield
        }) : () -> ()
        %add3A_184 = arith.constant 2 : i32
        %add3A_185 = arith.addi %mul3A_169, %add3A_184 : i32
        %dma_start3A_186 = arith.constant 0 : i32
        %dma_start3A_187 = tpu.memref_slice %arg5[%add3A_185, %dma_start3A_186] : memref<20x125xi32, #tpu.memory_space<vmem>> -> memref<1x125xi32, #tpu.memory_space<vmem>>
        %dma_start3A_188 = tpu.memref_squeeze %dma_start3A_187 : memref<1x125xi32, #tpu.memory_space<vmem>> -> memref<125xi32, #tpu.memory_space<vmem>>
        %dma_start3A_189 = arith.constant 0 : i32
        %dma_start3A_190 = arith.constant 0 : i32
        %dma_start3A_191 = tpu.memref_slice %arg2[%dma_start3A_189, %dma_start3A_190] : memref<10000x128xf32, #tpu.memory_space<hbm>> -> memref<10000x128xf32, #tpu.memory_space<hbm>>
        tpu.enqueue_indirect_dma source(%dma_start3A_191 : memref<10000x128xf32, #tpu.memory_space<hbm>>) target(%arg7 : memref<125x128xf32, #tpu.memory_space<vmem>>) offsets(%dma_start3A_188 : memref<125xi32, #tpu.memory_space<vmem>>) semaphore(%arg10 : memref<!tpu.dma_semaphore, #tpu.memory_space<semaphore_mem>>)
        %add3A_192 = arith.constant 1 : i32
        %add3A_193 = arith.addi %mul3A_169, %add3A_192 : i32
        %dma_wait3A_194 = arith.constant 0 : i32
        %dma_wait3A_195 = tpu.memref_slice %arg5[%add3A_193, %dma_wait3A_194] : memref<20x125xi32, #tpu.memory_space<vmem>> -> memref<1x125xi32, #tpu.memory_space<vmem>>
        %dma_wait3A_196 = tpu.memref_squeeze %dma_wait3A_195 : memref<1x125xi32, #tpu.memory_space<vmem>> -> memref<125xi32, #tpu.memory_space<vmem>>
        %dma_wait3A_197 = arith.constant 0 : i32
        %dma_wait3A_198 = arith.constant 0 : i32
        %dma_wait3A_199 = tpu.memref_slice %arg2[%dma_wait3A_197, %dma_wait3A_198] : memref<10000x128xf32, #tpu.memory_space<hbm>> -> memref<10000x128xf32, #tpu.memory_space<hbm>>
        tpu.wait_indirect_dma semaphore(%arg11 : memref<!tpu.dma_semaphore, #tpu.memory_space<semaphore_mem>>) src(%dma_wait3A_199 : memref<10000x128xf32, #tpu.memory_space<hbm>>) dst(%arg8 : memref<125x128xf32, #tpu.memory_space<vmem>>)
        %add3A_200 = arith.constant 1 : i32
        %add3A_201 = arith.addi %mul3A_169, %add3A_200 : i32
        "tpu.region"() ({
          %run_scoped3A_202 = tpu.sem_alloc : memref<!tpu.dma_semaphore, #tpu.memory_space<semaphore_mem>>
          %dma_start3A_203 = arith.constant 0 : i32
          %dma_start3A_204 = tpu.memref_slice %arg6[%add3A_201, %dma_start3A_203] : memref<20x125xi32, #tpu.memory_space<vmem>> -> memref<1x125xi32, #tpu.memory_space<vmem>>
          %dma_start3A_205 = tpu.memref_squeeze %dma_start3A_204 : memref<1x125xi32, #tpu.memory_space<vmem>> -> memref<125xi32, #tpu.memory_space<vmem>>
          %dma_start3A_206 = arith.constant 0 : i32
          %dma_start3A_207 = arith.constant 0 : i32
          %dma_start3A_208 = tpu.memref_slice %arg9[%dma_start3A_206, %dma_start3A_207] : memref<10112x128xf32, #tpu.memory_space<vmem_shared>> -> memref<10112x128xf32, #tpu.memory_space<vmem_shared>>
          tpu.enqueue_indirect_dma source(%arg8 : memref<125x128xf32, #tpu.memory_space<vmem>>) target(%dma_start3A_208 : memref<10112x128xf32, #tpu.memory_space<vmem_shared>>) offsets(%dma_start3A_205 : memref<125xi32, #tpu.memory_space<vmem>>) semaphore(%run_scoped3A_202 : memref<!tpu.dma_semaphore, #tpu.memory_space<semaphore_mem>>) {add = true}
          %dma_wait3A_209 = arith.constant 0 : i32
          %dma_wait3A_210 = tpu.memref_slice %arg6[%add3A_201, %dma_wait3A_209] : memref<20x125xi32, #tpu.memory_space<vmem>> -> memref<1x125xi32, #tpu.memory_space<vmem>>
          %dma_wait3A_211 = tpu.memref_squeeze %dma_wait3A_210 : memref<1x125xi32, #tpu.memory_space<vmem>> -> memref<125xi32, #tpu.memory_space<vmem>>
          %dma_wait3A_212 = arith.constant 0 : i32
          %dma_wait3A_213 = arith.constant 0 : i32
          %dma_wait3A_214 = tpu.memref_slice %arg9[%dma_wait3A_212, %dma_wait3A_213] : memref<10112x128xf32, #tpu.memory_space<vmem_shared>> -> memref<10112x128xf32, #tpu.memory_space<vmem_shared>>
          tpu.wait_indirect_dma semaphore(%run_scoped3A_202 : memref<!tpu.dma_semaphore, #tpu.memory_space<semaphore_mem>>) src(%arg8 : memref<125x128xf32, #tpu.memory_space<vmem>>) dst(%dma_wait3A_214 : memref<10112x128xf32, #tpu.memory_space<vmem_shared>>)
          tpu.yield
        }) : () -> ()
      }
      %scan3A_144 = arith.constant 9 : i32
      %dma_start3A_145 = arith.constant 19 : i32
      %dma_start3A_146 = arith.constant 0 : i32
      %dma_start3A_147 = tpu.memref_slice %arg5[%dma_start3A_145, %dma_start3A_146] : memref<20x125xi32, #tpu.memory_space<vmem>> -> memref<1x125xi32, #tpu.memory_space<vmem>>
      %dma_start3A_148 = tpu.memref_squeeze %dma_start3A_147 : memref<1x125xi32, #tpu.memory_space<vmem>> -> memref<125xi32, #tpu.memory_space<vmem>>
      %dma_start3A_149 = arith.constant 0 : i32
      %dma_start3A_150 = arith.constant 0 : i32
      %dma_start3A_151 = tpu.memref_slice %arg2[%dma_start3A_149, %dma_start3A_150] : memref<10000x128xf32, #tpu.memory_space<hbm>> -> memref<10000x128xf32, #tpu.memory_space<hbm>>
      tpu.enqueue_indirect_dma source(%dma_start3A_151 : memref<10000x128xf32, #tpu.memory_space<hbm>>) target(%arg8 : memref<125x128xf32, #tpu.memory_space<vmem>>) offsets(%dma_start3A_148 : memref<125xi32, #tpu.memory_space<vmem>>) semaphore(%arg11 : memref<!tpu.dma_semaphore, #tpu.memory_space<semaphore_mem>>)
      %dma_wait3A_152 = arith.constant 18 : i32
      %dma_wait3A_153 = arith.constant 0 : i32
      %dma_wait3A_154 = tpu.memref_slice %arg5[%dma_wait3A_152, %dma_wait3A_153] : memref<20x125xi32, #tpu.memory_space<vmem>> -> memref<1x125xi32, #tpu.memory_space<vmem>>
      %dma_wait3A_155 = tpu.memref_squeeze %dma_wait3A_154 : memref<1x125xi32, #tpu.memory_space<vmem>> -> memref<125xi32, #tpu.memory_space<vmem>>
      %dma_wait3A_156 = arith.constant 0 : i32
      %dma_wait3A_157 = arith.constant 0 : i32
      %dma_wait3A_158 = tpu.memref_slice %arg2[%dma_wait3A_156, %dma_wait3A_157] : memref<10000x128xf32, #tpu.memory_space<hbm>> -> memref<10000x128xf32, #tpu.memory_space<hbm>>
      tpu.wait_indirect_dma semaphore(%arg10 : memref<!tpu.dma_semaphore, #tpu.memory_space<semaphore_mem>>) src(%dma_wait3A_158 : memref<10000x128xf32, #tpu.memory_space<hbm>>) dst(%arg7 : memref<125x128xf32, #tpu.memory_space<vmem>>)
      %run_scoped3A = arith.constant 18 : i32
      "tpu.region"() ({
        %run_scoped3A_167 = tpu.sem_alloc : memref<!tpu.dma_semaphore, #tpu.memory_space<semaphore_mem>>
        %dma_start3A_168 = arith.constant 0 : i32
        %dma_start3A_169 = tpu.memref_slice %arg6[%run_scoped3A, %dma_start3A_168] : memref<20x125xi32, #tpu.memory_space<vmem>> -> memref<1x125xi32, #tpu.memory_space<vmem>>
        %dma_start3A_170 = tpu.memref_squeeze %dma_start3A_169 : memref<1x125xi32, #tpu.memory_space<vmem>> -> memref<125xi32, #tpu.memory_space<vmem>>
        %dma_start3A_171 = arith.constant 0 : i32
        %dma_start3A_172 = arith.constant 0 : i32
        %dma_start3A_173 = tpu.memref_slice %arg9[%dma_start3A_171, %dma_start3A_172] : memref<10112x128xf32, #tpu.memory_space<vmem_shared>> -> memref<10112x128xf32, #tpu.memory_space<vmem_shared>>
        tpu.enqueue_indirect_dma source(%arg7 : memref<125x128xf32, #tpu.memory_space<vmem>>) target(%dma_start3A_173 : memref<10112x128xf32, #tpu.memory_space<vmem_shared>>) offsets(%dma_start3A_170 : memref<125xi32, #tpu.memory_space<vmem>>) semaphore(%run_scoped3A_167 : memref<!tpu.dma_semaphore, #tpu.memory_space<semaphore_mem>>) {add = true}
        %dma_wait3A_174 = arith.constant 0 : i32
        %dma_wait3A_175 = tpu.memref_slice %arg6[%run_scoped3A, %dma_wait3A_174] : memref<20x125xi32, #tpu.memory_space<vmem>> -> memref<1x125xi32, #tpu.memory_space<vmem>>
        %dma_wait3A_176 = tpu.memref_squeeze %dma_wait3A_175 : memref<1x125xi32, #tpu.memory_space<vmem>> -> memref<125xi32, #tpu.memory_space<vmem>>
        %dma_wait3A_177 = arith.constant 0 : i32
        %dma_wait3A_178 = arith.constant 0 : i32
        %dma_wait3A_179 = tpu.memref_slice %arg9[%dma_wait3A_177, %dma_wait3A_178] : memref<10112x128xf32, #tpu.memory_space<vmem_shared>> -> memref<10112x128xf32, #tpu.memory_space<vmem_shared>>
        tpu.wait_indirect_dma semaphore(%run_scoped3A_167 : memref<!tpu.dma_semaphore, #tpu.memory_space<semaphore_mem>>) src(%arg7 : memref<125x128xf32, #tpu.memory_space<vmem>>) dst(%dma_wait3A_179 : memref<10112x128xf32, #tpu.memory_space<vmem_shared>>)
        tpu.yield
      }) : () -> ()
      %dma_wait3A_159 = arith.constant 19 : i32
      %dma_wait3A_160 = arith.constant 0 : i32
      %dma_wait3A_161 = tpu.memref_slice %arg5[%dma_wait3A_159, %dma_wait3A_160] : memref<20x125xi32, #tpu.memory_space<vmem>> -> memref<1x125xi32, #tpu.memory_space<vmem>>
      %dma_wait3A_162 = tpu.memref_squeeze %dma_wait3A_161 : memref<1x125xi32, #tpu.memory_space<vmem>> -> memref<125xi32, #tpu.memory_space<vmem>>
      %dma_wait3A_163 = arith.constant 0 : i32
      %dma_wait3A_164 = arith.constant 0 : i32
      %dma_wait3A_165 = tpu.memref_slice %arg2[%dma_wait3A_163, %dma_wait3A_164] : memref<10000x128xf32, #tpu.memory_space<hbm>> -> memref<10000x128xf32, #tpu.memory_space<hbm>>
      tpu.wait_indirect_dma semaphore(%arg11 : memref<!tpu.dma_semaphore, #tpu.memory_space<semaphore_mem>>) src(%dma_wait3A_165 : memref<10000x128xf32, #tpu.memory_space<hbm>>) dst(%arg8 : memref<125x128xf32, #tpu.memory_space<vmem>>)
      %run_scoped3A_166 = arith.constant 19 : i32
      "tpu.region"() ({
        %run_scoped3A_167 = tpu.sem_alloc : memref<!tpu.dma_semaphore, #tpu.memory_space<semaphore_mem>>
        %dma_start3A_168 = arith.constant 0 : i32
        %dma_start3A_169 = tpu.memref_slice %arg6[%run_scoped3A_166, %dma_start3A_168] : memref<20x125xi32, #tpu.memory_space<vmem>> -> memref<1x125xi32, #tpu.memory_space<vmem>>
        %dma_start3A_170 = tpu.memref_squeeze %dma_start3A_169 : memref<1x125xi32, #tpu.memory_space<vmem>> -> memref<125xi32, #tpu.memory_space<vmem>>
        %dma_start3A_171 = arith.constant 0 : i32
        %dma_start3A_172 = arith.constant 0 : i32
        %dma_start3A_173 = tpu.memref_slice %arg9[%dma_start3A_171, %dma_start3A_172] : memref<10112x128xf32, #tpu.memory_space<vmem_shared>> -> memref<10112x128xf32, #tpu.memory_space<vmem_shared>>
        tpu.enqueue_indirect_dma source(%arg8 : memref<125x128xf32, #tpu.memory_space<vmem>>) target(%dma_start3A_173 : memref<10112x128xf32, #tpu.memory_space<vmem_shared>>) offsets(%dma_start3A_170 : memref<125xi32, #tpu.memory_space<vmem>>) semaphore(%run_scoped3A_167 : memref<!tpu.dma_semaphore, #tpu.memory_space<semaphore_mem>>) {add = true}
        %dma_wait3A_174 = arith.constant 0 : i32
        %dma_wait3A_175 = tpu.memref_slice %arg6[%run_scoped3A_166, %dma_wait3A_174] : memref<20x125xi32, #tpu.memory_space<vmem>> -> memref<1x125xi32, #tpu.memory_space<vmem>>
        %dma_wait3A_176 = tpu.memref_squeeze %dma_wait3A_175 : memref<1x125xi32, #tpu.memory_space<vmem>> -> memref<125xi32, #tpu.memory_space<vmem>>
        %dma_wait3A_177 = arith.constant 0 : i32
        %dma_wait3A_178 = arith.constant 0 : i32
        %dma_wait3A_179 = tpu.memref_slice %arg9[%dma_wait3A_177, %dma_wait3A_178] : memref<10112x128xf32, #tpu.memory_space<vmem_shared>> -> memref<10112x128xf32, #tpu.memory_space<vmem_shared>>
        tpu.wait_indirect_dma semaphore(%run_scoped3A_167 : memref<!tpu.dma_semaphore, #tpu.memory_space<semaphore_mem>>) src(%arg8 : memref<125x128xf32, #tpu.memory_space<vmem>>) dst(%dma_wait3A_179 : memref<10112x128xf32, #tpu.memory_space<vmem_shared>>)
        tpu.yield
      }) : () -> ()
    }
    %scan3A_84 = arith.constant 4 : i32
    %barrier3A_85 = arith.constant 0 : index
    tpu.barrier barrier_id(%barrier3A_85)
    %dma_start3A_86 = arith.constant 0 : i32
    %dma_start3A_87 = tpu.memref_slice %arg4[%arg0, %mul3A_2, %dma_start3A_86] : memref<2x10112x128xf32, #tpu.memory_space<hbm>> -> memref<1x632x128xf32, #tpu.memory_space<hbm>>
    %dma_start3A_88 = tpu.memref_squeeze %dma_start3A_87 : memref<1x632x128xf32, #tpu.memory_space<hbm>> -> memref<632x128xf32, #tpu.memory_space<hbm>>
    %dma_start3A_89 = arith.constant 0 : i32
    %dma_start3A_90 = tpu.memref_slice %arg9[%mul3A_2, %dma_start3A_89] : memref<10112x128xf32, #tpu.memory_space<vmem_shared>> -> memref<632x128xf32, #tpu.memory_space<vmem_shared>>
    tpu.enqueue_dma source(%dma_start3A_90 : memref<632x128xf32, #tpu.memory_space<vmem_shared>>) target(%dma_start3A_88 : memref<632x128xf32, #tpu.memory_space<hbm>>) target_semaphore(%arg12 : memref<!tpu.dma_semaphore, #tpu.memory_space<semaphore_mem>>)
    %dma_wait3A_91 = arith.constant 0 : i32
    %dma_wait3A_92 = tpu.memref_slice %arg4[%arg0, %mul3A_2, %dma_wait3A_91] : memref<2x10112x128xf32, #tpu.memory_space<hbm>> -> memref<1x632x128xf32, #tpu.memory_space<hbm>>
    %dma_wait3A_93 = tpu.memref_squeeze %dma_wait3A_92 : memref<1x632x128xf32, #tpu.memory_space<hbm>> -> memref<632x128xf32, #tpu.memory_space<hbm>>
    %dma_wait3A_94 = arith.constant 0 : i32
    %dma_wait3A_95 = tpu.memref_slice %arg9[%mul3A_2, %dma_wait3A_94] : memref<10112x128xf32, #tpu.memory_space<vmem_shared>> -> memref<632x128xf32, #tpu.memory_space<vmem_shared>>
    tpu.wait_dma2 semaphore(%arg12 : memref<!tpu.dma_semaphore, #tpu.memory_space<semaphore_mem>>) src(%dma_wait3A_95 : memref<632x128xf32, #tpu.memory_space<vmem_shared>>) dst(%dma_wait3A_93 : memref<632x128xf32, #tpu.memory_space<hbm>>)
    return
  }
}

module attributes {stable_mosaic.version = 14 : i64} {
  func.func @_tc_root_body(%arg0: i32, %arg1: memref<1280x128xf32, #tpu.memory_space<vmem>>, %arg2: memref<128x128xf32, #tpu.memory_space<vmem>>, %arg3: memref<1280x128xf32, #tpu.memory_space<vmem>>) attributes {dimension_semantics = [#tpu.dimension_semantics<arbitrary>], iteration_bounds = array<i64: 8>, scalar_prefetch = 0 : i64, scratch_operands = 0 : i64, tpu.core_type = #tpu.core_type<tc>, window_params = [{transform_indices = @transform_0, window_bounds = array<i64: 1280, 128>}, {pipeline_mode = #tpu.pipeline_mode<synchronous>, transform_indices = @transform_1, window_bounds = array<i64: 128, 128>}, {transform_indices = @transform_2, window_bounds = array<i64: 1280, 128>}]} {
    %get3A = arith.constant 0 : index
    %get3A_0 = arith.constant 0 : index
    %get3A_1 = vector.load %arg1[%get3A, %get3A_0] : memref<1280x128xf32, #tpu.memory_space<vmem>>, vector<1280x128xf32>
    %get3A_2 = arith.constant 0 : index
    %get3A_3 = arith.constant 0 : index
    %get3A_4 = vector.load %arg2[%get3A_2, %get3A_3] : memref<128x128xf32, #tpu.memory_space<vmem>>, vector<128x128xf32>
    %dot_general3A = arith.constant dense<0.000000e+00> : vector<1280x128xf32>
    %dot_general3A_5 = tpu.matmul %get3A_1, %get3A_4, %dot_general3A {dimension_numbers = #tpu.dot_dimension_numbers<[1], [1], [0], [0], [0, 0, 1, 0], [], []>, transpose_lhs_hint = false} : vector<1280x128xf32>, vector<128x128xf32>, vector<1280x128xf32> -> vector<1280x128xf32>
    %swap3A = arith.constant 0 : index
    %swap3A_6 = arith.constant 0 : index
    %swap3A_7 = vector.load %arg3[%swap3A, %swap3A_6] : memref<1280x128xf32, #tpu.memory_space<vmem>>, vector<1280x128xf32>
    tpu.vector_store %arg3[%swap3A, %swap3A_6], %dot_general3A_5 {strides = array<i32>} : memref<1280x128xf32, #tpu.memory_space<vmem>>, vector<1280x128xf32>,
    return
  }
  func.func @transform_0(%arg0: i32) -> (i32, i32) {
    %c0_i32 = arith.constant 0 : i32
    %c0_i32_0 = arith.constant 0 : i32
    return %arg0, %c0_i32 : i32, i32
  }
  func.func @transform_1(%arg0: i32) -> (i32, i32) {
    %c0_i32 = arith.constant 0 : i32
    %c0_i32_0 = arith.constant 0 : i32
    %c0_i32_1 = arith.constant 0 : i32
    return %c0_i32, %c0_i32_0 : i32, i32
  }
  func.func @transform_2(%arg0: i32) -> (i32, i32) {
    %c0_i32 = arith.constant 0 : i32
    %c0_i32_0 = arith.constant 0 : i32
    return %arg0, %c0_i32 : i32, i32
  }
}

module attributes {stable_mosaic.version = 14 : i64} {
  func.func @_tc1_body(%arg0: i32, %arg1: memref<2x1280x128xf32, #tpu.memory_space<vmem>>, %arg2: memref<1x32x1280xf32, #tpu.memory_space<vmem>>, %arg3: memref<1280x128xf32, #tpu.memory_space<vmem>>, %arg4: memref<128x128xf32, #tpu.memory_space<vmem>>, %arg5: memref<1x128xf32, #tpu.memory_space<vmem>>, %arg6: memref<1280x128xf32, #tpu.memory_space<vmem>>) attributes {dimension_semantics = [#tpu.dimension_semantics<arbitrary>], iteration_bounds = array<i64: 8>, scalar_prefetch = 0 : i64, scratch_operands = 0 : i64, tpu.core_type = #tpu.core_type<tc>, window_params = [{transform_indices = @transform_0, window_bounds = array<i64: 2, 1280, 128>}, {transform_indices = @transform_1, window_bounds = array<i64: 1, 32, 1280>}, {transform_indices = @transform_2, window_bounds = array<i64: 1280, 128>}, {pipeline_mode = #tpu.pipeline_mode<synchronous>, transform_indices = @transform_3, window_bounds = array<i64: 128, 128>}, {pipeline_mode = #tpu.pipeline_mode<synchronous>, transform_indices = @transform_4, window_bounds = array<i64: 1, 128>}, {transform_indices = @transform_5, window_bounds = array<i64: 1280, 128>}]} {
    %get3A = arith.constant 0 : index
    %get3A_0 = arith.constant 0 : index
    %get3A_1 = arith.constant 0 : index
    %get3A_2 = vector.load %arg1[%get3A, %get3A_0, %get3A_1] : memref<2x1280x128xf32, #tpu.memory_space<vmem>>, vector<1x1280x128xf32>
    %get3A_3 = vector.shape_cast %get3A_2 : vector<1x1280x128xf32> to vector<1280x128xf32>
    %get3A_4 = arith.constant 1 : index
    %get3A_5 = arith.constant 0 : index
    %get3A_6 = arith.constant 0 : index
    %get3A_7 = vector.load %arg1[%get3A_4, %get3A_5, %get3A_6] : memref<2x1280x128xf32, #tpu.memory_space<vmem>>, vector<1x1280x128xf32>
    %get3A_8 = vector.shape_cast %get3A_7 : vector<1x1280x128xf32> to vector<1280x128xf32>
    %add3A = arith.addf %get3A_3, %get3A_8 : vector<1280x128xf32>
    %get3A_9 = arith.constant 0 : index
    %get3A_10 = arith.constant 0 : index
    %get3A_11 = arith.constant 0 : index
    %get3A_12 = vector.load %arg2[%get3A_9, %get3A_10, %get3A_11] : memref<1x32x1280xf32, #tpu.memory_space<vmem>>, vector<1x32x1280xf32>
    %get3A_13 = vector.shape_cast %get3A_12 : vector<1x32x1280xf32> to vector<32x1280xf32>
    %reduce_sum3A = arith.constant dense<0.000000e+00> : vector<1280xf32>
    %reduce_sum3A_14 = vector.multi_reduction <add>, %get3A_13, %reduce_sum3A [0] : vector<32x1280xf32> to vector<1280xf32>
    %broadcast_in_dim3A = vector.shape_cast %reduce_sum3A_14 : vector<1280xf32> to vector<1280x1xf32>
    %max3A = arith.constant 1.000000e+00 : f32
    %max3A_15 = vector.broadcast %max3A : f32 to vector<1280x1xf32>
    %max3A_16 = arith.maximumf %broadcast_in_dim3A, %max3A_15 : vector<1280x1xf32>
    %div3A = vector.broadcast %max3A_16 : vector<1280x1xf32> to vector<1280x128xf32>
    %div3A_17 = arith.divf %add3A, %div3A : vector<1280x128xf32>
    %get3A_18 = arith.constant 0 : index
    %get3A_19 = arith.constant 0 : index
    %get3A_20 = vector.load %arg4[%get3A_18, %get3A_19] : memref<128x128xf32, #tpu.memory_space<vmem>>, vector<128x128xf32>
    %dot_general3A = arith.constant dense<0.000000e+00> : vector<1280x128xf32>
    %dot_general3A_21 = tpu.matmul %div3A_17, %get3A_20, %dot_general3A {dimension_numbers = #tpu.dot_dimension_numbers<[1], [1], [0], [0], [0, 0, 1, 0], [], []>, transpose_lhs_hint = false} : vector<1280x128xf32>, vector<128x128xf32>, vector<1280x128xf32> -> vector<1280x128xf32>
    %get3A_22 = arith.constant 0 : index
    %get3A_23 = arith.constant 0 : index
    %get3A_24 = vector.load %arg5[%get3A_22, %get3A_23] : memref<1x128xf32, #tpu.memory_space<vmem>>, vector<1x128xf32>
    %add3A_25 = vector.broadcast %get3A_24 : vector<1x128xf32> to vector<1280x128xf32>
    %add3A_26 = arith.addf %dot_general3A_21, %add3A_25 : vector<1280x128xf32>
    %get3A_27 = arith.constant 0 : index
    %get3A_28 = arith.constant 0 : index
    %get3A_29 = vector.load %arg3[%get3A_27, %get3A_28] : memref<1280x128xf32, #tpu.memory_space<vmem>>, vector<1280x128xf32>
    %add3A_30 = arith.addf %add3A_26, %get3A_29 : vector<1280x128xf32>
    %ge3A = arith.constant 0.000000e+00 : f32
    %ge3A_31 = vector.broadcast %ge3A : f32 to vector<1280x128xf32>
    %ge3A_32 = arith.cmpf oge, %add3A_30, %ge3A_31 : vector<1280x128xf32>
    %mul3A = arith.constant 0.00999999977 : f32
    %mul3A_33 = vector.broadcast %mul3A : f32 to vector<1280x128xf32>
    %mul3A_34 = arith.mulf %mul3A_33, %add3A_30 : vector<1280x128xf32>
    %select_n3A = arith.select %ge3A_32, %add3A_30, %mul3A_34 : vector<1280x128xi1>, vector<1280x128xf32>
    %swap3A = arith.constant 0 : index
    %swap3A_35 = arith.constant 0 : index
    %swap3A_36 = vector.load %arg6[%swap3A, %swap3A_35] : memref<1280x128xf32, #tpu.memory_space<vmem>>, vector<1280x128xf32>
    tpu.vector_store %arg6[%swap3A, %swap3A_35], %select_n3A {strides = array<i32>} : memref<1280x128xf32, #tpu.memory_space<vmem>>, vector<1280x128xf32>,
    return
  }
  func.func @transform_0(%arg0: i32) -> (i32, i32, i32) {
    %c0_i32 = arith.constant 0 : i32
    %c0_i32_0 = arith.constant 0 : i32
    %c0_i32_1 = arith.constant 0 : i32
    return %c0_i32, %arg0, %c0_i32_0 : i32, i32, i32
  }
  func.func @transform_1(%arg0: i32) -> (i32, i32, i32) {
    %c0_i32 = arith.constant 0 : i32
    %c0_i32_0 = arith.constant 0 : i32
    %c0_i32_1 = arith.constant 0 : i32
    return %arg0, %c0_i32, %c0_i32_0 : i32, i32, i32
  }
  func.func @transform_2(%arg0: i32) -> (i32, i32) {
    %c0_i32 = arith.constant 0 : i32
    %c0_i32_0 = arith.constant 0 : i32
    return %arg0, %c0_i32 : i32, i32
  }
  func.func @transform_3(%arg0: i32) -> (i32, i32) {
    %c0_i32 = arith.constant 0 : i32
    %c0_i32_0 = arith.constant 0 : i32
    %c0_i32_1 = arith.constant 0 : i32
    return %c0_i32, %c0_i32_0 : i32, i32
  }
  func.func @transform_4(%arg0: i32) -> (i32, i32) {
    %c0_i32 = arith.constant 0 : i32
    %c0_i32_0 = arith.constant 0 : i32
    %c0_i32_1 = arith.constant 0 : i32
    return %c0_i32, %c0_i32_0 : i32, i32
  }
  func.func @transform_5(%arg0: i32) -> (i32, i32) {
    %c0_i32 = arith.constant 0 : i32
    %c0_i32_0 = arith.constant 0 : i32
    return %arg0, %c0_i32 : i32, i32
  }
}

module attributes {stable_mosaic.version = 14 : i64} {
  func.func @_tc2_body(%arg0: i32, %arg1: memref<2x1280x128xf32, #tpu.memory_space<vmem>>, %arg2: memref<1x32x1280xf32, #tpu.memory_space<vmem>>, %arg3: memref<1280x128xf32, #tpu.memory_space<vmem>>, %arg4: memref<128x128xf32, #tpu.memory_space<vmem>>, %arg5: memref<1x128xf32, #tpu.memory_space<vmem>>, %arg6: memref<128x128xf32, #tpu.memory_space<vmem>>, %arg7: memref<1x128xf32, #tpu.memory_space<vmem>>, %arg8: memref<128x128xf32, #tpu.memory_space<vmem>>, %arg9: memref<1x128xf32, #tpu.memory_space<vmem>>, %arg10: memref<1x128xf32, #tpu.memory_space<vmem>>, %arg11: memref<1x1xf32, #tpu.memory_space<vmem>>, %arg12: memref<1x1280xf32, #tpu.memory_space<vmem>>) attributes {dimension_semantics = [#tpu.dimension_semantics<arbitrary>], iteration_bounds = array<i64: 8>, scalar_prefetch = 0 : i64, scratch_operands = 0 : i64, tpu.core_type = #tpu.core_type<tc>, window_params = [{transform_indices = @transform_0, window_bounds = array<i64: 2, 1280, 128>}, {transform_indices = @transform_1, window_bounds = array<i64: 1, 32, 1280>}, {transform_indices = @transform_2, window_bounds = array<i64: 1280, 128>}, {pipeline_mode = #tpu.pipeline_mode<synchronous>, transform_indices = @transform_3, window_bounds = array<i64: 128, 128>}, {pipeline_mode = #tpu.pipeline_mode<synchronous>, transform_indices = @transform_4, window_bounds = array<i64: 1, 128>}, {pipeline_mode = #tpu.pipeline_mode<synchronous>, transform_indices = @transform_5, window_bounds = array<i64: 128, 128>}, {pipeline_mode = #tpu.pipeline_mode<synchronous>, transform_indices = @transform_6, window_bounds = array<i64: 1, 128>}, {pipeline_mode = #tpu.pipeline_mode<synchronous>, transform_indices = @transform_7, window_bounds = array<i64: 128, 128>}, {pipeline_mode = #tpu.pipeline_mode<synchronous>, transform_indices = @transform_8, window_bounds = array<i64: 1, 128>}, {pipeline_mode = #tpu.pipeline_mode<synchronous>, transform_indices = @transform_9, window_bounds = array<i64: 1, 128>}, {pipeline_mode = #tpu.pipeline_mode<synchronous>, transform_indices = @transform_10, window_bounds = array<i64: 1, 1>}, {transform_indices = @transform_11, window_bounds = array<i64: 1, 1280>}]} {
    %get3A = arith.constant 0 : index
    %get3A_0 = arith.constant 0 : index
    %get3A_1 = arith.constant 0 : index
    %get3A_2 = vector.load %arg1[%get3A, %get3A_0, %get3A_1] : memref<2x1280x128xf32, #tpu.memory_space<vmem>>, vector<1x1280x128xf32>
    %get3A_3 = vector.shape_cast %get3A_2 : vector<1x1280x128xf32> to vector<1280x128xf32>
    %get3A_4 = arith.constant 1 : index
    %get3A_5 = arith.constant 0 : index
    %get3A_6 = arith.constant 0 : index
    %get3A_7 = vector.load %arg1[%get3A_4, %get3A_5, %get3A_6] : memref<2x1280x128xf32, #tpu.memory_space<vmem>>, vector<1x1280x128xf32>
    %get3A_8 = vector.shape_cast %get3A_7 : vector<1x1280x128xf32> to vector<1280x128xf32>
    %add3A = arith.addf %get3A_3, %get3A_8 : vector<1280x128xf32>
    %get3A_9 = arith.constant 0 : index
    %get3A_10 = arith.constant 0 : index
    %get3A_11 = arith.constant 0 : index
    %get3A_12 = vector.load %arg2[%get3A_9, %get3A_10, %get3A_11] : memref<1x32x1280xf32, #tpu.memory_space<vmem>>, vector<1x32x1280xf32>
    %get3A_13 = vector.shape_cast %get3A_12 : vector<1x32x1280xf32> to vector<32x1280xf32>
    %reduce_sum3A = arith.constant dense<0.000000e+00> : vector<1280xf32>
    %reduce_sum3A_14 = vector.multi_reduction <add>, %get3A_13, %reduce_sum3A [0] : vector<32x1280xf32> to vector<1280xf32>
    %broadcast_in_dim3A = vector.shape_cast %reduce_sum3A_14 : vector<1280xf32> to vector<1280x1xf32>
    %max3A = arith.constant 1.000000e+00 : f32
    %max3A_15 = vector.broadcast %max3A : f32 to vector<1280x1xf32>
    %max3A_16 = arith.maximumf %broadcast_in_dim3A, %max3A_15 : vector<1280x1xf32>
    %div3A = vector.broadcast %max3A_16 : vector<1280x1xf32> to vector<1280x128xf32>
    %div3A_17 = arith.divf %add3A, %div3A : vector<1280x128xf32>
    %get3A_18 = arith.constant 0 : index
    %get3A_19 = arith.constant 0 : index
    %get3A_20 = vector.load %arg4[%get3A_18, %get3A_19] : memref<128x128xf32, #tpu.memory_space<vmem>>, vector<128x128xf32>
    %dot_general3A = arith.constant dense<0.000000e+00> : vector<1280x128xf32>
    %dot_general3A_21 = tpu.matmul %div3A_17, %get3A_20, %dot_general3A {dimension_numbers = #tpu.dot_dimension_numbers<[1], [1], [0], [0], [0, 0, 1, 0], [], []>, transpose_lhs_hint = false} : vector<1280x128xf32>, vector<128x128xf32>, vector<1280x128xf32> -> vector<1280x128xf32>
    %get3A_22 = arith.constant 0 : index
    %get3A_23 = arith.constant 0 : index
    %get3A_24 = vector.load %arg5[%get3A_22, %get3A_23] : memref<1x128xf32, #tpu.memory_space<vmem>>, vector<1x128xf32>
    %add3A_25 = vector.broadcast %get3A_24 : vector<1x128xf32> to vector<1280x128xf32>
    %add3A_26 = arith.addf %dot_general3A_21, %add3A_25 : vector<1280x128xf32>
    %get3A_27 = arith.constant 0 : index
    %get3A_28 = arith.constant 0 : index
    %get3A_29 = vector.load %arg3[%get3A_27, %get3A_28] : memref<1280x128xf32, #tpu.memory_space<vmem>>, vector<1280x128xf32>
    %add3A_30 = arith.addf %add3A_26, %get3A_29 : vector<1280x128xf32>
    %get3A_31 = arith.constant 0 : index
    %get3A_32 = arith.constant 0 : index
    %get3A_33 = vector.load %arg6[%get3A_31, %get3A_32] : memref<128x128xf32, #tpu.memory_space<vmem>>, vector<128x128xf32>
    %dot_general3A_34 = arith.constant dense<0.000000e+00> : vector<1280x128xf32>
    %dot_general3A_35 = tpu.matmul %add3A_30, %get3A_33, %dot_general3A_34 {dimension_numbers = #tpu.dot_dimension_numbers<[1], [1], [0], [0], [0, 0, 1, 0], [], []>, transpose_lhs_hint = false} : vector<1280x128xf32>, vector<128x128xf32>, vector<1280x128xf32> -> vector<1280x128xf32>
    %get3A_36 = arith.constant 0 : index
    %get3A_37 = arith.constant 0 : index
    %get3A_38 = vector.load %arg7[%get3A_36, %get3A_37] : memref<1x128xf32, #tpu.memory_space<vmem>>, vector<1x128xf32>
    %add3A_39 = vector.broadcast %get3A_38 : vector<1x128xf32> to vector<1280x128xf32>
    %add3A_40 = arith.addf %dot_general3A_35, %add3A_39 : vector<1280x128xf32>
    %ge3A = arith.constant 0.000000e+00 : f32
    %ge3A_41 = vector.broadcast %ge3A : f32 to vector<1280x128xf32>
    %ge3A_42 = arith.cmpf oge, %add3A_40, %ge3A_41 : vector<1280x128xf32>
    %mul3A = arith.constant 0.00999999977 : f32
    %mul3A_43 = vector.broadcast %mul3A : f32 to vector<1280x128xf32>
    %mul3A_44 = arith.mulf %mul3A_43, %add3A_40 : vector<1280x128xf32>
    %select_n3A = arith.select %ge3A_42, %add3A_40, %mul3A_44 : vector<1280x128xi1>, vector<1280x128xf32>
    %get3A_45 = arith.constant 0 : index
    %get3A_46 = arith.constant 0 : index
    %get3A_47 = vector.load %arg8[%get3A_45, %get3A_46] : memref<128x128xf32, #tpu.memory_space<vmem>>, vector<128x128xf32>
    %dot_general3A_48 = arith.constant dense<0.000000e+00> : vector<1280x128xf32>
    %dot_general3A_49 = tpu.matmul %select_n3A, %get3A_47, %dot_general3A_48 {dimension_numbers = #tpu.dot_dimension_numbers<[1], [1], [0], [0], [0, 0, 1, 0], [], []>, transpose_lhs_hint = false} : vector<1280x128xf32>, vector<128x128xf32>, vector<1280x128xf32> -> vector<1280x128xf32>
    %get3A_50 = arith.constant 0 : index
    %get3A_51 = arith.constant 0 : index
    %get3A_52 = vector.load %arg9[%get3A_50, %get3A_51] : memref<1x128xf32, #tpu.memory_space<vmem>>, vector<1x128xf32>
    %add3A_53 = vector.broadcast %get3A_52 : vector<1x128xf32> to vector<1280x128xf32>
    %add3A_54 = arith.addf %dot_general3A_49, %add3A_53 : vector<1280x128xf32>
    %ge3A_55 = arith.constant 0.000000e+00 : f32
    %ge3A_56 = vector.broadcast %ge3A_55 : f32 to vector<1280x128xf32>
    %ge3A_57 = arith.cmpf oge, %add3A_54, %ge3A_56 : vector<1280x128xf32>
    %mul3A_58 = arith.constant 0.00999999977 : f32
    %mul3A_59 = vector.broadcast %mul3A_58 : f32 to vector<1280x128xf32>
    %mul3A_60 = arith.mulf %mul3A_59, %add3A_54 : vector<1280x128xf32>
    %select_n3A_61 = arith.select %ge3A_57, %add3A_54, %mul3A_60 : vector<1280x128xi1>, vector<1280x128xf32>
    %get3A_62 = arith.constant 0 : index
    %get3A_63 = arith.constant 0 : index
    %get3A_64 = vector.load %arg10[%get3A_62, %get3A_63] : memref<1x128xf32, #tpu.memory_space<vmem>>, vector<1x128xf32>
    %mul3A_65 = vector.broadcast %get3A_64 : vector<1x128xf32> to vector<1280x128xf32>
    %mul3A_66 = arith.mulf %select_n3A_61, %mul3A_65 : vector<1280x128xf32>
    %reduce_sum3A_67 = arith.constant dense<0.000000e+00> : vector<1280xf32>
    %reduce_sum3A_68 = vector.multi_reduction <add>, %mul3A_66, %reduce_sum3A_67 [1] : vector<1280x128xf32> to vector<1280xf32>
    %get3A_69 = arith.constant 0 : index
    %get3A_70 = arith.constant 0 : index
    %get3A_71 = vector.load %arg11[%get3A_69, %get3A_70] : memref<1x1xf32, #tpu.memory_space<vmem>>, vector<1x1xf32>
    %get3A_72 = vector.extract %get3A_71[0, 0] : f32 from vector<1x1xf32>
    %add3A_73 = vector.broadcast %get3A_72 : f32 to vector<1280xf32>
    %add3A_74 = arith.addf %reduce_sum3A_68, %add3A_73 : vector<1280xf32>
    %logistic3A = arith.negf %add3A_74 : vector<1280xf32>
    %logistic3A_75 = math.exp %logistic3A : vector<1280xf32>
    %logistic3A_76 = arith.constant 1.000000e+00 : f32
    %logistic3A_77 = vector.broadcast %logistic3A_76 : f32 to vector<1280xf32>
    %logistic3A_78 = arith.addf %logistic3A_77, %logistic3A_75 : vector<1280xf32>
    %logistic3A_79 = arith.divf %logistic3A_77, %logistic3A_78 : vector<1280xf32>
    %broadcast_in_dim3A_80 = vector.shape_cast %logistic3A_79 : vector<1280xf32> to vector<1x1280xf32>
    %swap3A = arith.constant 0 : index
    %swap3A_81 = arith.constant 0 : index
    %swap3A_82 = vector.load %arg12[%swap3A, %swap3A_81] : memref<1x1280xf32, #tpu.memory_space<vmem>>, vector<1x1280xf32>
    tpu.vector_store %arg12[%swap3A, %swap3A_81], %broadcast_in_dim3A_80 {strides = array<i32>} : memref<1x1280xf32, #tpu.memory_space<vmem>>, vector<1x1280xf32>,
    return
  }
  func.func @transform_0(%arg0: i32) -> (i32, i32, i32) {
    %c0_i32 = arith.constant 0 : i32
    %c0_i32_0 = arith.constant 0 : i32
    %c0_i32_1 = arith.constant 0 : i32
    return %c0_i32, %arg0, %c0_i32_0 : i32, i32, i32
  }
  func.func @transform_1(%arg0: i32) -> (i32, i32, i32) {
    %c0_i32 = arith.constant 0 : i32
    %c0_i32_0 = arith.constant 0 : i32
    %c0_i32_1 = arith.constant 0 : i32
    return %arg0, %c0_i32, %c0_i32_0 : i32, i32, i32
  }
  func.func @transform_2(%arg0: i32) -> (i32, i32) {
    %c0_i32 = arith.constant 0 : i32
    %c0_i32_0 = arith.constant 0 : i32
    return %arg0, %c0_i32 : i32, i32
  }
  func.func @transform_3(%arg0: i32) -> (i32, i32) {
    %c0_i32 = arith.constant 0 : i32
    %c0_i32_0 = arith.constant 0 : i32
    %c0_i32_1 = arith.constant 0 : i32
    return %c0_i32, %c0_i32_0 : i32, i32
  }
  func.func @transform_4(%arg0: i32) -> (i32, i32) {
    %c0_i32 = arith.constant 0 : i32
    %c0_i32_0 = arith.constant 0 : i32
    %c0_i32_1 = arith.constant 0 : i32
    return %c0_i32, %c0_i32_0 : i32, i32
  }
  func.func @transform_5(%arg0: i32) -> (i32, i32) {
    %c0_i32 = arith.constant 0 : i32
    %c0_i32_0 = arith.constant 0 : i32
    %c0_i32_1 = arith.constant 0 : i32
    return %c0_i32, %c0_i32_0 : i32, i32
  }
  func.func @transform_6(%arg0: i32) -> (i32, i32) {
    %c0_i32 = arith.constant 0 : i32
    %c0_i32_0 = arith.constant 0 : i32
    %c0_i32_1 = arith.constant 0 : i32
    return %c0_i32, %c0_i32_0 : i32, i32
  }
  func.func @transform_7(%arg0: i32) -> (i32, i32) {
    %c0_i32 = arith.constant 0 : i32
    %c0_i32_0 = arith.constant 0 : i32
    %c0_i32_1 = arith.constant 0 : i32
    return %c0_i32, %c0_i32_0 : i32, i32
  }
  func.func @transform_8(%arg0: i32) -> (i32, i32) {
    %c0_i32 = arith.constant 0 : i32
    %c0_i32_0 = arith.constant 0 : i32
    %c0_i32_1 = arith.constant 0 : i32
    return %c0_i32, %c0_i32_0 : i32, i32
  }
  func.func @transform_9(%arg0: i32) -> (i32, i32) {
    %c0_i32 = arith.constant 0 : i32
    %c0_i32_0 = arith.constant 0 : i32
    %c0_i32_1 = arith.constant 0 : i32
    return %c0_i32, %c0_i32_0 : i32, i32
  }
  func.func @transform_10(%arg0: i32) -> (i32, i32) {
    %c0_i32 = arith.constant 0 : i32
    %c0_i32_0 = arith.constant 0 : i32
    %c0_i32_1 = arith.constant 0 : i32
    return %c0_i32, %c0_i32_0 : i32, i32
  }
  func.func @transform_11(%arg0: i32) -> (i32, i32) {
    %c0_i32 = arith.constant 0 : i32
    %c0_i32_0 = arith.constant 0 : i32
    return %c0_i32, %arg0 : i32, i32
  }
}

</mosaic_0001>

<sc_bundles>
// kernel: kernel.11.cloned.1.call-start
scs
__scs_entry_jumppad:
0x0: {  	(pc) =	sbr.rel $0x88, $3  }
0x1: {  	(tag) =	ssettag $0x0;
	lr =	simm.s32 $0x1  }
0x2: {  	[smem:$0x3F93] =	sst lr;
	_ =	strace $0xD0000000  }
0x3: {  	_ = 	snop  }
0x4: {  	_ = 	snop  }
0x5: {  	_ = 	snop  }
0x6: {  	_ = 	snop  }
0x7: {  	_ = 	snop  }
__scs_overlays_trampoline_lowered:
0x8: {  	[smem:$0x3FA2] =	sst s0  }
0x9: {  	[smem:$0x3FA3] =	sst s1  }
0xa: {  	[smem:$0x3FA4] =	sst s2  }
0xb: {  	[smem:$0x3FA5] =	sst s3  }
0xc: {  	[smem:$0x3FA6] =	sst s4  }
0xd: {  	[smem:$0x3FA7] =	sst s5  }
0xe: {  	[smem:$0x3FA8] =	sst s6  }
0xf: {  	[smem:$0x3FA9] =	sst s7  }
0x10: {  	[smem:$0x3FAA] =	sst s8  }
0x11: {  	[smem:$0x3FAB] =	sst s9;
	s0 =	simm.s32 @!p0 $0x0  }
0x12: {  	s1 =	sld [smem:$0x3F91];
	s0 =	simm.s32 @p0 $0x1  }
0x13: {  	[smem:$0x3FAC] =	sst s0;
	s0 =	simm.s32 @!p1 $0x0  }
0x14: {  	s2 =	sld [smem:$0x3F90];
	s0 =	simm.s32 @p1 $0x1  }
0x15: {  	[smem:$0x3FAD] =	sst s0;
	s0 =	simm.s32 @!p2 $0x0  }
0x16: {  	s3 =	sld [smem:$0x3FDB];
	s0 =	simm.s32 @p2 $0x1  }
0x17: {  	s4 =	simm.s32 $0x1BF5;
	[smem:$0x3FAF] =	sst s0  }
0x18: {  	s0 =	sld [smem:$0x3F92];
	_ =	swait.ge [sflag:s4], $0x0  }
0x19: {  	s7 =	sld [smem:$0x3F93]  }
0x1a: {  	s8 =	sadd.s32 $0xFFFFE003, lr  }
0x1b: {  	s9 =	sadd.s32 $0xFFFFFEF7, lr;
	s5 =	simm.s32 $0xFFFFFFFF;
	p2 =	slt.u32 s8, $0xFFFFF086  }
0x1c: {  	p1 =	slt.u32 s9, $0xF7A;
	s5 =	simm.s32 @!p2 $0x0  }
0x1d: {  	s5 =	simm.s32 @p1 $0x1;
	p0 =	seq.s32 s7, s2  }
0x1e: {  	s7 =	smul.u32 @!p0 $0xF7A, s2;
	p2 =	seq.s32 @!p0 s5, $0x0  }
0x1f: {  	s9 =	smul.u32 $0xF7A, s1;
	s8 =	simm.s32 @!p0 $0x1BF5;
	p2 =	por !p2, p0  }
0x20: {  	[sflag:s8] =	ssyncset.s32 @!p0 $0xFFFFF086;
	s6 =	sadd.s32 @!p0 s3, s7;
	s7 =	simm.s32 @!p0 $0x108  }
0x21: {  	s3 =	sadd.s32 s3, s9;
	s6 =	sadd.s32 @!p0 $0x88, s6;
	s7 =	simm.s32 @p2 $0x1082  }
0x22: {  	[simem:s7], [sflag:s8] =	dma.local @!p0 [hbm:s6], $0xF7A  }
0x23: {  	s9 =	sor.u32 $0xD0000000, s2;
	s6 =	simm.s32 $0x108;
	_ =	swait.ge @!p0 [sflag:s8], $0x0  }
0x24: {  	s3 =	sadd.s32 $0x88, s3;
	s6 =	simm.s32 @!p1 $0x1082;
	[sflag:s4] =	ssyncset.s32 $0xFFFFF086  }
0x25: {  	[simem:s6], [sflag:s4] =	dma.local [hbm:s3], $0xF7A  }
0x26: {  	[smem:$0x3F93] =	sst s1;
	(tag) =	ssettag s2;
	_ =	strace s9  }
0x27: {  	s1 =	sld [smem:$0x3FA3]  }
0x28: {  	s2 =	sld [smem:$0x3FA4]  }
0x29: {  	s4 =	sld [smem:$0x3FA6]  }
0x2a: {  	p0 =	seq.s32 s5, $0x0;
	s5 =	sld [smem:$0x3FA7]  }
0x2b: {  	s6 =	sld [smem:$0x3FA8]  }
0x2c: {  	s7 =	sld [smem:$0x3FA9]  }
0x2d: {  	s3 =	simm.s32 $0x108;
	s8 =	sld [smem:$0x3FAA]  }
0x2e: {  	s3 =	simm.s32 @!p0 $0x1082;
	s9 =	sld [smem:$0x3FAB]  }
0x2f: {  	lr =	sadd.s32 s0, s3;
	s0 =	sld [smem:$0x3FA2]  }
0x30: {  	s3 =	sld [smem:$0x3FA5]  }
0x31: {  	[smem:$0x3FAE] =	sst s10  }
0x32: {  	s10 =	sld [smem:$0x3FAC];
	_ =	sdelay $0x3  }
0x33: {  	p0 =	seq.s32 s10, $0x1;
	s10 =	sld [smem:$0x3FAE];
	_ =	sdelay $0x3  }
0x34: {  	[smem:$0x3FAE] =	sst s10  }
0x35: {  	s10 =	sld [smem:$0x3FAD];
	_ =	sdelay $0x3  }
0x36: {  	p1 =	seq.s32 s10, $0x1;
	s10 =	sld [smem:$0x3FAE];
	_ =	sdelay $0x3  }
0x37: {  	[smem:$0x3FAE] =	sst s10  }
0x38: {  	s10 =	sld [smem:$0x3FAF]  }
0x39: {  	_ = 	snop;
	(pc) =	sbr.ind lr, $3  }
0x3a: {  	_ = 	snop  }
0x3b: {  	_ = 	snop  }
0x3c: {  	p2 =	seq.s32 s10, $0x1;
	s10 =	sld [smem:$0x3FAE]  }
0x3d: {  	_ =	shalt  }
0x3e: {  	_ =	shalt  }
0x3f: {  	_ =	shalt  }
0x40: {  	_ =	shalt  }
0x41: {  	_ =	shalt  }
0x42: {  	_ =	shalt  }
0x43: {  	_ =	shalt  }
0x44: {  	_ =	shalt  }
0x45: {  	_ =	shalt  }
0x46: {  	_ =	shalt  }
0x47: {  	_ =	shalt  }
0x48: {  	_ =	shalt  }
0x49: {  	_ =	shalt  }
0x4a: {  	_ =	shalt  }
0x4b: {  	_ =	shalt  }
0x4c: {  	_ =	shalt  }
0x4d: {  	_ =	shalt  }
0x4e: {  	_ =	shalt  }
0x4f: {  	_ =	shalt  }
0x50: {  	_ =	shalt  }
0x51: {  	_ =	shalt  }
0x52: {  	_ =	shalt  }
0x53: {  	_ =	shalt  }
0x54: {  	_ =	shalt  }
0x55: {  	_ =	shalt  }
0x56: {  	_ =	shalt  }
0x57: {  	_ =	shalt  }
0x58: {  	_ =	shalt  }
0x59: {  	_ =	shalt  }
0x5a: {  	_ =	shalt  }
0x5b: {  	_ =	shalt  }
0x5c: {  	_ =	shalt  }
0x5d: {  	_ =	shalt  }
0x5e: {  	_ =	shalt  }
0x5f: {  	_ =	shalt  }
0x60: {  	_ =	shalt  }
0x61: {  	_ =	shalt  }
0x62: {  	_ =	shalt  }
0x63: {  	_ =	shalt  }
0x64: {  	_ =	shalt  }
0x65: {  	_ =	shalt  }
0x66: {  	_ =	shalt  }
0x67: {  	_ =	shalt  }
0x68: {  	_ =	shalt  }
0x69: {  	_ =	shalt  }
0x6a: {  	_ =	shalt  }
0x6b: {  	_ =	shalt  }
0x6c: {  	_ =	shalt  }
0x6d: {  	_ =	shalt  }
0x6e: {  	_ =	shalt  }
0x6f: {  	_ =	shalt  }
0x70: {  	_ =	shalt  }
0x71: {  	_ =	shalt  }
0x72: {  	_ =	shalt  }
0x73: {  	_ =	shalt  }
0x74: {  	_ =	shalt  }
0x75: {  	_ =	shalt  }
0x76: {  	_ =	shalt  }
0x77: {  	_ =	shalt  }
0x78: {  	_ =	shalt  }
0x79: {  	_ =	shalt  }
0x7a: {  	_ =	shalt  }
0x7b: {  	_ =	shalt  }
0x7c: {  	_ =	shalt  }
0x7d: {  	_ =	shalt  }
0x7e: {  	_ =	shalt  }
0x7f: {  	_ =	shalt  }
0x80: {  	_ =	shalt  }
0x81: {  	_ =	shalt  }
0x82: {  	_ =	shalt  }
0x83: {  	_ =	shalt  }
0x84: {  	_ =	shalt  }
0x85: {  	_ =	shalt  }
0x86: {  	_ =	shalt  }
0x87: {  	_ =	shalt  }
.Lfunc_end0:
.L_simem_size_0:
called_computation.1_lowered:
.L_overlay_start_0:
0x88: {  	s2 =	sld [smem:$0x3FD9]  }
0x89: {  	s3 =	sld [smem:$0x3FFE];
	_ =	sdelay $0x1  }
0x8a: {  	s1 =	srdreg.scid  }
0x8b: {  	s0 =	sand.u32 $0x1, s1  }
0x8c: {  	s16 =	sshll.u32 s0, $0xA;
	s2 =	sadd.s32 s3, s2  }
0x8d: {  	s2 =	sadd.s32 s2, s16  }
0x8e: {  	[smem:$0x3FBA] =	sst s2  }
0x8f: {  	_ = 	snop  }
0x90: {  	(tm) =	ssettm $0x1  }
0x91: {  	s17 =	sld [smem:$0x3FFB];
	_ =	sdelay $0x3  }
0x92: {  	_ =	strace s17  }
0x93: {  	s2 =	sld [smem:$0x3FFC];
	_ =	sdelay $0x3  }
0x94: {  	_ =	strace s2  }
0x95: {  	s2 =	sld [smem:$0x3FFD];
	_ =	sdelay $0x3  }
0x96: {  	_ =	strace s2  }
0x97: {  	_ =	strace $0x8FFFFFFF  }
0x98: {  	s18 =	sld [smem:$0x3FDB];
	_ =	sdelay $0x1  }
0x99: {  	s19 =	simm.s32 $_scs_section_size  }
0x9a: {  	s4 =	simm.s32 $_size__tile_overlayer_lowered;
	s5 =	simm.s32 $_tile_overlayer_lowered  }
0x9b: {  	s22 =	simm.s32 $0x1BFF;
	s21 =	sshll.u32 s5, $0x1;
	s2 =	sadd.s32 s19, s18  }
0x9c: {  	s6 =	simm.s32 $0x0;
	s20 =	sshll.u32 s4, $0x1;
	s4 =	sadd.s32 s21, s2  }
0x9d: {  	[timem:s6], [sflag:s22] =	dma.local [hbm:s4], s20  }
0x9e: {  	_ =	swait.ge [sflag:s22], s20  }
0x9f: {  	s3 =	ssub.s32 $0x0, s20;
	[sflag:s22] =	ssyncset.done $0x0  }
0xa0: {  	[sflag:s22] =	ssyncadd.s32 s3;
	_ =	sdelay $0x1  }
0xa1: {  	s23 =	simm.s32 $0x1B8B  }
0xa2: {  	_ =	swait.ge [sflag:s23], $0x1  }
0xa3: {  	[sflag:s23] =	ssyncset.done $0x0  }
0xa4: {  	s25 =	simm.s32 $0x1B8E;
	s24 =	sld [smem:$0x3FFE];
	[sflag:s23] =	ssyncadd.s32 $0xFFFFFFFF  }
0xa5: {  	s26 =	simm.s32 $execute0_lowered;
	[smem:$0x3FD2] =	sst s25  }
0xa6: {  	s4 =	sshll.u32 s26, $0x1;
	_ =	strace $0x80000049;
	[dreg:$0x1] =	wrdreg $0xFFFFFFFF  }
0xa7: {  	s28 =	simm.s32 $_size_execute0_lowered;
	s2 =	sadd.s32 s2, s4;
	[dreg:$0x0] =	wrdreg $0x0  }
0xa8: {  	s4 =	sshll.u32 s28, $0x1;
	[dreg:$0x2] =	wrdreg s2  }
0xa9: {  	[dreg:$0x3] =	wrdreg s4  }
0xaa: {  	[dreg:$0x4] =	wrdreg $0xC0  }
0xab: {  	_ =	task [dreg:s6], $0x5FFFF  }
0xac: {  	[dreg:$0x1] =	wrdreg $0xFFFFFFFF  }
0xad: {  	[dreg:$0x0] =	wrdreg $0x60  }
0xae: {  	[dreg:$0x2] =	wrdreg s24  }
0xaf: {  	[dreg:$0x3] =	wrdreg $0x98000  }
0xb0: {  	[dreg:$0x4] =	wrdreg $0x9  }
0xb1: {  	_ =	task.clear_ibuf [dreg:s6], $0x5FFFF;
	_ =	strace $0x90000049  }
0xb2: {  	s29 =	simm.s32 $0x9;
	_ =	strace $0x8000004B  }
0xb3: {  	_ =	swait.ge [sflag:s29], $0x1  }
0xb4: {  	[sflag:s29] =	ssyncadd.s32 $0xFFFFFFFF  }
0xb5: {  	_ =	strace $0x9000004B  }
0xb6: {  	_ =	sfence  }
0xb7: {  	s30 =	sld [smem:$0x0];
	_ =	sdelay $0x2  }
0xb8: {  	s31 =	sshll.u32 s1, $0xD;
	s1 =	sshrl.u32 s1, $0x2  }
0xb9: {  	s3 =	sand.u32 $0x4000, s31;
	s1 =	sadd.s32 s1, s30  }
0xba: {  	s0 =	sor.u32 s3, s0;
	s1 =	sshll.u32 s1, $0x11  }
0xbb: {  	s0 =	sor.u32 s1, s0  }
0xbc: {  	s0 =	sadd.s32 $0x8F2B, s0  }
0xbd: {  	[sflag:s0] =	ssyncadd.remote.s32 $0x1  }
0xbe: {  	_ =	sfence.sel $0xFFFF  }
0xbf: {  	[dreg:$0x0] =	wrdreg $0xFFFFFFFF;
	(pc) =	sbr.abs _section_cstart, $3  }
0xc0: {  	[dreg:$0x1] =	wrdreg $0xFFFFFFFF  }
0xc1: {  	_ =	task.clear_ibuf [dreg:s6], $0x2FFFF;
	_ =	strace $0x9FFFFFFF  }
0xc2: {  	(tm) =	ssettm $0x7FFFFFFF  }
0xc3: {  	_ =	shalt  }
tec
execute0_lowered:
.L_overlay_start_1:
0x0: {  	(tag) =	ssettag $0x1  }
0x1: {  	s0 =	srdreg.scid;
	s1 =	rddreg [dreg:$0x0]  }
0x2: {  	s10 =	stileid.u32;
	s2 =	rddreg [dreg:$0x1];
	s3 =	simm.s32 $0x0  }
0x3: {  	s17 =	simm.s32 $0x80;
	s19 =	simm.s32 $0x100;
	s21 =	simm.s32 $0xC80  }
0x4: {  	s22 =	simm.s32 $0x180;
	s24 =	simm.s32 $0xD00;
	[smem:$0x7FF] =	sst s3  }
0x5: {  	s25 =	simm.s32 $0x200;
	_ =	strace $0x8000004A;
	[dreg:$0x5] =	wrdreg s17  }
0x6: {  	s26 =	simm.s32 $0xD80;
	s12 =	simm.s32 $0x300;
	[dreg:$0x6] =	wrdreg s19  }
0x7: {  	s15 =	simm.s32 $0xE80;
	s28 =	simm.s32 $0x780;
	[dreg:$0x7] =	wrdreg s21  }
0x8: {  	s29 =	simm.s32 $0x1300;
	s30 =	simm.s32 $0x800;
	[dreg:$0x8] =	wrdreg s22  }
0x9: {  	s31 =	simm.s32 $0x1380;
	s4 =	smul.u32 $0x6000, s10;
	[dreg:$0x9] =	wrdreg s24  }
0xa: {  	s0 =	sand.u32 $0x1, s0;
	s7 =	smul.u32 $0x13C00, s10;
	[dreg:$0xa] =	wrdreg s25  }
0xb: {  	s20 =	smul.u32 $0x4F000, s10;
	s10 =	simm.s32 $0xE00;
	[dreg:$0xb] =	wrdreg s26  }
0xc: {  	s9 =	sadd.s32 $0x84800, s1;
	s5 =	smul.u32 $0x3000, s0;
	[dreg:$0xd] =	wrdreg s10  }
0xd: {  	s6 =	smul.u32 $0x13C000, s0;
	s0 =	ssub.s32 $0x2, s0;
	[dreg:$0xe] =	wrdreg s12  }
0xe: {  	[dreg:$0xf] =	wrdreg s15;
	s17 =	simm.s32 $0xF00;
	s19 =	simm.s32 $0xF80  }
0xf: {  	s15 =	simm.s32 $0xC00;
	s21 =	simm.s32 $0x1000;
	[dreg:$0x11] =	wrdreg s17  }
0x10: {  	s22 =	simm.s32 $0x500;
	s24 =	simm.s32 $0x580;
	[dreg:$0x13] =	wrdreg s19  }
0x11: {  	s25 =	simm.s32 $0x1100;
	s26 =	simm.s32 $0x600;
	[dreg:$0x15] =	wrdreg s21  }
0x12: {  	s10 =	simm.s32 $0x1580;
	s12 =	simm.s32 $0x0;
	[dreg:$0x16] =	wrdreg s22  }
0x13: {  	s18 =	sshrl.u32 s0, $0x1;
	s23 =	sshrl.u32 s20, $0x2;
	[dreg:$0x18] =	wrdreg s24  }
0x14: {  	s20 =	simm.s32 $0x480;
	s17 =	simm.s32 $0x7D;
	[dreg:$0x19] =	wrdreg s25  }
0x15: {  	s19 =	simm.s32 $0x1;
	s21 =	simm.s32 $0x2;
	[dreg:$0x1a] =	wrdreg s26  }
0x16: {  	s22 =	simm.s32 $0x1180;
	s24 =	simm.s32 $0x1200;
	s25 =	simm.s32 $0x700  }
0x17: {  	s26 =	simm.s32 $0x1280;
	s5 =	sadd.s32 s5, s4;
	s4 =	sadd.s32 $0x3800, s1  }
0x18: {  	s6 =	sadd.s32 s7, s6;
	s0 =	ssub.s32 s0, s18;
	s14 =	sadd.s32 s23, s2  }
0x19: {  	s18 =	simm.s32 $0x400;
	[dreg:$0x14] =	wrdreg s20;
	s23 =	simm.s32 $0x1080  }
0x1a: {  	s20 =	simm.s32 $0x5;
	s8 =	sadd.s32 $0x60000, s5;
	[dreg:$0x12] =	wrdreg s18  }
0x1b: {  	s6 =	sshrl.u32 s6, $0x3;
	s5 =	sshrl.u32 s5, $0x3;
	[dreg:$0x17] =	wrdreg s23  }
0x1c: {  	s11 =	sadd.s32 $0xFA00, s14;
	s13 =	sadd.s32 $0x13880, s14;
	[dreg:$0x1b] =	wrdreg s14  }
0x1d: {  	s0 =	smax.u32 s0, $0x1;
	s18 =	simm.s32 $0x5800;
	[dreg:$0x1f] =	wrdreg s11  }
0x1e: {  	s23 =	simm.s32 $0x680;
	s16 =	sshrl.u32 s8, $0x3;
	[smem:$0x7FB] =	sst s13  }
0x1f: {  	s1 =	sadd.s32 s6, s1;
	s5 =	sadd.s32 s5, s9;
	[smem:$0x7FD] =	sst s0  }
0x20: {  	s6 =	sadd.s32 $0x3E80, s14;
	s8 =	simm.s32 $0x280;
	[dreg:$0x4] =	wrdreg s5  }
0x21: {  	s13 =	simm.s32 $0x1800;
	s11 =	simm.s32 $0x3;
	[dreg:$0x1c] =	wrdreg s6  }
0x22: {  	s0 =	simm.s32 $0x1400;
	s7 =	sadd.s32 s16, s9;
	[dreg:$0xc] =	wrdreg s8  }
0x23: {  	s9 =	sadd.s32 $0xBB80, s14;
	s1 =	sadd.s32 $0x2AA00, s1;
	[dreg:$0x3] =	wrdreg s7  }
0x24: {  	s16 =	simm.s32 $0x380;
	s6 =	simm.s32 $0x900;
	[dreg:$0x1e] =	wrdreg s9  }
0x25: {  	s8 =	simm.s32 $0x980;
	s7 =	sadd.s32 $0x7D00, s14;
	[smem:$0x7FC] =	sst s1  }
0x26: {  	[dreg:$0x10] =	wrdreg s16;
	s16 =	simm.s32 $0x4;
	s1 =	simm.s32 $0x880  }
0x27: {  	v0 =	vimm.f32 $0.0e+00;
	s9 =	simm.s32 $0x1500;
	[dreg:$0x1d] =	wrdreg s7;
	s7 =	simm.s32 $0x1480  }
.LBB2_1:
0x28: {  	[smem:$0x7FA] =	sst s12;
	s5 =	simm.s32 $0x0;
	s12 =	simm.s32 $0x200  }
.LBB2_2:
0x29: {  	p0 =	sne.s32 s12, $0xF800;
	[tilespmem:s5+$0x1870] =	vst v0  }
0x2a: {  	[tilespmem:s5+$0x1800] =	vst v0  }
0x2b: {  	[tilespmem:s5+$0x1810] =	vst v0  }
.Ltmp0:
0x2c: {  	[tilespmem:s5+$0x1820] =	vst v0;
	(pc) =	sbr.rel @p0 .LBB2_2-.Ltmp0, $4  }
0x2d: {  	[tilespmem:s5+$0x1830] =	vst v0  }
0x2e: {  	[tilespmem:s5+$0x1840] =	vst v0  }
0x2f: {  	[tilespmem:s5+$0x1850] =	vst v0  }
0x30: {  	[tilespmem:s5+$0x1860] =	vst v0;
	s5 =	sshra.s32 s12, $0x2;
	s12 =	sadd.s32 $0x200, s12  }
0x31: {  	[tilespmem:s5+$0x1870] =	vst v0  }
0x32: {  	[tilespmem:s5+$0x1800] =	vst v0  }
0x33: {  	[tilespmem:s5+$0x1810] =	vst v0  }
0x34: {  	[tilespmem:s5+$0x1820] =	vst v0  }
0x35: {  	[tilespmem:s5+$0x1830] =	vst v0  }
0x36: {  	[tilespmem:s5+$0x1840] =	vst v0  }
0x37: {  	[tilespmem:s5+$0x1850] =	vst v0  }
0x38: {  	[tilespmem:s5+$0x1860] =	vst v0;
	s12 =	rddreg [dreg:$0x1d]  }
0x39: {  	[spmem:s14] =	stream.linear.scatter [tilespmem:s13], [sflag:$0x3], $0x3E80, $0x38;
	[tilespmem:$0x1D400] =	vst v63  }
0x3a: {  	s14 =	rddreg [dreg:$0x1c]  }
0x3b: {  	[spmem:s14] =	stream.linear.scatter [tilespmem:s13], [sflag:$0x3], $0x3E80, $0x38;
	[tilespmem:$0x1D400] =	vst v63  }
0x3c: {  	s14 =	rddreg [dreg:$0x1e]  }
0x3d: {  	[spmem:s12] =	stream.linear.scatter [tilespmem:s13], [sflag:$0x3], $0x3E80, $0x38;
	[tilespmem:$0x1D400] =	vst v63  }
0x3e: {  	s12 =	rddreg [dreg:$0x1f]  }
0x3f: {  	[spmem:s14] =	stream.linear.scatter [tilespmem:s13], [sflag:$0x3], $0x3E80, $0x38;
	[tilespmem:$0x1D400] =	vst v63  }
0x40: {  	s14 =	sld [smem:$0x7FB]  }
0x41: {  	[spmem:s12] =	stream.linear.scatter [tilespmem:s13], [sflag:$0x3], $0x3E80, $0x38;
	[tilespmem:$0x1D400] =	vst v63  }
0x42: {  	_ = 	snop  }
0x43: {  	[spmem:s14] =	stream.linear.scatter [tilespmem:s13], [sflag:$0x3], $0x380, $0x38;
	[tilespmem:$0x1D400] =	vst v63  }
0x44: {  	_ =	swait.ge [sflag:s11], $0x3E80  }
0x45: {  	[sflag:s11] =	ssyncset.done $0x0  }
0x46: {  	[sflag:s11] =	ssyncadd.s32 $0xFFFFC180  }
0x47: {  	_ =	swait.ge [sflag:s11], $0x3E80  }
0x48: {  	[sflag:s11] =	ssyncset.done $0x0  }
0x49: {  	[sflag:s11] =	ssyncadd.s32 $0xFFFFC180  }
0x4a: {  	_ =	swait.ge [sflag:s11], $0x3E80  }
0x4b: {  	[sflag:s11] =	ssyncset.done $0x0  }
0x4c: {  	[sflag:s11] =	ssyncadd.s32 $0xFFFFC180  }
0x4d: {  	_ =	swait.ge [sflag:s11], $0x3E80  }
0x4e: {  	[sflag:s11] =	ssyncset.done $0x0  }
0x4f: {  	[sflag:s11] =	ssyncadd.s32 $0xFFFFC180  }
0x50: {  	_ =	swait.ge [sflag:s11], $0x3E80  }
0x51: {  	[sflag:s11] =	ssyncset.done $0x0  }
0x52: {  	[sflag:s11] =	ssyncadd.s32 $0xFFFFC180  }
0x53: {  	_ =	swait.ge [sflag:s11], $0x380  }
0x54: {  	[sflag:s11] =	ssyncset.done $0x0  }
0x55: {  	[sflag:s11] =	ssyncadd.s32 $0xFFFFFC80  }
0x56: {  	[bflag:$0x0] =	sbarrier.arrive $0xFFFF  }
0x57: {  	s12 =	rddreg [dreg:$0x4]  }
0x58: {  	s14 =	rddreg [dreg:$0x3];
	s5 =	sadd.s32 $0x0, s12  }
0x59: {  	[tilespmem:s3], [sflag:$0x4] =	stream.linear.gather [hbm4b:s5+s3], $0xA00, $0x38;
	[tilespmem:$0x1D400] =	vst v63  }
0x5a: {  	s12 =	sadd.s32 $0x0, s14  }
0x5b: {  	[tilespmem:s15], [sflag:$0x4] =	stream.linear.gather [hbm4b:s12+s3], $0xA00, $0x38;
	[tilespmem:$0x1D400] =	vst v63  }
0x5c: {  	_ =	swait.ge [sflag:s16], $0xA00  }
0x5d: {  	[sflag:s16] =	ssyncset.done $0x0  }
0x5e: {  	[sflag:s16] =	ssyncadd.s32 $0xFFFFF600  }
0x5f: {  	_ =	swait.ge [sflag:s16], $0xA00  }
0x60: {  	[sflag:s16] =	ssyncset.done $0x0  }
0x61: {  	[sflag:s16] =	ssyncadd.s32 $0xFFFFF600  }
0x62: {  	[tilespmem:s13], [sflag:$0x1] =	stream.indirect.gather [hbm4b:s4+s17], $0x80, s3, s17, $0xb8;
	[tilespmem:$0x1D400] =	vst v63  }
0x63: {  	s14 =	rddreg [dreg:$0x5]  }
0x64: {  	[tilespmem:s18], [sflag:$0x2] =	stream.indirect.gather [hbm4b:s4+s17], $0x80, s14, s17, $0xb8;
	[tilespmem:$0x1D400] =	vst v63  }
0x65: {  	_ =	swait.ge [sflag:s19], $0x3E80  }
0x66: {  	[sflag:s19] =	ssyncset.done $0x0  }
0x67: {  	[sflag:s19] =	ssyncadd.s32 $0xFFFFC180  }
0x68: {  	[spmem:s2] =	stream.indirect.scatter.add.f32 [tilespmem:s13], [sflag:$0x5], $0x80, s15, s17, $0xb8;
	[tilespmem:$0x1D400] =	vst v63  }
0x69: {  	_ =	swait.ge [sflag:s20], $0x3E80  }
0x6a: {  	[sflag:s20] =	ssyncset.done $0x0  }
0x6b: {  	s11 =	rddreg [dreg:$0x6];
	[sflag:s20] =	ssyncadd.s32 $0xFFFFC180  }
0x6c: {  	[tilespmem:s13], [sflag:$0x1] =	stream.indirect.gather [hbm4b:s4+s17], $0x80, s11, s17, $0xb8;
	[tilespmem:$0x1D400] =	vst v63  }
0x6d: {  	_ =	swait.ge [sflag:s21], $0x3E80  }
0x6e: {  	[sflag:s21] =	ssyncset.done $0x0  }
0x6f: {  	s12 =	rddreg [dreg:$0x7];
	[sflag:s21] =	ssyncadd.s32 $0xFFFFC180  }
0x70: {  	[spmem:s2] =	stream.indirect.scatter.add.f32 [tilespmem:s18], [sflag:$0x5], $0x80, s12, s17, $0xb8;
	[tilespmem:$0x1D400] =	vst v63  }
0x71: {  	_ =	swait.ge [sflag:s20], $0x3E80  }
0x72: {  	[sflag:s20] =	ssyncset.done $0x0  }
0x73: {  	s14 =	rddreg [dreg:$0x8];
	[sflag:s20] =	ssyncadd.s32 $0xFFFFC180  }
0x74: {  	[tilespmem:s18], [sflag:$0x2] =	stream.indirect.gather [hbm4b:s4+s17], $0x80, s14, s17, $0xb8;
	[tilespmem:$0x1D400] =	vst v63  }
0x75: {  	_ =	swait.ge [sflag:s19], $0x3E80  }
0x76: {  	[sflag:s19] =	ssyncset.done $0x0  }
0x77: {  	s11 =	rddreg [dreg:$0x9];
	[sflag:s19] =	ssyncadd.s32 $0xFFFFC180  }
0x78: {  	[spmem:s2] =	stream.indirect.scatter.add.f32 [tilespmem:s13], [sflag:$0x5], $0x80, s11, s17, $0xb8;
	[tilespmem:$0x1D400] =	vst v63  }
0x79: {  	_ =	swait.ge [sflag:s20], $0x3E80  }
0x7a: {  	[sflag:s20] =	ssyncset.done $0x0  }
0x7b: {  	s12 =	rddreg [dreg:$0xa];
	[sflag:s20] =	ssyncadd.s32 $0xFFFFC180  }
0x7c: {  	[tilespmem:s13], [sflag:$0x1] =	stream.indirect.gather [hbm4b:s4+s17], $0x80, s12, s17, $0xb8;
	[tilespmem:$0x1D400] =	vst v63  }
0x7d: {  	_ =	swait.ge [sflag:s21], $0x3E80  }
0x7e: {  	[sflag:s21] =	ssyncset.done $0x0  }
0x7f: {  	s14 =	rddreg [dreg:$0xb];
	[sflag:s21] =	ssyncadd.s32 $0xFFFFC180  }
0x80: {  	[spmem:s2] =	stream.indirect.scatter.add.f32 [tilespmem:s18], [sflag:$0x5], $0x80, s14, s17, $0xb8;
	[tilespmem:$0x1D400] =	vst v63  }
0x81: {  	_ =	swait.ge [sflag:s20], $0x3E80  }
0x82: {  	[sflag:s20] =	ssyncset.done $0x0  }
0x83: {  	s11 =	rddreg [dreg:$0xc];
	[sflag:s20] =	ssyncadd.s32 $0xFFFFC180  }
0x84: {  	[tilespmem:s18], [sflag:$0x2] =	stream.indirect.gather [hbm4b:s4+s17], $0x80, s11, s17, $0xb8;
	[tilespmem:$0x1D400] =	vst v63  }
0x85: {  	_ =	swait.ge [sflag:s19], $0x3E80  }
0x86: {  	[sflag:s19] =	ssyncset.done $0x0  }
0x87: {  	s12 =	rddreg [dreg:$0xd];
	[sflag:s19] =	ssyncadd.s32 $0xFFFFC180  }
0x88: {  	[spmem:s2] =	stream.indirect.scatter.add.f32 [tilespmem:s13], [sflag:$0x5], $0x80, s12, s17, $0xb8;
	[tilespmem:$0x1D400] =	vst v63  }
0x89: {  	_ =	swait.ge [sflag:s20], $0x3E80  }
0x8a: {  	[sflag:s20] =	ssyncset.done $0x0  }
0x8b: {  	s14 =	rddreg [dreg:$0xe];
	[sflag:s20] =	ssyncadd.s32 $0xFFFFC180  }
0x8c: {  	[tilespmem:s13], [sflag:$0x1] =	stream.indirect.gather [hbm4b:s4+s17], $0x80, s14, s17, $0xb8;
	[tilespmem:$0x1D400] =	vst v63  }
0x8d: {  	_ =	swait.ge [sflag:s21], $0x3E80  }
0x8e: {  	[sflag:s21] =	ssyncset.done $0x0  }
0x8f: {  	s11 =	rddreg [dreg:$0xf];
	[sflag:s21] =	ssyncadd.s32 $0xFFFFC180  }
0x90: {  	[spmem:s2] =	stream.indirect.scatter.add.f32 [tilespmem:s18], [sflag:$0x5], $0x80, s11, s17, $0xb8;
	[tilespmem:$0x1D400] =	vst v63  }
0x91: {  	_ =	swait.ge [sflag:s20], $0x3E80  }
0x92: {  	[sflag:s20] =	ssyncset.done $0x0  }
0x93: {  	s12 =	rddreg [dreg:$0x10];
	[sflag:s20] =	ssyncadd.s32 $0xFFFFC180  }
0x94: {  	[tilespmem:s18], [sflag:$0x2] =	stream.indirect.gather [hbm4b:s4+s17], $0x80, s12, s17, $0xb8;
	[tilespmem:$0x1D400] =	vst v63  }
0x95: {  	_ =	swait.ge [sflag:s19], $0x3E80  }
0x96: {  	[sflag:s19] =	ssyncset.done $0x0  }
0x97: {  	s14 =	rddreg [dreg:$0x11];
	[sflag:s19] =	ssyncadd.s32 $0xFFFFC180  }
0x98: {  	[spmem:s2] =	stream.indirect.scatter.add.f32 [tilespmem:s13], [sflag:$0x5], $0x80, s14, s17, $0xb8;
	[tilespmem:$0x1D400] =	vst v63  }
0x99: {  	_ =	swait.ge [sflag:s20], $0x3E80  }
0x9a: {  	[sflag:s20] =	ssyncset.done $0x0  }
0x9b: {  	s11 =	rddreg [dreg:$0x12];
	[sflag:s20] =	ssyncadd.s32 $0xFFFFC180  }
0x9c: {  	[tilespmem:s13], [sflag:$0x1] =	stream.indirect.gather [hbm4b:s4+s17], $0x80, s11, s17, $0xb8;
	[tilespmem:$0x1D400] =	vst v63  }
0x9d: {  	_ =	swait.ge [sflag:s21], $0x3E80  }
0x9e: {  	[sflag:s21] =	ssyncset.done $0x0  }
0x9f: {  	s12 =	rddreg [dreg:$0x13];
	[sflag:s21] =	ssyncadd.s32 $0xFFFFC180  }
0xa0: {  	[spmem:s2] =	stream.indirect.scatter.add.f32 [tilespmem:s18], [sflag:$0x5], $0x80, s12, s17, $0xb8;
	[tilespmem:$0x1D400] =	vst v63  }
0xa1: {  	_ =	swait.ge [sflag:s20], $0x3E80  }
0xa2: {  	[sflag:s20] =	ssyncset.done $0x0  }
0xa3: {  	s14 =	rddreg [dreg:$0x14];
	[sflag:s20] =	ssyncadd.s32 $0xFFFFC180  }
0xa4: {  	[tilespmem:s18], [sflag:$0x2] =	stream.indirect.gather [hbm4b:s4+s17], $0x80, s14, s17, $0xb8;
	[tilespmem:$0x1D400] =	vst v63  }
0xa5: {  	_ =	swait.ge [sflag:s19], $0x3E80  }
0xa6: {  	[sflag:s19] =	ssyncset.done $0x0  }
0xa7: {  	s11 =	rddreg [dreg:$0x15];
	[sflag:s19] =	ssyncadd.s32 $0xFFFFC180  }
0xa8: {  	[spmem:s2] =	stream.indirect.scatter.add.f32 [tilespmem:s13], [sflag:$0x5], $0x80, s11, s17, $0xb8;
	[tilespmem:$0x1D400] =	vst v63  }
0xa9: {  	_ =	swait.ge [sflag:s20], $0x3E80  }
0xaa: {  	[sflag:s20] =	ssyncset.done $0x0  }
0xab: {  	s12 =	rddreg [dreg:$0x16];
	[sflag:s20] =	ssyncadd.s32 $0xFFFFC180  }
0xac: {  	[tilespmem:s13], [sflag:$0x1] =	stream.indirect.gather [hbm4b:s4+s17], $0x80, s12, s17, $0xb8;
	[tilespmem:$0x1D400] =	vst v63  }
0xad: {  	_ =	swait.ge [sflag:s21], $0x3E80  }
0xae: {  	[sflag:s21] =	ssyncset.done $0x0  }
0xaf: {  	s14 =	rddreg [dreg:$0x17];
	[sflag:s21] =	ssyncadd.s32 $0xFFFFC180  }
0xb0: {  	[spmem:s2] =	stream.indirect.scatter.add.f32 [tilespmem:s18], [sflag:$0x5], $0x80, s14, s17, $0xb8;
	[tilespmem:$0x1D400] =	vst v63  }
0xb1: {  	_ =	swait.ge [sflag:s20], $0x3E80  }
0xb2: {  	[sflag:s20] =	ssyncset.done $0x0  }
0xb3: {  	s11 =	rddreg [dreg:$0x18];
	[sflag:s20] =	ssyncadd.s32 $0xFFFFC180  }
0xb4: {  	[tilespmem:s18], [sflag:$0x2] =	stream.indirect.gather [hbm4b:s4+s17], $0x80, s11, s17, $0xb8;
	[tilespmem:$0x1D400] =	vst v63  }
0xb5: {  	_ =	swait.ge [sflag:s19], $0x3E80  }
0xb6: {  	[sflag:s19] =	ssyncset.done $0x0  }
0xb7: {  	s12 =	rddreg [dreg:$0x19];
	[sflag:s19] =	ssyncadd.s32 $0xFFFFC180  }
0xb8: {  	[spmem:s2] =	stream.indirect.scatter.add.f32 [tilespmem:s13], [sflag:$0x5], $0x80, s12, s17, $0xb8;
	[tilespmem:$0x1D400] =	vst v63  }
0xb9: {  	_ =	swait.ge [sflag:s20], $0x3E80  }
0xba: {  	[sflag:s20] =	ssyncset.done $0x0  }
0xbb: {  	s14 =	rddreg [dreg:$0x1a];
	[sflag:s20] =	ssyncadd.s32 $0xFFFFC180  }
0xbc: {  	[tilespmem:s13], [sflag:$0x1] =	stream.indirect.gather [hbm4b:s4+s17], $0x80, s14, s17, $0xb8;
	[tilespmem:$0x1D400] =	vst v63  }
0xbd: {  	_ =	swait.ge [sflag:s21], $0x3E80  }
0xbe: {  	[sflag:s21] =	ssyncset.done $0x0  }
0xbf: {  	[sflag:s21] =	ssyncadd.s32 $0xFFFFC180  }
0xc0: {  	[spmem:s2] =	stream.indirect.scatter.add.f32 [tilespmem:s18], [sflag:$0x5], $0x80, s22, s17, $0xb8;
	[tilespmem:$0x1D400] =	vst v63  }
0xc1: {  	_ =	swait.ge [sflag:s20], $0x3E80  }
0xc2: {  	[sflag:s20] =	ssyncset.done $0x0  }
0xc3: {  	[sflag:s20] =	ssyncadd.s32 $0xFFFFC180  }
0xc4: {  	[tilespmem:s18], [sflag:$0x2] =	stream.indirect.gather [hbm4b:s4+s17], $0x80, s23, s17, $0xb8;
	[tilespmem:$0x1D400] =	vst v63  }
0xc5: {  	_ =	swait.ge [sflag:s19], $0x3E80  }
0xc6: {  	[sflag:s19] =	ssyncset.done $0x0  }
0xc7: {  	[sflag:s19] =	ssyncadd.s32 $0xFFFFC180  }
0xc8: {  	[spmem:s2] =	stream.indirect.scatter.add.f32 [tilespmem:s13], [sflag:$0x5], $0x80, s24, s17, $0xb8;
	[tilespmem:$0x1D400] =	vst v63  }
0xc9: {  	_ =	swait.ge [sflag:s20], $0x3E80  }
0xca: {  	[sflag:s20] =	ssyncset.done $0x0  }
0xcb: {  	[sflag:s20] =	ssyncadd.s32 $0xFFFFC180  }
0xcc: {  	[tilespmem:s13], [sflag:$0x1] =	stream.indirect.gather [hbm4b:s4+s17], $0x80, s25, s17, $0xb8;
	[tilespmem:$0x1D400] =	vst v63  }
0xcd: {  	_ =	swait.ge [sflag:s21], $0x3E80  }
0xce: {  	[sflag:s21] =	ssyncset.done $0x0  }
0xcf: {  	[sflag:s21] =	ssyncadd.s32 $0xFFFFC180  }
0xd0: {  	[spmem:s2] =	stream.indirect.scatter.add.f32 [tilespmem:s18], [sflag:$0x5], $0x80, s26, s17, $0xb8;
	[tilespmem:$0x1D400] =	vst v63  }
0xd1: {  	_ =	swait.ge [sflag:s20], $0x3E80  }
0xd2: {  	[sflag:s20] =	ssyncset.done $0x0  }
0xd3: {  	[sflag:s20] =	ssyncadd.s32 $0xFFFFC180  }
0xd4: {  	[tilespmem:s18], [sflag:$0x2] =	stream.indirect.gather [hbm4b:s4+s17], $0x80, s28, s17, $0xb8;
	[tilespmem:$0x1D400] =	vst v63  }
0xd5: {  	_ =	swait.ge [sflag:s19], $0x3E80  }
0xd6: {  	[sflag:s19] =	ssyncset.done $0x0  }
0xd7: {  	[sflag:s19] =	ssyncadd.s32 $0xFFFFC180  }
0xd8: {  	[spmem:s2] =	stream.indirect.scatter.add.f32 [tilespmem:s13], [sflag:$0x5], $0x80, s29, s17, $0xb8;
	[tilespmem:$0x1D400] =	vst v63  }
0xd9: {  	_ =	swait.ge [sflag:s20], $0x3E80  }
0xda: {  	[sflag:s20] =	ssyncset.done $0x0  }
0xdb: {  	[sflag:s20] =	ssyncadd.s32 $0xFFFFC180  }
0xdc: {  	[tilespmem:s13], [sflag:$0x1] =	stream.indirect.gather [hbm4b:s4+s17], $0x80, s30, s17, $0xb8;
	[tilespmem:$0x1D400] =	vst v63  }
0xdd: {  	_ =	swait.ge [sflag:s21], $0x3E80  }
0xde: {  	[sflag:s21] =	ssyncset.done $0x0  }
0xdf: {  	[sflag:s21] =	ssyncadd.s32 $0xFFFFC180  }
0xe0: {  	[spmem:s2] =	stream.indirect.scatter.add.f32 [tilespmem:s18], [sflag:$0x5], $0x80, s31, s17, $0xb8;
	[tilespmem:$0x1D400] =	vst v63  }
0xe1: {  	_ =	swait.ge [sflag:s20], $0x3E80  }
0xe2: {  	[sflag:s20] =	ssyncset.done $0x0  }
0xe3: {  	[sflag:s20] =	ssyncadd.s32 $0xFFFFC180  }
0xe4: {  	[tilespmem:s18], [sflag:$0x2] =	stream.indirect.gather [hbm4b:s4+s17], $0x80, s1, s17, $0xb8;
	[tilespmem:$0x1D400] =	vst v63  }
0xe5: {  	_ =	swait.ge [sflag:s19], $0x3E80  }
0xe6: {  	[sflag:s19] =	ssyncset.done $0x0  }
0xe7: {  	[sflag:s19] =	ssyncadd.s32 $0xFFFFC180  }
0xe8: {  	[spmem:s2] =	stream.indirect.scatter.add.f32 [tilespmem:s13], [sflag:$0x5], $0x80, s0, s17, $0xb8;
	[tilespmem:$0x1D400] =	vst v63  }
0xe9: {  	_ =	swait.ge [sflag:s20], $0x3E80  }
0xea: {  	[sflag:s20] =	ssyncset.done $0x0  }
0xeb: {  	[sflag:s20] =	ssyncadd.s32 $0xFFFFC180  }
0xec: {  	[tilespmem:s13], [sflag:$0x1] =	stream.indirect.gather [hbm4b:s4+s17], $0x80, s6, s17, $0xb8;
	[tilespmem:$0x1D400] =	vst v63  }
0xed: {  	_ =	swait.ge [sflag:s21], $0x3E80  }
0xee: {  	[sflag:s21] =	ssyncset.done $0x0  }
0xef: {  	[sflag:s21] =	ssyncadd.s32 $0xFFFFC180  }
0xf0: {  	[spmem:s2] =	stream.indirect.scatter.add.f32 [tilespmem:s18], [sflag:$0x5], $0x80, s7, s17, $0xb8;
	[tilespmem:$0x1D400] =	vst v63  }
0xf1: {  	_ =	swait.ge [sflag:s20], $0x3E80  }
0xf2: {  	[sflag:s20] =	ssyncset.done $0x0  }
0xf3: {  	[sflag:s20] =	ssyncadd.s32 $0xFFFFC180  }
0xf4: {  	[tilespmem:s18], [sflag:$0x2] =	stream.indirect.gather [hbm4b:s4+s17], $0x80, s8, s17, $0xb8;
	[tilespmem:$0x1D400] =	vst v63  }
0xf5: {  	_ =	swait.ge [sflag:s19], $0x3E80  }
0xf6: {  	[sflag:s19] =	ssyncset.done $0x0  }
0xf7: {  	[sflag:s19] =	ssyncadd.s32 $0xFFFFC180  }
0xf8: {  	[spmem:s2] =	stream.indirect.scatter.add.f32 [tilespmem:s13], [sflag:$0x5], $0x80, s9, s17, $0xb8;
	[tilespmem:$0x1D400] =	vst v63  }
0xf9: {  	_ =	swait.ge [sflag:s20], $0x3E80  }
0xfa: {  	[sflag:s20] =	ssyncset.done $0x0  }
0xfb: {  	[sflag:s20] =	ssyncadd.s32 $0xFFFFC180  }
0xfc: {  	_ =	swait.ge [sflag:s21], $0x3E80  }
0xfd: {  	[sflag:s21] =	ssyncset.done $0x0  }
0xfe: {  	[sflag:s21] =	ssyncadd.s32 $0xFFFFC180  }
0xff: {  	[spmem:s2] =	stream.indirect.scatter.add.f32 [tilespmem:s18], [sflag:$0x5], $0x80, s10, s17, $0xb8;
	[tilespmem:$0x1D400] =	vst v63  }
0x100: {  	s5 =	simm.s32 $0x300;
	_ =	swait.ge [sflag:s20], $0x3E80  }
0x101: {  	s12 =	simm.s32 $0x180;
	s11 =	rddreg [dreg:$0x4];
	[sflag:s20] =	ssyncset.done $0x0  }
.LBB2_4:
0x102: {  	[sflag:s20] =	ssyncadd.s32 $0xFFFFC180;
	s22 =	rddreg [dreg:$0x3];
	s11 =	sadd.s32 s12, s11  }
0x103: {  	[tilespmem:s3], [sflag:$0x4] =	stream.linear.gather [hbm4b:s11+s3], $0xA00, $0x38;
	[tilespmem:$0x1D400] =	vst v63  }
0x104: {  	s11 =	sadd.s32 s12, s22  }
0x105: {  	[tilespmem:s15], [sflag:$0x4] =	stream.linear.gather [hbm4b:s11+s3], $0xA00, $0x38;
	[tilespmem:$0x1D400] =	vst v63  }
0x106: {  	_ =	swait.ge [sflag:s16], $0xA00  }
0x107: {  	[sflag:s16] =	ssyncset.done $0x0  }
0x108: {  	[sflag:s16] =	ssyncadd.s32 $0xFFFFF600  }
0x109: {  	_ =	swait.ge [sflag:s16], $0xA00  }
0x10a: {  	[sflag:s16] =	ssyncset.done $0x0  }
0x10b: {  	s14 =	smov.u32 s5;
	[sflag:s16] =	ssyncadd.s32 $0xFFFFF600  }
0x10c: {  	[tilespmem:s13], [sflag:$0x1] =	stream.indirect.gather [hbm4b:s4+s17], $0x80, s3, s17, $0xb8;
	[tilespmem:$0x1D400] =	vst v63  }
0x10d: {  	s12 =	smov.u32 s14;
	s14 =	rddreg [dreg:$0x5]  }
0x10e: {  	[tilespmem:s18], [sflag:$0x2] =	stream.indirect.gather [hbm4b:s4+s17], $0x80, s14, s17, $0xb8;
	[tilespmem:$0x1D400] =	vst v63  }
0x10f: {  	_ =	swait.ge [sflag:s19], $0x3E80  }
0x110: {  	[sflag:s19] =	ssyncset.done $0x0  }
0x111: {  	[sflag:s19] =	ssyncadd.s32 $0xFFFFC180  }
0x112: {  	[spmem:s2] =	stream.indirect.scatter.add.f32 [tilespmem:s13], [sflag:$0x5], $0x80, s15, s17, $0xb8;
	[tilespmem:$0x1D400] =	vst v63  }
0x113: {  	_ =	swait.ge [sflag:s20], $0x3E80  }
0x114: {  	[sflag:s20] =	ssyncset.done $0x0  }
0x115: {  	s14 =	rddreg [dreg:$0x6];
	[sflag:s20] =	ssyncadd.s32 $0xFFFFC180  }
0x116: {  	[tilespmem:s13], [sflag:$0x1] =	stream.indirect.gather [hbm4b:s4+s17], $0x80, s14, s17, $0xb8;
	[tilespmem:$0x1D400] =	vst v63  }
0x117: {  	_ =	swait.ge [sflag:s21], $0x3E80  }
0x118: {  	[sflag:s21] =	ssyncset.done $0x0  }
0x119: {  	s14 =	rddreg [dreg:$0x7];
	[sflag:s21] =	ssyncadd.s32 $0xFFFFC180  }
0x11a: {  	[spmem:s2] =	stream.indirect.scatter.add.f32 [tilespmem:s18], [sflag:$0x5], $0x80, s14, s17, $0xb8;
	[tilespmem:$0x1D400] =	vst v63  }
0x11b: {  	_ =	swait.ge [sflag:s20], $0x3E80  }
0x11c: {  	[sflag:s20] =	ssyncset.done $0x0  }
0x11d: {  	s14 =	rddreg [dreg:$0x8];
	[sflag:s20] =	ssyncadd.s32 $0xFFFFC180  }
0x11e: {  	[tilespmem:s18], [sflag:$0x2] =	stream.indirect.gather [hbm4b:s4+s17], $0x80, s14, s17, $0xb8;
	[tilespmem:$0x1D400] =	vst v63  }
0x11f: {  	_ =	swait.ge [sflag:s19], $0x3E80  }
0x120: {  	[sflag:s19] =	ssyncset.done $0x0  }
0x121: {  	s14 =	rddreg [dreg:$0x9];
	[sflag:s19] =	ssyncadd.s32 $0xFFFFC180  }
0x122: {  	[spmem:s2] =	stream.indirect.scatter.add.f32 [tilespmem:s13], [sflag:$0x5], $0x80, s14, s17, $0xb8;
	[tilespmem:$0x1D400] =	vst v63  }
0x123: {  	_ =	swait.ge [sflag:s20], $0x3E80  }
0x124: {  	[sflag:s20] =	ssyncset.done $0x0  }
0x125: {  	s14 =	rddreg [dreg:$0xa];
	[sflag:s20] =	ssyncadd.s32 $0xFFFFC180  }
0x126: {  	[tilespmem:s13], [sflag:$0x1] =	stream.indirect.gather [hbm4b:s4+s17], $0x80, s14, s17, $0xb8;
	[tilespmem:$0x1D400] =	vst v63  }
0x127: {  	_ =	swait.ge [sflag:s21], $0x3E80  }
0x128: {  	[sflag:s21] =	ssyncset.done $0x0  }
0x129: {  	s14 =	rddreg [dreg:$0xb];
	[sflag:s21] =	ssyncadd.s32 $0xFFFFC180  }
0x12a: {  	[spmem:s2] =	stream.indirect.scatter.add.f32 [tilespmem:s18], [sflag:$0x5], $0x80, s14, s17, $0xb8;
	[tilespmem:$0x1D400] =	vst v63  }
0x12b: {  	_ =	swait.ge [sflag:s20], $0x3E80  }
0x12c: {  	[sflag:s20] =	ssyncset.done $0x0  }
0x12d: {  	s14 =	rddreg [dreg:$0xc];
	[sflag:s20] =	ssyncadd.s32 $0xFFFFC180  }
0x12e: {  	[tilespmem:s18], [sflag:$0x2] =	stream.indirect.gather [hbm4b:s4+s17], $0x80, s14, s17, $0xb8;
	[tilespmem:$0x1D400] =	vst v63  }
0x12f: {  	_ =	swait.ge [sflag:s19], $0x3E80  }
0x130: {  	[sflag:s19] =	ssyncset.done $0x0  }
0x131: {  	s14 =	rddreg [dreg:$0xd];
	[sflag:s19] =	ssyncadd.s32 $0xFFFFC180  }
0x132: {  	[spmem:s2] =	stream.indirect.scatter.add.f32 [tilespmem:s13], [sflag:$0x5], $0x80, s14, s17, $0xb8;
	[tilespmem:$0x1D400] =	vst v63  }
0x133: {  	_ =	swait.ge [sflag:s20], $0x3E80  }
0x134: {  	[sflag:s20] =	ssyncset.done $0x0  }
0x135: {  	s14 =	rddreg [dreg:$0xe];
	[sflag:s20] =	ssyncadd.s32 $0xFFFFC180  }
0x136: {  	[tilespmem:s13], [sflag:$0x1] =	stream.indirect.gather [hbm4b:s4+s17], $0x80, s14, s17, $0xb8;
	[tilespmem:$0x1D400] =	vst v63  }
0x137: {  	_ =	swait.ge [sflag:s21], $0x3E80  }
0x138: {  	[sflag:s21] =	ssyncset.done $0x0  }
0x139: {  	s14 =	rddreg [dreg:$0xf];
	[sflag:s21] =	ssyncadd.s32 $0xFFFFC180  }
0x13a: {  	[spmem:s2] =	stream.indirect.scatter.add.f32 [tilespmem:s18], [sflag:$0x5], $0x80, s14, s17, $0xb8;
	[tilespmem:$0x1D400] =	vst v63  }
0x13b: {  	_ =	swait.ge [sflag:s20], $0x3E80  }
0x13c: {  	[sflag:s20] =	ssyncset.done $0x0  }
0x13d: {  	s14 =	rddreg [dreg:$0x10];
	[sflag:s20] =	ssyncadd.s32 $0xFFFFC180  }
0x13e: {  	[tilespmem:s18], [sflag:$0x2] =	stream.indirect.gather [hbm4b:s4+s17], $0x80, s14, s17, $0xb8;
	[tilespmem:$0x1D400] =	vst v63  }
0x13f: {  	_ =	swait.ge [sflag:s19], $0x3E80  }
0x140: {  	[sflag:s19] =	ssyncset.done $0x0  }
0x141: {  	s14 =	rddreg [dreg:$0x11];
	[sflag:s19] =	ssyncadd.s32 $0xFFFFC180  }
0x142: {  	[spmem:s2] =	stream.indirect.scatter.add.f32 [tilespmem:s13], [sflag:$0x5], $0x80, s14, s17, $0xb8;
	[tilespmem:$0x1D400] =	vst v63  }
0x143: {  	_ =	swait.ge [sflag:s20], $0x3E80  }
0x144: {  	[sflag:s20] =	ssyncset.done $0x0  }
0x145: {  	s14 =	rddreg [dreg:$0x12];
	[sflag:s20] =	ssyncadd.s32 $0xFFFFC180  }
0x146: {  	[tilespmem:s13], [sflag:$0x1] =	stream.indirect.gather [hbm4b:s4+s17], $0x80, s14, s17, $0xb8;
	[tilespmem:$0x1D400] =	vst v63  }
0x147: {  	_ =	swait.ge [sflag:s21], $0x3E80  }
0x148: {  	[sflag:s21] =	ssyncset.done $0x0  }
0x149: {  	s14 =	rddreg [dreg:$0x13];
	[sflag:s21] =	ssyncadd.s32 $0xFFFFC180  }
0x14a: {  	[spmem:s2] =	stream.indirect.scatter.add.f32 [tilespmem:s18], [sflag:$0x5], $0x80, s14, s17, $0xb8;
	[tilespmem:$0x1D400] =	vst v63  }
0x14b: {  	_ =	swait.ge [sflag:s20], $0x3E80  }
0x14c: {  	[sflag:s20] =	ssyncset.done $0x0  }
0x14d: {  	s14 =	rddreg [dreg:$0x14];
	[sflag:s20] =	ssyncadd.s32 $0xFFFFC180  }
0x14e: {  	[tilespmem:s18], [sflag:$0x2] =	stream.indirect.gather [hbm4b:s4+s17], $0x80, s14, s17, $0xb8;
	[tilespmem:$0x1D400] =	vst v63  }
0x14f: {  	_ =	swait.ge [sflag:s19], $0x3E80  }
0x150: {  	[sflag:s19] =	ssyncset.done $0x0  }
0x151: {  	s14 =	rddreg [dreg:$0x15];
	[sflag:s19] =	ssyncadd.s32 $0xFFFFC180  }
0x152: {  	[spmem:s2] =	stream.indirect.scatter.add.f32 [tilespmem:s13], [sflag:$0x5], $0x80, s14, s17, $0xb8;
	[tilespmem:$0x1D400] =	vst v63  }
0x153: {  	_ =	swait.ge [sflag:s20], $0x3E80  }
0x154: {  	[sflag:s20] =	ssyncset.done $0x0  }
0x155: {  	s14 =	rddreg [dreg:$0x16];
	[sflag:s20] =	ssyncadd.s32 $0xFFFFC180  }
0x156: {  	[tilespmem:s13], [sflag:$0x1] =	stream.indirect.gather [hbm4b:s4+s17], $0x80, s14, s17, $0xb8;
	[tilespmem:$0x1D400] =	vst v63  }
0x157: {  	_ =	swait.ge [sflag:s21], $0x3E80  }
0x158: {  	[sflag:s21] =	ssyncset.done $0x0  }
0x159: {  	s14 =	rddreg [dreg:$0x17];
	[sflag:s21] =	ssyncadd.s32 $0xFFFFC180  }
0x15a: {  	[spmem:s2] =	stream.indirect.scatter.add.f32 [tilespmem:s18], [sflag:$0x5], $0x80, s14, s17, $0xb8;
	[tilespmem:$0x1D400] =	vst v63  }
0x15b: {  	_ =	swait.ge [sflag:s20], $0x3E80  }
0x15c: {  	[sflag:s20] =	ssyncset.done $0x0  }
0x15d: {  	s14 =	rddreg [dreg:$0x18];
	[sflag:s20] =	ssyncadd.s32 $0xFFFFC180  }
0x15e: {  	[tilespmem:s18], [sflag:$0x2] =	stream.indirect.gather [hbm4b:s4+s17], $0x80, s14, s17, $0xb8;
	[tilespmem:$0x1D400] =	vst v63  }
0x15f: {  	_ =	swait.ge [sflag:s19], $0x3E80  }
0x160: {  	[sflag:s19] =	ssyncset.done $0x0  }
0x161: {  	s14 =	rddreg [dreg:$0x19];
	[sflag:s19] =	ssyncadd.s32 $0xFFFFC180  }
0x162: {  	[spmem:s2] =	stream.indirect.scatter.add.f32 [tilespmem:s13], [sflag:$0x5], $0x80, s14, s17, $0xb8;
	[tilespmem:$0x1D400] =	vst v63  }
0x163: {  	_ =	swait.ge [sflag:s20], $0x3E80  }
0x164: {  	[sflag:s20] =	ssyncset.done $0x0  }
0x165: {  	s14 =	rddreg [dreg:$0x1a];
	[sflag:s20] =	ssyncadd.s32 $0xFFFFC180  }
0x166: {  	[tilespmem:s13], [sflag:$0x1] =	stream.indirect.gather [hbm4b:s4+s17], $0x80, s14, s17, $0xb8;
	[tilespmem:$0x1D400] =	vst v63  }
0x167: {  	_ =	swait.ge [sflag:s21], $0x3E80  }
0x168: {  	[sflag:s21] =	ssyncset.done $0x0  }
0x169: {  	s22 =	simm.s32 $0x1180;
	[sflag:s21] =	ssyncadd.s32 $0xFFFFC180  }
0x16a: {  	[spmem:s2] =	stream.indirect.scatter.add.f32 [tilespmem:s18], [sflag:$0x5], $0x80, s22, s17, $0xb8;
	[tilespmem:$0x1D400] =	vst v63  }
0x16b: {  	_ =	swait.ge [sflag:s20], $0x3E80  }
0x16c: {  	[sflag:s20] =	ssyncset.done $0x0  }
0x16d: {  	[sflag:s20] =	ssyncadd.s32 $0xFFFFC180  }
0x16e: {  	[tilespmem:s18], [sflag:$0x2] =	stream.indirect.gather [hbm4b:s4+s17], $0x80, s23, s17, $0xb8;
	[tilespmem:$0x1D400] =	vst v63  }
0x16f: {  	_ =	swait.ge [sflag:s19], $0x3E80  }
0x170: {  	[sflag:s19] =	ssyncset.done $0x0  }
0x171: {  	[sflag:s19] =	ssyncadd.s32 $0xFFFFC180  }
0x172: {  	[spmem:s2] =	stream.indirect.scatter.add.f32 [tilespmem:s13], [sflag:$0x5], $0x80, s24, s17, $0xb8;
	[tilespmem:$0x1D400] =	vst v63  }
0x173: {  	_ =	swait.ge [sflag:s20], $0x3E80  }
0x174: {  	[sflag:s20] =	ssyncset.done $0x0  }
0x175: {  	[sflag:s20] =	ssyncadd.s32 $0xFFFFC180  }
0x176: {  	[tilespmem:s13], [sflag:$0x1] =	stream.indirect.gather [hbm4b:s4+s17], $0x80, s25, s17, $0xb8;
	[tilespmem:$0x1D400] =	vst v63  }
0x177: {  	_ =	swait.ge [sflag:s21], $0x3E80  }
0x178: {  	[sflag:s21] =	ssyncset.done $0x0  }
0x179: {  	[sflag:s21] =	ssyncadd.s32 $0xFFFFC180  }
0x17a: {  	[spmem:s2] =	stream.indirect.scatter.add.f32 [tilespmem:s18], [sflag:$0x5], $0x80, s26, s17, $0xb8;
	[tilespmem:$0x1D400] =	vst v63  }
0x17b: {  	_ =	swait.ge [sflag:s20], $0x3E80  }
0x17c: {  	[sflag:s20] =	ssyncset.done $0x0  }
0x17d: {  	[sflag:s20] =	ssyncadd.s32 $0xFFFFC180  }
0x17e: {  	[tilespmem:s18], [sflag:$0x2] =	stream.indirect.gather [hbm4b:s4+s17], $0x80, s28, s17, $0xb8;
	[tilespmem:$0x1D400] =	vst v63  }
0x17f: {  	_ =	swait.ge [sflag:s19], $0x3E80  }
0x180: {  	[sflag:s19] =	ssyncset.done $0x0  }
0x181: {  	[sflag:s19] =	ssyncadd.s32 $0xFFFFC180  }
0x182: {  	[spmem:s2] =	stream.indirect.scatter.add.f32 [tilespmem:s13], [sflag:$0x5], $0x80, s29, s17, $0xb8;
	[tilespmem:$0x1D400] =	vst v63  }
0x183: {  	_ =	swait.ge [sflag:s20], $0x3E80  }
0x184: {  	[sflag:s20] =	ssyncset.done $0x0  }
0x185: {  	[sflag:s20] =	ssyncadd.s32 $0xFFFFC180  }
0x186: {  	[tilespmem:s13], [sflag:$0x1] =	stream.indirect.gather [hbm4b:s4+s17], $0x80, s30, s17, $0xb8;
	[tilespmem:$0x1D400] =	vst v63  }
0x187: {  	_ =	swait.ge [sflag:s21], $0x3E80  }
0x188: {  	[sflag:s21] =	ssyncset.done $0x0  }
0x189: {  	[sflag:s21] =	ssyncadd.s32 $0xFFFFC180  }
0x18a: {  	[spmem:s2] =	stream.indirect.scatter.add.f32 [tilespmem:s18], [sflag:$0x5], $0x80, s31, s17, $0xb8;
	[tilespmem:$0x1D400] =	vst v63  }
0x18b: {  	_ =	swait.ge [sflag:s20], $0x3E80  }
0x18c: {  	[sflag:s20] =	ssyncset.done $0x0  }
0x18d: {  	[sflag:s20] =	ssyncadd.s32 $0xFFFFC180  }
0x18e: {  	[tilespmem:s18], [sflag:$0x2] =	stream.indirect.gather [hbm4b:s4+s17], $0x80, s1, s17, $0xb8;
	[tilespmem:$0x1D400] =	vst v63  }
0x18f: {  	_ =	swait.ge [sflag:s19], $0x3E80  }
0x190: {  	[sflag:s19] =	ssyncset.done $0x0  }
0x191: {  	[sflag:s19] =	ssyncadd.s32 $0xFFFFC180  }
0x192: {  	[spmem:s2] =	stream.indirect.scatter.add.f32 [tilespmem:s13], [sflag:$0x5], $0x80, s0, s17, $0xb8;
	[tilespmem:$0x1D400] =	vst v63  }
0x193: {  	_ =	swait.ge [sflag:s20], $0x3E80  }
0x194: {  	[sflag:s20] =	ssyncset.done $0x0  }
0x195: {  	[sflag:s20] =	ssyncadd.s32 $0xFFFFC180  }
0x196: {  	[tilespmem:s13], [sflag:$0x1] =	stream.indirect.gather [hbm4b:s4+s17], $0x80, s6, s17, $0xb8;
	[tilespmem:$0x1D400] =	vst v63  }
0x197: {  	_ =	swait.ge [sflag:s21], $0x3E80  }
0x198: {  	[sflag:s21] =	ssyncset.done $0x0  }
0x199: {  	[sflag:s21] =	ssyncadd.s32 $0xFFFFC180  }
0x19a: {  	[spmem:s2] =	stream.indirect.scatter.add.f32 [tilespmem:s18], [sflag:$0x5], $0x80, s7, s17, $0xb8;
	[tilespmem:$0x1D400] =	vst v63  }
0x19b: {  	_ =	swait.ge [sflag:s20], $0x3E80  }
0x19c: {  	[sflag:s20] =	ssyncset.done $0x0  }
0x19d: {  	[sflag:s20] =	ssyncadd.s32 $0xFFFFC180  }
0x19e: {  	[tilespmem:s18], [sflag:$0x2] =	stream.indirect.gather [hbm4b:s4+s17], $0x80, s8, s17, $0xb8;
	[tilespmem:$0x1D400] =	vst v63  }
0x19f: {  	_ =	swait.ge [sflag:s19], $0x3E80  }
0x1a0: {  	[sflag:s19] =	ssyncset.done $0x0  }
0x1a1: {  	[sflag:s19] =	ssyncadd.s32 $0xFFFFC180  }
0x1a2: {  	[spmem:s2] =	stream.indirect.scatter.add.f32 [tilespmem:s13], [sflag:$0x5], $0x80, s9, s17, $0xb8;
	[tilespmem:$0x1D400] =	vst v63  }
0x1a3: {  	_ =	swait.ge [sflag:s20], $0x3E80  }
0x1a4: {  	[sflag:s20] =	ssyncset.done $0x0  }
0x1a5: {  	[sflag:s20] =	ssyncadd.s32 $0xFFFFC180  }
0x1a6: {  	p0 =	sne.s32 s5, $0x480;
	_ =	swait.ge [sflag:s21], $0x3E80  }
.Ltmp1:
0x1a7: {  	[sflag:s21] =	ssyncset.done $0x0;
	(pc) =	sbr.rel @p0 .LBB2_4-.Ltmp1, $4  }
0x1a8: {  	[sflag:s21] =	ssyncadd.s32 $0xFFFFC180  }
0x1a9: {  	[spmem:s2] =	stream.indirect.scatter.add.f32 [tilespmem:s18], [sflag:$0x5], $0x80, s10, s17, $0xb8;
	[tilespmem:$0x1D400] =	vst v63  }
0x1aa: {  	_ =	swait.ge [sflag:s20], $0x3E80  }
0x1ab: {  	s5 =	sadd.s32 $0x180, s5;
	s11 =	rddreg [dreg:$0x4];
	[sflag:s20] =	ssyncset.done $0x0  }
0x1ac: {  	s5 =	rddreg [dreg:$0x3];
	[sflag:s20] =	ssyncadd.s32 $0xFFFFC180;
	s11 =	sadd.s32 s12, s11  }
0x1ad: {  	[tilespmem:s3], [sflag:$0x4] =	stream.linear.gather [hbm4b:s11+s3], $0xA00, $0x38;
	[tilespmem:$0x1D400] =	vst v63  }
0x1ae: {  	s5 =	sadd.s32 s12, s5  }
0x1af: {  	[tilespmem:s15], [sflag:$0x4] =	stream.linear.gather [hbm4b:s5+s3], $0xA00, $0x38;
	[tilespmem:$0x1D400] =	vst v63  }
0x1b0: {  	_ =	swait.ge [sflag:s16], $0xA00  }
0x1b1: {  	[sflag:s16] =	ssyncset.done $0x0  }
0x1b2: {  	[sflag:s16] =	ssyncadd.s32 $0xFFFFF600  }
0x1b3: {  	_ =	swait.ge [sflag:s16], $0xA00  }
0x1b4: {  	[sflag:s16] =	ssyncset.done $0x0  }
0x1b5: {  	[sflag:s16] =	ssyncadd.s32 $0xFFFFF600  }
0x1b6: {  	[tilespmem:s13], [sflag:$0x1] =	stream.indirect.gather [hbm4b:s4+s17], $0x80, s3, s17, $0xb8;
	[tilespmem:$0x1D400] =	vst v63  }
0x1b7: {  	s12 =	rddreg [dreg:$0x5]  }
0x1b8: {  	[tilespmem:s18], [sflag:$0x2] =	stream.indirect.gather [hbm4b:s4+s17], $0x80, s12, s17, $0xb8;
	[tilespmem:$0x1D400] =	vst v63  }
0x1b9: {  	_ =	swait.ge [sflag:s19], $0x3E80  }
0x1ba: {  	[sflag:s19] =	ssyncset.done $0x0  }
0x1bb: {  	[sflag:s19] =	ssyncadd.s32 $0xFFFFC180  }
0x1bc: {  	[spmem:s2] =	stream.indirect.scatter.add.f32 [tilespmem:s13], [sflag:$0x5], $0x80, s15, s17, $0xb8;
	[tilespmem:$0x1D400] =	vst v63  }
0x1bd: {  	_ =	swait.ge [sflag:s20], $0x3E80  }
0x1be: {  	[sflag:s20] =	ssyncset.done $0x0  }
0x1bf: {  	s14 =	rddreg [dreg:$0x6];
	[sflag:s20] =	ssyncadd.s32 $0xFFFFC180  }
0x1c0: {  	[tilespmem:s13], [sflag:$0x1] =	stream.indirect.gather [hbm4b:s4+s17], $0x80, s14, s17, $0xb8;
	[tilespmem:$0x1D400] =	vst v63  }
0x1c1: {  	_ =	swait.ge [sflag:s21], $0x3E80  }
0x1c2: {  	[sflag:s21] =	ssyncset.done $0x0  }
0x1c3: {  	s11 =	rddreg [dreg:$0x7];
	[sflag:s21] =	ssyncadd.s32 $0xFFFFC180  }
0x1c4: {  	[spmem:s2] =	stream.indirect.scatter.add.f32 [tilespmem:s18], [sflag:$0x5], $0x80, s11, s17, $0xb8;
	[tilespmem:$0x1D400] =	vst v63  }
0x1c5: {  	_ =	swait.ge [sflag:s20], $0x3E80  }
0x1c6: {  	[sflag:s20] =	ssyncset.done $0x0  }
0x1c7: {  	s12 =	rddreg [dreg:$0x8];
	[sflag:s20] =	ssyncadd.s32 $0xFFFFC180  }
0x1c8: {  	[tilespmem:s18], [sflag:$0x2] =	stream.indirect.gather [hbm4b:s4+s17], $0x80, s12, s17, $0xb8;
	[tilespmem:$0x1D400] =	vst v63  }
0x1c9: {  	_ =	swait.ge [sflag:s19], $0x3E80  }
0x1ca: {  	[sflag:s19] =	ssyncset.done $0x0  }
0x1cb: {  	s14 =	rddreg [dreg:$0x9];
	[sflag:s19] =	ssyncadd.s32 $0xFFFFC180  }
0x1cc: {  	[spmem:s2] =	stream.indirect.scatter.add.f32 [tilespmem:s13], [sflag:$0x5], $0x80, s14, s17, $0xb8;
	[tilespmem:$0x1D400] =	vst v63  }
0x1cd: {  	_ =	swait.ge [sflag:s20], $0x3E80  }
0x1ce: {  	[sflag:s20] =	ssyncset.done $0x0  }
0x1cf: {  	s11 =	rddreg [dreg:$0xa];
	[sflag:s20] =	ssyncadd.s32 $0xFFFFC180  }
0x1d0: {  	[tilespmem:s13], [sflag:$0x1] =	stream.indirect.gather [hbm4b:s4+s17], $0x80, s11, s17, $0xb8;
	[tilespmem:$0x1D400] =	vst v63  }
0x1d1: {  	_ =	swait.ge [sflag:s21], $0x3E80  }
0x1d2: {  	[sflag:s21] =	ssyncset.done $0x0  }
0x1d3: {  	s12 =	rddreg [dreg:$0xb];
	[sflag:s21] =	ssyncadd.s32 $0xFFFFC180  }
0x1d4: {  	[spmem:s2] =	stream.indirect.scatter.add.f32 [tilespmem:s18], [sflag:$0x5], $0x80, s12, s17, $0xb8;
	[tilespmem:$0x1D400] =	vst v63  }
0x1d5: {  	_ =	swait.ge [sflag:s20], $0x3E80  }
0x1d6: {  	[sflag:s20] =	ssyncset.done $0x0  }
0x1d7: {  	s14 =	rddreg [dreg:$0xc];
	[sflag:s20] =	ssyncadd.s32 $0xFFFFC180  }
0x1d8: {  	[tilespmem:s18], [sflag:$0x2] =	stream.indirect.gather [hbm4b:s4+s17], $0x80, s14, s17, $0xb8;
	[tilespmem:$0x1D400] =	vst v63  }
0x1d9: {  	_ =	swait.ge [sflag:s19], $0x3E80  }
0x1da: {  	[sflag:s19] =	ssyncset.done $0x0  }
0x1db: {  	s11 =	rddreg [dreg:$0xd];
	[sflag:s19] =	ssyncadd.s32 $0xFFFFC180  }
0x1dc: {  	[spmem:s2] =	stream.indirect.scatter.add.f32 [tilespmem:s13], [sflag:$0x5], $0x80, s11, s17, $0xb8;
	[tilespmem:$0x1D400] =	vst v63  }
0x1dd: {  	_ =	swait.ge [sflag:s20], $0x3E80  }
0x1de: {  	[sflag:s20] =	ssyncset.done $0x0  }
0x1df: {  	s12 =	rddreg [dreg:$0xe];
	[sflag:s20] =	ssyncadd.s32 $0xFFFFC180  }
0x1e0: {  	[tilespmem:s13], [sflag:$0x1] =	stream.indirect.gather [hbm4b:s4+s17], $0x80, s12, s17, $0xb8;
	[tilespmem:$0x1D400] =	vst v63  }
0x1e1: {  	_ =	swait.ge [sflag:s21], $0x3E80  }
0x1e2: {  	[sflag:s21] =	ssyncset.done $0x0  }
0x1e3: {  	s14 =	rddreg [dreg:$0xf];
	[sflag:s21] =	ssyncadd.s32 $0xFFFFC180  }
0x1e4: {  	[spmem:s2] =	stream.indirect.scatter.add.f32 [tilespmem:s18], [sflag:$0x5], $0x80, s14, s17, $0xb8;
	[tilespmem:$0x1D400] =	vst v63  }
0x1e5: {  	_ =	swait.ge [sflag:s20], $0x3E80  }
0x1e6: {  	[sflag:s20] =	ssyncset.done $0x0  }
0x1e7: {  	s11 =	rddreg [dreg:$0x10];
	[sflag:s20] =	ssyncadd.s32 $0xFFFFC180  }
0x1e8: {  	[tilespmem:s18], [sflag:$0x2] =	stream.indirect.gather [hbm4b:s4+s17], $0x80, s11, s17, $0xb8;
	[tilespmem:$0x1D400] =	vst v63  }
0x1e9: {  	_ =	swait.ge [sflag:s19], $0x3E80  }
0x1ea: {  	[sflag:s19] =	ssyncset.done $0x0  }
0x1eb: {  	s12 =	rddreg [dreg:$0x11];
	[sflag:s19] =	ssyncadd.s32 $0xFFFFC180  }
0x1ec: {  	[spmem:s2] =	stream.indirect.scatter.add.f32 [tilespmem:s13], [sflag:$0x5], $0x80, s12, s17, $0xb8;
	[tilespmem:$0x1D400] =	vst v63  }
0x1ed: {  	_ =	swait.ge [sflag:s20], $0x3E80  }
0x1ee: {  	[sflag:s20] =	ssyncset.done $0x0  }
0x1ef: {  	s14 =	rddreg [dreg:$0x12];
	[sflag:s20] =	ssyncadd.s32 $0xFFFFC180  }
0x1f0: {  	[tilespmem:s13], [sflag:$0x1] =	stream.indirect.gather [hbm4b:s4+s17], $0x80, s14, s17, $0xb8;
	[tilespmem:$0x1D400] =	vst v63  }
0x1f1: {  	_ =	swait.ge [sflag:s21], $0x3E80  }
0x1f2: {  	[sflag:s21] =	ssyncset.done $0x0  }
0x1f3: {  	s11 =	rddreg [dreg:$0x13];
	[sflag:s21] =	ssyncadd.s32 $0xFFFFC180  }
0x1f4: {  	[spmem:s2] =	stream.indirect.scatter.add.f32 [tilespmem:s18], [sflag:$0x5], $0x80, s11, s17, $0xb8;
	[tilespmem:$0x1D400] =	vst v63  }
0x1f5: {  	_ =	swait.ge [sflag:s20], $0x3E80  }
0x1f6: {  	[sflag:s20] =	ssyncset.done $0x0  }
0x1f7: {  	s12 =	rddreg [dreg:$0x14];
	[sflag:s20] =	ssyncadd.s32 $0xFFFFC180  }
0x1f8: {  	[tilespmem:s18], [sflag:$0x2] =	stream.indirect.gather [hbm4b:s4+s17], $0x80, s12, s17, $0xb8;
	[tilespmem:$0x1D400] =	vst v63  }
0x1f9: {  	_ =	swait.ge [sflag:s19], $0x3E80  }
0x1fa: {  	[sflag:s19] =	ssyncset.done $0x0  }
0x1fb: {  	s14 =	rddreg [dreg:$0x15];
	[sflag:s19] =	ssyncadd.s32 $0xFFFFC180  }
0x1fc: {  	[spmem:s2] =	stream.indirect.scatter.add.f32 [tilespmem:s13], [sflag:$0x5], $0x80, s14, s17, $0xb8;
	[tilespmem:$0x1D400] =	vst v63  }
0x1fd: {  	_ =	swait.ge [sflag:s20], $0x3E80  }
0x1fe: {  	[sflag:s20] =	ssyncset.done $0x0  }
0x1ff: {  	s11 =	rddreg [dreg:$0x16];
	[sflag:s20] =	ssyncadd.s32 $0xFFFFC180  }
0x200: {  	[tilespmem:s13], [sflag:$0x1] =	stream.indirect.gather [hbm4b:s4+s17], $0x80, s11, s17, $0xb8;
	[tilespmem:$0x1D400] =	vst v63  }
0x201: {  	_ =	swait.ge [sflag:s21], $0x3E80  }
0x202: {  	[sflag:s21] =	ssyncset.done $0x0  }
0x203: {  	s12 =	rddreg [dreg:$0x17];
	[sflag:s21] =	ssyncadd.s32 $0xFFFFC180  }
0x204: {  	[spmem:s2] =	stream.indirect.scatter.add.f32 [tilespmem:s18], [sflag:$0x5], $0x80, s12, s17, $0xb8;
	[tilespmem:$0x1D400] =	vst v63  }
0x205: {  	_ =	swait.ge [sflag:s20], $0x3E80  }
0x206: {  	[sflag:s20] =	ssyncset.done $0x0  }
0x207: {  	s14 =	rddreg [dreg:$0x18];
	[sflag:s20] =	ssyncadd.s32 $0xFFFFC180  }
0x208: {  	[tilespmem:s18], [sflag:$0x2] =	stream.indirect.gather [hbm4b:s4+s17], $0x80, s14, s17, $0xb8;
	[tilespmem:$0x1D400] =	vst v63  }
0x209: {  	_ =	swait.ge [sflag:s19], $0x3E80  }
0x20a: {  	[sflag:s19] =	ssyncset.done $0x0  }
0x20b: {  	s11 =	rddreg [dreg:$0x19];
	[sflag:s19] =	ssyncadd.s32 $0xFFFFC180  }
0x20c: {  	[spmem:s2] =	stream.indirect.scatter.add.f32 [tilespmem:s13], [sflag:$0x5], $0x80, s11, s17, $0xb8;
	[tilespmem:$0x1D400] =	vst v63  }
0x20d: {  	_ =	swait.ge [sflag:s20], $0x3E80  }
0x20e: {  	[sflag:s20] =	ssyncset.done $0x0  }
0x20f: {  	s12 =	rddreg [dreg:$0x1a];
	[sflag:s20] =	ssyncadd.s32 $0xFFFFC180  }
0x210: {  	[tilespmem:s13], [sflag:$0x1] =	stream.indirect.gather [hbm4b:s4+s17], $0x80, s12, s17, $0xb8;
	[tilespmem:$0x1D400] =	vst v63  }
0x211: {  	_ =	swait.ge [sflag:s21], $0x3E80  }
0x212: {  	[sflag:s21] =	ssyncset.done $0x0  }
0x213: {  	[sflag:s21] =	ssyncadd.s32 $0xFFFFC180  }
0x214: {  	[spmem:s2] =	stream.indirect.scatter.add.f32 [tilespmem:s18], [sflag:$0x5], $0x80, s22, s17, $0xb8;
	[tilespmem:$0x1D400] =	vst v63  }
0x215: {  	_ =	swait.ge [sflag:s20], $0x3E80  }
0x216: {  	[sflag:s20] =	ssyncset.done $0x0  }
0x217: {  	[sflag:s20] =	ssyncadd.s32 $0xFFFFC180  }
0x218: {  	[tilespmem:s18], [sflag:$0x2] =	stream.indirect.gather [hbm4b:s4+s17], $0x80, s23, s17, $0xb8;
	[tilespmem:$0x1D400] =	vst v63  }
0x219: {  	_ =	swait.ge [sflag:s19], $0x3E80  }
0x21a: {  	[sflag:s19] =	ssyncset.done $0x0  }
0x21b: {  	[sflag:s19] =	ssyncadd.s32 $0xFFFFC180  }
0x21c: {  	[spmem:s2] =	stream.indirect.scatter.add.f32 [tilespmem:s13], [sflag:$0x5], $0x80, s24, s17, $0xb8;
	[tilespmem:$0x1D400] =	vst v63  }
0x21d: {  	_ =	swait.ge [sflag:s20], $0x3E80  }
0x21e: {  	[sflag:s20] =	ssyncset.done $0x0  }
0x21f: {  	[sflag:s20] =	ssyncadd.s32 $0xFFFFC180  }
0x220: {  	[tilespmem:s13], [sflag:$0x1] =	stream.indirect.gather [hbm4b:s4+s17], $0x80, s25, s17, $0xb8;
	[tilespmem:$0x1D400] =	vst v63  }
0x221: {  	_ =	swait.ge [sflag:s21], $0x3E80  }
0x222: {  	[sflag:s21] =	ssyncset.done $0x0  }
0x223: {  	[sflag:s21] =	ssyncadd.s32 $0xFFFFC180  }
0x224: {  	[spmem:s2] =	stream.indirect.scatter.add.f32 [tilespmem:s18], [sflag:$0x5], $0x80, s26, s17, $0xb8;
	[tilespmem:$0x1D400] =	vst v63  }
0x225: {  	_ =	swait.ge [sflag:s20], $0x3E80  }
0x226: {  	[sflag:s20] =	ssyncset.done $0x0  }
0x227: {  	[sflag:s20] =	ssyncadd.s32 $0xFFFFC180  }
0x228: {  	[tilespmem:s18], [sflag:$0x2] =	stream.indirect.gather [hbm4b:s4+s17], $0x80, s28, s17, $0xb8;
	[tilespmem:$0x1D400] =	vst v63  }
0x229: {  	_ =	swait.ge [sflag:s19], $0x3E80  }
0x22a: {  	[sflag:s19] =	ssyncset.done $0x0  }
0x22b: {  	[sflag:s19] =	ssyncadd.s32 $0xFFFFC180  }
0x22c: {  	[spmem:s2] =	stream.indirect.scatter.add.f32 [tilespmem:s13], [sflag:$0x5], $0x80, s29, s17, $0xb8;
	[tilespmem:$0x1D400] =	vst v63  }
0x22d: {  	_ =	swait.ge [sflag:s20], $0x3E80  }
0x22e: {  	[sflag:s20] =	ssyncset.done $0x0  }
0x22f: {  	[sflag:s20] =	ssyncadd.s32 $0xFFFFC180  }
0x230: {  	[tilespmem:s13], [sflag:$0x1] =	stream.indirect.gather [hbm4b:s4+s17], $0x80, s30, s17, $0xb8;
	[tilespmem:$0x1D400] =	vst v63  }
0x231: {  	_ =	swait.ge [sflag:s21], $0x3E80  }
0x232: {  	[sflag:s21] =	ssyncset.done $0x0  }
0x233: {  	[sflag:s21] =	ssyncadd.s32 $0xFFFFC180  }
0x234: {  	[spmem:s2] =	stream.indirect.scatter.add.f32 [tilespmem:s18], [sflag:$0x5], $0x80, s31, s17, $0xb8;
	[tilespmem:$0x1D400] =	vst v63  }
0x235: {  	_ =	swait.ge [sflag:s20], $0x3E80  }
0x236: {  	[sflag:s20] =	ssyncset.done $0x0  }
0x237: {  	[sflag:s20] =	ssyncadd.s32 $0xFFFFC180  }
0x238: {  	[tilespmem:s18], [sflag:$0x2] =	stream.indirect.gather [hbm4b:s4+s17], $0x80, s1, s17, $0xb8;
	[tilespmem:$0x1D400] =	vst v63  }
0x239: {  	_ =	swait.ge [sflag:s19], $0x3E80  }
0x23a: {  	[sflag:s19] =	ssyncset.done $0x0  }
0x23b: {  	[sflag:s19] =	ssyncadd.s32 $0xFFFFC180  }
0x23c: {  	[spmem:s2] =	stream.indirect.scatter.add.f32 [tilespmem:s13], [sflag:$0x5], $0x80, s0, s17, $0xb8;
	[tilespmem:$0x1D400] =	vst v63  }
0x23d: {  	_ =	swait.ge [sflag:s20], $0x3E80  }
0x23e: {  	[sflag:s20] =	ssyncset.done $0x0  }
0x23f: {  	[sflag:s20] =	ssyncadd.s32 $0xFFFFC180  }
0x240: {  	[tilespmem:s13], [sflag:$0x1] =	stream.indirect.gather [hbm4b:s4+s17], $0x80, s6, s17, $0xb8;
	[tilespmem:$0x1D400] =	vst v63  }
0x241: {  	_ =	swait.ge [sflag:s21], $0x3E80  }
0x242: {  	[sflag:s21] =	ssyncset.done $0x0  }
0x243: {  	[sflag:s21] =	ssyncadd.s32 $0xFFFFC180  }
0x244: {  	[spmem:s2] =	stream.indirect.scatter.add.f32 [tilespmem:s18], [sflag:$0x5], $0x80, s7, s17, $0xb8;
	[tilespmem:$0x1D400] =	vst v63  }
0x245: {  	_ =	swait.ge [sflag:s20], $0x3E80  }
0x246: {  	[sflag:s20] =	ssyncset.done $0x0  }
0x247: {  	[sflag:s20] =	ssyncadd.s32 $0xFFFFC180  }
0x248: {  	[tilespmem:s18], [sflag:$0x2] =	stream.indirect.gather [hbm4b:s4+s17], $0x80, s8, s17, $0xb8;
	[tilespmem:$0x1D400] =	vst v63  }
0x249: {  	_ =	swait.ge [sflag:s19], $0x3E80  }
0x24a: {  	[sflag:s19] =	ssyncset.done $0x0  }
0x24b: {  	[sflag:s19] =	ssyncadd.s32 $0xFFFFC180  }
0x24c: {  	[spmem:s2] =	stream.indirect.scatter.add.f32 [tilespmem:s13], [sflag:$0x5], $0x80, s9, s17, $0xb8;
	[tilespmem:$0x1D400] =	vst v63  }
0x24d: {  	_ =	swait.ge [sflag:s20], $0x3E80  }
0x24e: {  	[sflag:s20] =	ssyncset.done $0x0  }
0x24f: {  	[sflag:s20] =	ssyncadd.s32 $0xFFFFC180  }
0x250: {  	_ =	swait.ge [sflag:s21], $0x3E80  }
0x251: {  	[sflag:s21] =	ssyncset.done $0x0  }
0x252: {  	[sflag:s21] =	ssyncadd.s32 $0xFFFFC180  }
0x253: {  	[spmem:s2] =	stream.indirect.scatter.add.f32 [tilespmem:s18], [sflag:$0x5], $0x80, s10, s17, $0xb8;
	[tilespmem:$0x1D400] =	vst v63  }
0x254: {  	_ =	swait.ge [sflag:s20], $0x3E80  }
0x255: {  	[sflag:s20] =	ssyncset.done $0x0  }
0x256: {  	[sflag:s20] =	ssyncadd.s32 $0xFFFFC180  }
0x257: {  	[bflag:$0x0] =	sbarrier.arrive $0xFFFF  }
0x258: {  	s14 =	stileid.u32;
	s12 =	sld [smem:$0x7FC]  }
0x259: {  	s5 =	sshll.u32 s14, $0x6;
	s14 =	rddreg [dreg:$0x1b]  }
0x25a: {  	s5 =	sor.u32 $0x1C03, s5;
	s11 =	sshrl.u32 s14, $0x3  }
0x25b: {  	[hbm:s12], [sflag:s5] =	dma.local [spmem:s11], $0x2780  }
0x25c: {  	s11 =	simm.s32 $0x3  }
0x25d: {  	_ =	swait.ge [sflag:s11], $0x2780  }
0x25e: {  	s5 =	sld [smem:$0x7FA];
	_ =	sdelay $0x2  }
0x25f: {  	s12 =	sadd.s32 $0x1, s5;
	s5 =	sld [smem:$0x7FD];
	_ =	sdelay $0x2  }
0x260: {  	p0 =	sne.s32 s12, s5  }
.Ltmp2:
0x261: {  	_ = 	snop;
	(pc) =	sbr.rel @p0 .LBB2_1-.Ltmp2, $3  }
0x262: {  	_ =	sdelay $0x1  }
0x263: {  	[sflag:s11] =	ssyncset.done $0x0  }
0x264: {  	[sflag:s11] =	ssyncadd.s32 $0xFFFFD880  }
0x265: {  	_ =	sfence.sel $0x180000  }
0x266: {  	[bflag:$0x0] =	sbarrier.arrive $0xFFFF  }
0x267: {  	_ =	strace $0x9000004A  }
0x268: {  	s0 =	stileid.u32;
	[bflag:$0x2] =	sbarrier.arrive $0xFFFF  }
0x269: {  	p0 =	sne.s32 s0, $0x0;
	s0 =	rddreg [dreg:$0x2]  }
0x26a: {  	s0 =	sadd.s32 @!p0 $0x100000, s0  }
0x26b: {  	[sflag:s0] =	ssyncadd.tile.s32 @!p0 $0x1;
	_ =	shalt  }
.Lfunc_end2:
_tile_overlayer_lowered:
.L_overlay_start_2:
0x26c: {  	(tag) =	ssettag $0x2  }
0x26d: {  	s0 =	rddreg [dreg:$0x0];
	s2 =	stileid.u32  }
0x26e: {  	s1 =	rddreg [dreg:$0x1];
	p0 =	sne.s32 s2, $0x0  }
0x26f: {  	s3 =	rddreg [dreg:$0x2];
	[bflag:$0x3] =	sbarrier.arrive $0xFFFF;
	s2 =	simm.s32 @!p0 $0x1C05  }
0x270: {  	[timem:s3], [sflag:s2] =	dma.local @!p0 [hbm:s0], s1  }
0x271: {  	s0 =	simm.s32 @!p0 $0x5  }
0x272: {  	_ =	swait.ge @!p0 [sflag:s0], s1  }
0x273: {  	s1 =	ssub.s32 @!p0 $0x0, s1;
	[sflag:s0] =	ssyncset.done @!p0 $0x0  }
0x274: {  	[sflag:s0] =	ssyncadd.s32 @!p0 s1  }
0x275: {  	[bflag:$0x3] =	sbarrier.arrive $0xFFFF  }
0x276: {  	_ =	shalt  }

// kernel: kernel.8.cloned.1.call-start
scs
__scs_entry_jumppad:
0x0: {  	(pc) =	sbr.rel $0x88, $3  }
0x1: {  	(tag) =	ssettag $0x0;
	lr =	simm.s32 $0x1  }
0x2: {  	[smem:$0x3F93] =	sst lr;
	_ =	strace $0xD0000000  }
0x3: {  	_ = 	snop  }
0x4: {  	_ = 	snop  }
0x5: {  	_ = 	snop  }
0x6: {  	_ = 	snop  }
0x7: {  	_ = 	snop  }
__scs_overlays_trampoline_lowered:
0x8: {  	[smem:$0x3FA2] =	sst s0  }
0x9: {  	[smem:$0x3FA3] =	sst s1  }
0xa: {  	[smem:$0x3FA4] =	sst s2  }
0xb: {  	[smem:$0x3FA5] =	sst s3  }
0xc: {  	[smem:$0x3FA6] =	sst s4  }
0xd: {  	[smem:$0x3FA7] =	sst s5  }
0xe: {  	[smem:$0x3FA8] =	sst s6  }
0xf: {  	[smem:$0x3FA9] =	sst s7  }
0x10: {  	[smem:$0x3FAA] =	sst s8  }
0x11: {  	[smem:$0x3FAB] =	sst s9;
	s0 =	simm.s32 @!p0 $0x0  }
0x12: {  	s1 =	sld [smem:$0x3F91];
	s0 =	simm.s32 @p0 $0x1  }
0x13: {  	[smem:$0x3FAC] =	sst s0;
	s0 =	simm.s32 @!p1 $0x0  }
0x14: {  	s2 =	sld [smem:$0x3F90];
	s0 =	simm.s32 @p1 $0x1  }
0x15: {  	[smem:$0x3FAD] =	sst s0;
	s0 =	simm.s32 @!p2 $0x0  }
0x16: {  	s3 =	sld [smem:$0x3FDB];
	s0 =	simm.s32 @p2 $0x1  }
0x17: {  	s4 =	simm.s32 $0x1BF5;
	[smem:$0x3FAF] =	sst s0  }
0x18: {  	s0 =	sld [smem:$0x3F92];
	_ =	swait.ge [sflag:s4], $0x0  }
0x19: {  	s7 =	sld [smem:$0x3F93]  }
0x1a: {  	s8 =	sadd.s32 $0xFFFFE003, lr  }
0x1b: {  	s9 =	sadd.s32 $0xFFFFFEF7, lr;
	s5 =	simm.s32 $0xFFFFFFFF;
	p2 =	slt.u32 s8, $0xFFFFF086  }
0x1c: {  	p1 =	slt.u32 s9, $0xF7A;
	s5 =	simm.s32 @!p2 $0x0  }
0x1d: {  	s5 =	simm.s32 @p1 $0x1;
	p0 =	seq.s32 s7, s2  }
0x1e: {  	s7 =	smul.u32 @!p0 $0xF7A, s2;
	p2 =	seq.s32 @!p0 s5, $0x0  }
0x1f: {  	s9 =	smul.u32 $0xF7A, s1;
	s8 =	simm.s32 @!p0 $0x1BF5;
	p2 =	por !p2, p0  }
0x20: {  	[sflag:s8] =	ssyncset.s32 @!p0 $0xFFFFF086;
	s6 =	sadd.s32 @!p0 s3, s7;
	s7 =	simm.s32 @!p0 $0x108  }
0x21: {  	s3 =	sadd.s32 s3, s9;
	s6 =	sadd.s32 @!p0 $0x88, s6;
	s7 =	simm.s32 @p2 $0x1082  }
0x22: {  	[simem:s7], [sflag:s8] =	dma.local @!p0 [hbm:s6], $0xF7A  }
0x23: {  	s9 =	sor.u32 $0xD0000000, s2;
	s6 =	simm.s32 $0x108;
	_ =	swait.ge @!p0 [sflag:s8], $0x0  }
0x24: {  	s3 =	sadd.s32 $0x88, s3;
	s6 =	simm.s32 @!p1 $0x1082;
	[sflag:s4] =	ssyncset.s32 $0xFFFFF086  }
0x25: {  	[simem:s6], [sflag:s4] =	dma.local [hbm:s3], $0xF7A  }
0x26: {  	[smem:$0x3F93] =	sst s1;
	(tag) =	ssettag s2;
	_ =	strace s9  }
0x27: {  	s1 =	sld [smem:$0x3FA3]  }
0x28: {  	s2 =	sld [smem:$0x3FA4]  }
0x29: {  	s4 =	sld [smem:$0x3FA6]  }
0x2a: {  	p0 =	seq.s32 s5, $0x0;
	s5 =	sld [smem:$0x3FA7]  }
0x2b: {  	s6 =	sld [smem:$0x3FA8]  }
0x2c: {  	s7 =	sld [smem:$0x3FA9]  }
0x2d: {  	s3 =	simm.s32 $0x108;
	s8 =	sld [smem:$0x3FAA]  }
0x2e: {  	s3 =	simm.s32 @!p0 $0x1082;
	s9 =	sld [smem:$0x3FAB]  }
0x2f: {  	lr =	sadd.s32 s0, s3;
	s0 =	sld [smem:$0x3FA2]  }
0x30: {  	s3 =	sld [smem:$0x3FA5]  }
0x31: {  	[smem:$0x3FAE] =	sst s10  }
0x32: {  	s10 =	sld [smem:$0x3FAC];
	_ =	sdelay $0x3  }
0x33: {  	p0 =	seq.s32 s10, $0x1;
	s10 =	sld [smem:$0x3FAE];
	_ =	sdelay $0x3  }
0x34: {  	[smem:$0x3FAE] =	sst s10  }
0x35: {  	s10 =	sld [smem:$0x3FAD];
	_ =	sdelay $0x3  }
0x36: {  	p1 =	seq.s32 s10, $0x1;
	s10 =	sld [smem:$0x3FAE];
	_ =	sdelay $0x3  }
0x37: {  	[smem:$0x3FAE] =	sst s10  }
0x38: {  	s10 =	sld [smem:$0x3FAF]  }
0x39: {  	_ = 	snop;
	(pc) =	sbr.ind lr, $3  }
0x3a: {  	_ = 	snop  }
0x3b: {  	_ = 	snop  }
0x3c: {  	p2 =	seq.s32 s10, $0x1;
	s10 =	sld [smem:$0x3FAE]  }
0x3d: {  	_ =	shalt  }
0x3e: {  	_ =	shalt  }
0x3f: {  	_ =	shalt  }
0x40: {  	_ =	shalt  }
0x41: {  	_ =	shalt  }
0x42: {  	_ =	shalt  }
0x43: {  	_ =	shalt  }
0x44: {  	_ =	shalt  }
0x45: {  	_ =	shalt  }
0x46: {  	_ =	shalt  }
0x47: {  	_ =	shalt  }
0x48: {  	_ =	shalt  }
0x49: {  	_ =	shalt  }
0x4a: {  	_ =	shalt  }
0x4b: {  	_ =	shalt  }
0x4c: {  	_ =	shalt  }
0x4d: {  	_ =	shalt  }
0x4e: {  	_ =	shalt  }
0x4f: {  	_ =	shalt  }
0x50: {  	_ =	shalt  }
0x51: {  	_ =	shalt  }
0x52: {  	_ =	shalt  }
0x53: {  	_ =	shalt  }
0x54: {  	_ =	shalt  }
0x55: {  	_ =	shalt  }
0x56: {  	_ =	shalt  }
0x57: {  	_ =	shalt  }
0x58: {  	_ =	shalt  }
0x59: {  	_ =	shalt  }
0x5a: {  	_ =	shalt  }
0x5b: {  	_ =	shalt  }
0x5c: {  	_ =	shalt  }
0x5d: {  	_ =	shalt  }
0x5e: {  	_ =	shalt  }
0x5f: {  	_ =	shalt  }
0x60: {  	_ =	shalt  }
0x61: {  	_ =	shalt  }
0x62: {  	_ =	shalt  }
0x63: {  	_ =	shalt  }
0x64: {  	_ =	shalt  }
0x65: {  	_ =	shalt  }
0x66: {  	_ =	shalt  }
0x67: {  	_ =	shalt  }
0x68: {  	_ =	shalt  }
0x69: {  	_ =	shalt  }
0x6a: {  	_ =	shalt  }
0x6b: {  	_ =	shalt  }
0x6c: {  	_ =	shalt  }
0x6d: {  	_ =	shalt  }
0x6e: {  	_ =	shalt  }
0x6f: {  	_ =	shalt  }
0x70: {  	_ =	shalt  }
0x71: {  	_ =	shalt  }
0x72: {  	_ =	shalt  }
0x73: {  	_ =	shalt  }
0x74: {  	_ =	shalt  }
0x75: {  	_ =	shalt  }
0x76: {  	_ =	shalt  }
0x77: {  	_ =	shalt  }
0x78: {  	_ =	shalt  }
0x79: {  	_ =	shalt  }
0x7a: {  	_ =	shalt  }
0x7b: {  	_ =	shalt  }
0x7c: {  	_ =	shalt  }
0x7d: {  	_ =	shalt  }
0x7e: {  	_ =	shalt  }
0x7f: {  	_ =	shalt  }
0x80: {  	_ =	shalt  }
0x81: {  	_ =	shalt  }
0x82: {  	_ =	shalt  }
0x83: {  	_ =	shalt  }
0x84: {  	_ =	shalt  }
0x85: {  	_ =	shalt  }
0x86: {  	_ =	shalt  }
0x87: {  	_ =	shalt  }
.Lfunc_end0:
.L_simem_size_0:
called_computation_lowered:
.L_overlay_start_0:
0x88: {  	s2 =	sld [smem:$0x3FD9]  }
0x89: {  	s3 =	sld [smem:$0x3FFE];
	_ =	sdelay $0x1  }
0x8a: {  	s1 =	srdreg.scid  }
0x8b: {  	s0 =	sand.u32 $0x1, s1  }
0x8c: {  	s17 =	sshll.u32 s0, $0xA;
	s2 =	sadd.s32 s3, s2  }
0x8d: {  	s2 =	sadd.s32 s2, s17  }
0x8e: {  	[smem:$0x3FBA] =	sst s2  }
0x8f: {  	_ = 	snop  }
0x90: {  	s2 =	sld [smem:$0x3FC9];
	(tm) =	ssettm $0x1  }
0x91: {  	s18 =	sld [smem:$0x3FFB];
	_ =	sdelay $0x3  }
0x92: {  	_ =	strace s18  }
0x93: {  	s3 =	sld [smem:$0x3FFC];
	_ =	sdelay $0x3  }
0x94: {  	_ =	strace s3  }
0x95: {  	s3 =	sld [smem:$0x3FFD];
	_ =	sdelay $0x3  }
0x96: {  	_ =	strace s3  }
0x97: {  	_ =	strace $0x8FFFFFFF  }
0x98: {  	s19 =	sld [smem:$0x3FDB];
	_ =	sdelay $0x1  }
0x99: {  	s4 =	simm.s32 $_scs_section_size  }
0x9a: {  	s5 =	simm.s32 $_size__tile_overlayer_lowered;
	s6 =	simm.s32 $_tile_overlayer_lowered  }
0x9b: {  	s22 =	simm.s32 $0x1BFF;
	s21 =	sshll.u32 s6, $0x1;
	s3 =	sadd.s32 s4, s19  }
0x9c: {  	s7 =	simm.s32 $0x0;
	s20 =	sshll.u32 s5, $0x1;
	s5 =	sadd.s32 s21, s3  }
0x9d: {  	[timem:s7], [sflag:s22] =	dma.local [hbm:s5], s20  }
0x9e: {  	_ =	swait.ge [sflag:s22], s20  }
0x9f: {  	s4 =	ssub.s32 $0x0, s20;
	[sflag:s22] =	ssyncset.done $0x0  }
0xa0: {  	[sflag:s22] =	ssyncadd.s32 s4;
	_ =	sdelay $0x1  }
0xa1: {  	s23 =	simm.s32 $0x1B8B  }
0xa2: {  	_ =	swait.ge [sflag:s23], $0x1  }
0xa3: {  	[sflag:s23] =	ssyncset.done $0x0  }
0xa4: {  	s25 =	simm.s32 $0x1B8E;
	s24 =	sld [smem:$0x3FFE];
	[sflag:s23] =	ssyncadd.s32 $0xFFFFFFFF  }
0xa5: {  	s26 =	simm.s32 $execute0_lowered;
	[smem:$0x3FD2] =	sst s25  }
0xa6: {  	s5 =	sshll.u32 s26, $0x1;
	_ =	strace $0x80000046;
	[dreg:$0x1] =	wrdreg $0xFFFFFFFF  }
0xa7: {  	s28 =	simm.s32 $_size_execute0_lowered;
	s3 =	sadd.s32 s3, s5;
	[dreg:$0x0] =	wrdreg $0x0  }
0xa8: {  	s5 =	sshll.u32 s28, $0x1;
	[dreg:$0x2] =	wrdreg s3  }
0xa9: {  	[dreg:$0x3] =	wrdreg s5  }
0xaa: {  	[dreg:$0x4] =	wrdreg $0xC0  }
0xab: {  	_ =	task [dreg:s7], $0x5FFFF  }
0xac: {  	[dreg:$0x1] =	wrdreg $0xFFFFFFFF  }
0xad: {  	[dreg:$0x0] =	wrdreg $0x60  }
0xae: {  	[dreg:$0x2] =	wrdreg s2  }
0xaf: {  	[dreg:$0x3] =	wrdreg s24  }
0xb0: {  	[dreg:$0x4] =	wrdreg $0x98000  }
0xb1: {  	[dreg:$0x5] =	wrdreg $0x9  }
0xb2: {  	_ =	task.clear_ibuf [dreg:s7], $0x6FFFF;
	_ =	strace $0x90000046  }
0xb3: {  	s29 =	simm.s32 $0x9;
	_ =	strace $0x80000048  }
0xb4: {  	_ =	swait.ge [sflag:s29], $0x1  }
0xb5: {  	[sflag:s29] =	ssyncadd.s32 $0xFFFFFFFF  }
0xb6: {  	_ =	strace $0x90000048  }
0xb7: {  	_ =	sfence  }
0xb8: {  	s30 =	sld [smem:$0x0];
	_ =	sdelay $0x2  }
0xb9: {  	s31 =	sshll.u32 s1, $0xD;
	s1 =	sshrl.u32 s1, $0x2  }
0xba: {  	s3 =	sand.u32 $0x4000, s31;
	s1 =	sadd.s32 s1, s30  }
0xbb: {  	s0 =	sor.u32 s3, s0;
	s1 =	sshll.u32 s1, $0x11  }
0xbc: {  	s0 =	sor.u32 s1, s0  }
0xbd: {  	s0 =	sadd.s32 $0x8F2B, s0  }
0xbe: {  	[sflag:s0] =	ssyncadd.remote.s32 $0x1  }
0xbf: {  	_ =	sfence.sel $0xFFFF  }
0xc0: {  	[dreg:$0x0] =	wrdreg $0xFFFFFFFF;
	(pc) =	sbr.abs _section_cstart, $3  }
0xc1: {  	[dreg:$0x1] =	wrdreg $0xFFFFFFFF  }
0xc2: {  	_ =	task.clear_ibuf [dreg:s7], $0x2FFFF;
	_ =	strace $0x9FFFFFFF  }
0xc3: {  	(tm) =	ssettm $0x7FFFFFFF  }
tec
execute0_lowered:
.L_overlay_start_1:
0x0: {  	(tag) =	ssettag $0x1  }
0x1: {  	s1 =	rddreg [dreg:$0x0]  }
0x2: {  	s0 =	srdreg.scid;
	s2 =	rddreg [dreg:$0x1]  }
0x3: {  	s11 =	stileid.u32;
	s3 =	rddreg [dreg:$0x2]  }
0x4: {  	s4 =	simm.s32 $0x0;
	s0 =	sand.u32 $0x1, s0;
	s6 =	smul.u32 $0x13C00, s11  }
0x5: {  	s28 =	simm.s32 $0x1000;
	s29 =	simm.s32 $0x4;
	s5 =	smul.u32 $0x13C000, s0  }
0x6: {  	s30 =	simm.s32 $0x50;
	[smem:$0x7FF] =	sst s4;
	s7 =	smul.u32 $0x4F000, s11  }
0x7: {  	s31 =	simm.s32 $0x4800;
	_ =	strace $0x80000047;
	s5 =	sadd.s32 s6, s5  }
0x8: {  	s10 =	ssub.s32 $0x2, s0;
	s7 =	sshrl.u32 s7, $0x2;
	s6 =	sshrl.u32 s5, $0x3  }
0x9: {  	s9 =	sshrl.u32 s10, $0x1;
	s8 =	sadd.s32 s6, s2;
	s6 =	sadd.s32 s7, s3  }
0xa: {  	s9 =	ssub.s32 s10, s9;
	s10 =	sshll.u32 s11, $0x1;
	s7 =	sadd.s32 $0x2800, s6  }
0xb: {  	s11 =	sshrl.u32 s11, $0x2;
	s12 =	sadd.s32 $0x5000, s6;
	[dreg:$0x4] =	wrdreg s7  }
0xc: {  	s5 =	sadd.s32 $0x3800, s2;
	s14 =	sadd.s32 $0x7800, s6;
	[dreg:$0x5] =	wrdreg s12  }
0xd: {  	s0 =	sor.u32 s0, s10;
	s15 =	sadd.s32 $0xA000, s6;
	[dreg:$0x6] =	wrdreg s14  }
0xe: {  	s2 =	sadd.s32 $0x7A800, s2;
	s16 =	sadd.s32 $0xC800, s6;
	[dreg:$0x7] =	wrdreg s15  }
0xf: {  	s13 =	sshll.u32 s0, $0x7;
	s17 =	sadd.s32 $0xF000, s6;
	[dreg:$0x8] =	wrdreg s16  }
0x10: {  	s18 =	sadd.s32 $0x11800, s6;
	s7 =	smul.u32 $0x2800, s11;
	[dreg:$0x9] =	wrdreg s17  }
0x11: {  	s10 =	sand.u32 $0x380, s13;
	s8 =	sadd.s32 $0x2B800, s8;
	[dreg:$0xa] =	wrdreg s18  }
0x12: {  	s14 =	smul.u32 $0x5000, s0;
	[dreg:$0xb] =	wrdreg s8;
	s7 =	sor.u32 s7, s10  }
0x13: {  	s11 =	simm.s32 $0x400;
	s10 =	simm.s32 $0x80;
	s19 =	sshrl.u32 s7, $0x3  }
0x14: {  	s20 =	sadd.s32 $0xA000, s7;
	s21 =	sadd.s32 $0x14000, s7;
	s22 =	sadd.s32 $0x1E000, s7  }
0x15: {  	s25 =	sadd.s32 $0x32000, s7;
	s26 =	sadd.s32 $0x3C000, s7;
	s7 =	sadd.s32 $0x46000, s7  }
0x16: {  	s16 =	sadd.s32 s2, s19;
	s0 =	sshrl.u32 s20, $0x3;
	s23 =	sshrl.u32 s21, $0x3  }
0x17: {  	s24 =	sshrl.u32 s22, $0x3;
	s8 =	sshrl.u32 s26, $0x3;
	s7 =	sshrl.u32 s7, $0x3  }
0x18: {  	s26 =	simm.s32 $0x3;
	s0 =	sadd.s32 s2, s0;
	s19 =	sadd.s32 s2, s24  }
0x19: {  	s20 =	sadd.s32 $0x5000, s16;
	s22 =	sadd.s32 s2, s8;
	s24 =	smax.u32 s9, $0x1  }
0x1a: {  	s8 =	simm.s32 $0x2;
	s9 =	simm.s32 $0x1C00;
	[dreg:$0xc] =	wrdreg s0  }
0x1b: {  	s0 =	sadd.s32 s2, s23;
	s23 =	sadd.s32 s2, s7;
	s7 =	simm.s32 $0x5  }
0x1c: {  	[dreg:$0xd] =	wrdreg s0;
	s0 =	sshrl.u32 s25, $0x3;
	s25 =	simm.s32 $0x2000  }
0x1d: {  	v0 =	vimm.f32 $0.0e+00;
	v1 =	vimm.f32 $1.000000000e+00;
	s21 =	sadd.s32 s2, s0;
	s2 =	simm.s32 $0x7000;
	s0 =	simm.s32 $0x1  }
.LBB2_1:
0x1e: {  	s12 =	simm.s32 $0x0;
	s13 =	simm.s32 $0x200  }
.LBB2_2:
0x1f: {  	p0 =	sne.s32 s13, $0x9E00;
	[tilespmem:s12+$0x2070] =	vst v0  }
0x20: {  	[tilespmem:s12+$0x2000] =	vst v0  }
0x21: {  	[tilespmem:s12+$0x2010] =	vst v0  }
.Ltmp0:
0x22: {  	[tilespmem:s12+$0x2020] =	vst v0;
	(pc) =	sbr.rel @p0 .LBB2_2-.Ltmp0, $4  }
0x23: {  	[tilespmem:s12+$0x2030] =	vst v0  }
0x24: {  	[tilespmem:s12+$0x2040] =	vst v0  }
0x25: {  	[tilespmem:s12+$0x2050] =	vst v0  }
0x26: {  	[tilespmem:s12+$0x2060] =	vst v0;
	s12 =	sshra.s32 s13, $0x2;
	s13 =	sadd.s32 $0x200, s13  }
0x27: {  	[tilespmem:s12+$0x2070] =	vst v0  }
0x28: {  	[tilespmem:s12+$0x2000] =	vst v0  }
0x29: {  	[tilespmem:s12+$0x2010] =	vst v0  }
0x2a: {  	[tilespmem:s12+$0x2020] =	vst v0  }
0x2b: {  	[tilespmem:s12+$0x2030] =	vst v0  }
0x2c: {  	[tilespmem:s12+$0x2040] =	vst v0  }
0x2d: {  	[tilespmem:s12+$0x2050] =	vst v0  }
0x2e: {  	[tilespmem:s12+$0x2060] =	vst v0  }
0x2f: {  	[spmem:s6] =	stream.linear.scatter [tilespmem:s25], [sflag:$0x3], $0x2800, $0x38;
	[tilespmem:$0x1D400] =	vst v63  }
0x30: {  	s15 =	rddreg [dreg:$0x4]  }
0x31: {  	[spmem:s15] =	stream.linear.scatter [tilespmem:s25], [sflag:$0x3], $0x2800, $0x38;
	[tilespmem:$0x1D400] =	vst v63  }
0x32: {  	s17 =	rddreg [dreg:$0x5]  }
0x33: {  	[spmem:s17] =	stream.linear.scatter [tilespmem:s25], [sflag:$0x3], $0x2800, $0x38;
	[tilespmem:$0x1D400] =	vst v63  }
0x34: {  	s18 =	rddreg [dreg:$0x6]  }
0x35: {  	[spmem:s18] =	stream.linear.scatter [tilespmem:s25], [sflag:$0x3], $0x2800, $0x38;
	[tilespmem:$0x1D400] =	vst v63  }
0x36: {  	s13 =	rddreg [dreg:$0x7]  }
0x37: {  	[spmem:s13] =	stream.linear.scatter [tilespmem:s25], [sflag:$0x3], $0x2800, $0x38;
	[tilespmem:$0x1D400] =	vst v63  }
0x38: {  	s15 =	rddreg [dreg:$0x8]  }
0x39: {  	[spmem:s15] =	stream.linear.scatter [tilespmem:s25], [sflag:$0x3], $0x2800, $0x38;
	[tilespmem:$0x1D400] =	vst v63  }
0x3a: {  	s17 =	rddreg [dreg:$0x9]  }
0x3b: {  	[spmem:s17] =	stream.linear.scatter [tilespmem:s25], [sflag:$0x3], $0x2800, $0x38;
	[tilespmem:$0x1D400] =	vst v63  }
0x3c: {  	s12 =	simm.s32 $0x40;
	s18 =	rddreg [dreg:$0xa];
	s13 =	simm.s32 $0x0  }
0x3d: {  	[spmem:s18] =	stream.linear.scatter [tilespmem:s25], [sflag:$0x3], $0x2400, $0x38;
	[tilespmem:$0x1D400] =	vst v63  }
.LBB2_4:
0x3e: {  	p0 =	sne.s32 s12, $0x9FC0;
	[tilespmem:s13+$0x7000] =	vst v0;
	s13 =	smov.u32 s12;
	s12 =	sadd.s32 $0x40, s12  }
.Ltmp1:
0x3f: {  	(pc) =	sbr.rel @p0 .LBB2_4-.Ltmp1, $2  }
0x40: {  	_ =	sdelay $0x2  }
0x41: {  	s13 =	sshra.s32 s13, $0x2  }
0x42: {  	[tilespmem:s13+$0x7000] =	vst v0  }
0x43: {  	_ =	swait.ge [sflag:s26], $0x2800  }
0x44: {  	[sflag:s26] =	ssyncset.done $0x0  }
0x45: {  	[sflag:s26] =	ssyncadd.s32 $0xFFFFD800  }
0x46: {  	_ =	swait.ge [sflag:s26], $0x2800  }
0x47: {  	[sflag:s26] =	ssyncset.done $0x0  }
0x48: {  	[sflag:s26] =	ssyncadd.s32 $0xFFFFD800  }
0x49: {  	_ =	swait.ge [sflag:s26], $0x2800  }
0x4a: {  	[sflag:s26] =	ssyncset.done $0x0  }
0x4b: {  	[sflag:s26] =	ssyncadd.s32 $0xFFFFD800  }
0x4c: {  	_ =	swait.ge [sflag:s26], $0x2800  }
0x4d: {  	[sflag:s26] =	ssyncset.done $0x0  }
0x4e: {  	[sflag:s26] =	ssyncadd.s32 $0xFFFFD800  }
0x4f: {  	_ =	swait.ge [sflag:s26], $0x2800  }
0x50: {  	[sflag:s26] =	ssyncset.done $0x0  }
0x51: {  	[sflag:s26] =	ssyncadd.s32 $0xFFFFD800  }
0x52: {  	_ =	swait.ge [sflag:s26], $0x2800  }
0x53: {  	[sflag:s26] =	ssyncset.done $0x0  }
0x54: {  	[sflag:s26] =	ssyncadd.s32 $0xFFFFD800  }
0x55: {  	_ =	swait.ge [sflag:s26], $0x2800  }
0x56: {  	[sflag:s26] =	ssyncset.done $0x0  }
0x57: {  	[sflag:s26] =	ssyncadd.s32 $0xFFFFD800  }
0x58: {  	_ =	swait.ge [sflag:s26], $0x2400  }
0x59: {  	[sflag:s26] =	ssyncset.done $0x0  }
0x5a: {  	[sflag:s26] =	ssyncadd.s32 $0xFFFFDC00  }
0x5b: {  	s12 =	simm.s32 $0x0;
	s13 =	simm.s32 $0x0;
	[bflag:$0x0] =	sbarrier.arrive $0xFFFF  }
.LBB2_6:
0x5c: {  	s15 =	sshll.u32 s13, $0xC  }
0x5d: {  	s15 =	sadd.s32 s14, s15  }
0x5e: {  	s15 =	sshrl.u32 s15, $0x3  }
0x5f: {  	s15 =	sadd.s32 s5, s15  }
0x60: {  	[tilespmem:s12], [sflag:$0x4] =	stream.linear.gather [hbm4b:s15+s12], $0xC80, $0x38;
	[tilespmem:$0x1D400] =	vst v63  }
0x61: {  	s15 =	sadd.s32 $0x14000, s15  }
0x62: {  	[tilespmem:s28], [sflag:$0x4] =	stream.linear.gather [hbm4b:s15+s12], $0xC80, $0x38;
	[tilespmem:$0x1D400] =	vst v63  }
0x63: {  	_ =	swait.ge [sflag:s29], $0xC80  }
0x64: {  	[sflag:s29] =	ssyncset.done $0x0  }
0x65: {  	[sflag:s29] =	ssyncadd.s32 $0xFFFFF380  }
0x66: {  	_ =	swait.ge [sflag:s29], $0xC80  }
0x67: {  	[sflag:s29] =	ssyncset.done $0x0  }
0x68: {  	s15 =	simm.s32 $0x0;
	[sflag:s29] =	ssyncadd.s32 $0xFFFFF380  }
0x69: {  	[tilespmem:s25], [sflag:$0x1] =	stream.indirect.gather [hbm4b:s1+s30], $0x80, s12, s30, $0xb8;
	[tilespmem:$0x1D400] =	vst v63  }
.LBB2_7:
0x6a: {  	s17 =	sshra.s32 s15, $0x2  }
0x6b: {  	s18 =	sadd.s32 $0x80, s17  }
0x6c: {  	[tilespmem:s31], [sflag:$0x2] =	stream.indirect.gather [hbm4b:s1+s30], $0x80, s18, s30, $0xb8;
	[tilespmem:$0x1D400] =	vst v63  }
0x6d: {  	v2 =	vld [tilespmem:s17+$0x1000];
	_ =	sdelay $0x7  }
0x6e: {  	[tilespmem:v2+s2+$0x0] =	vst.idx.add.f32.msk $0xffff, v1  }
0x6f: {  	v2 =	vld [tilespmem:s17+$0x1010];
	_ =	sdelay $0x7  }
0x70: {  	[tilespmem:v2+s2+$0x0] =	vst.idx.add.f32.msk $0xffff, v1  }
0x71: {  	v2 =	vld [tilespmem:s17+$0x1020];
	_ =	sdelay $0x7  }
0x72: {  	[tilespmem:v2+s2+$0x0] =	vst.idx.add.f32.msk $0xffff, v1  }
0x73: {  	v2 =	vld [tilespmem:s17+$0x1030];
	_ =	sdelay $0x7  }
0x74: {  	[tilespmem:v2+s2+$0x0] =	vst.idx.add.f32.msk $0xffff, v1  }
0x75: {  	v2 =	vld [tilespmem:s17+$0x1040];
	_ =	sdelay $0x7  }
0x76: {  	[tilespmem:v2+s2+$0x0] =	vst.idx.add.f32.msk $0xffff, v1  }
0x77: {  	v2 =	vld [tilespmem:s17+$0x1080];
	_ =	sdelay $0x7  }
0x78: {  	[tilespmem:v2+s2+$0x0] =	vst.idx.add.f32.msk $0xffff, v1  }
0x79: {  	v2 =	vld [tilespmem:s17+$0x1090];
	_ =	sdelay $0x7  }
0x7a: {  	[tilespmem:v2+s2+$0x0] =	vst.idx.add.f32.msk $0xffff, v1  }
0x7b: {  	v2 =	vld [tilespmem:s17+$0x10A0];
	_ =	sdelay $0x7  }
0x7c: {  	[tilespmem:v2+s2+$0x0] =	vst.idx.add.f32.msk $0xffff, v1  }
0x7d: {  	v2 =	vld [tilespmem:s17+$0x10B0];
	_ =	sdelay $0x7  }
0x7e: {  	[tilespmem:v2+s2+$0x0] =	vst.idx.add.f32.msk $0xffff, v1  }
0x7f: {  	v2 =	vld [tilespmem:s17+$0x10C0];
	_ =	sdelay $0x7  }
0x80: {  	[tilespmem:v2+s2+$0x0] =	vst.idx.add.f32.msk $0xffff, v1  }
0x81: {  	_ =	swait.ge [sflag:s0], $0x2800  }
0x82: {  	[sflag:s0] =	ssyncset.done $0x0  }
0x83: {  	s18 =	sadd.s32 $0x1000, s17;
	[sflag:s0] =	ssyncadd.s32 $0xFFFFD800  }
0x84: {  	[spmem:s3] =	stream.indirect.scatter.add.f32 [tilespmem:s25], [sflag:$0x5], $0x80, s18, s30, $0xb8;
	[tilespmem:$0x1D400] =	vst v63  }
0x85: {  	_ =	swait.ge [sflag:s7], $0x2800  }
0x86: {  	[sflag:s7] =	ssyncset.done $0x0  }
0x87: {  	s18 =	sadd.s32 $0x100, s17;
	[sflag:s7] =	ssyncadd.s32 $0xFFFFD800  }
0x88: {  	[tilespmem:s25], [sflag:$0x1] =	stream.indirect.gather [hbm4b:s1+s30], $0x80, s18, s30, $0xb8;
	[tilespmem:$0x1D400] =	vst v63  }
0x89: {  	_ =	swait.ge [sflag:s8], $0x2800  }
0x8a: {  	p0 =	sne.s32 s15, $0x2C00;
	[sflag:s8] =	ssyncset.done $0x0  }
.Ltmp2:
0x8b: {  	s17 =	sadd.s32 $0x1080, s17;
	[sflag:s8] =	ssyncadd.s32 $0xFFFFD800;
	(pc) =	sbr.rel @p0 .LBB2_7-.Ltmp2, $4  }
0x8c: {  	[spmem:s3] =	stream.indirect.scatter.add.f32 [tilespmem:s31], [sflag:$0x5], $0x80, s17, s30, $0xb8;
	[tilespmem:$0x1D400] =	vst v63  }
0x8d: {  	_ =	swait.ge [sflag:s7], $0x2800  }
0x8e: {  	[sflag:s7] =	ssyncset.done $0x0  }
0x8f: {  	s15 =	sadd.s32 $0x400, s15;
	[sflag:s7] =	ssyncadd.s32 $0xFFFFD800  }
0x90: {  	_ =	swait.ge [sflag:s0], $0x2800  }
0x91: {  	[sflag:s0] =	ssyncset.done $0x0  }
0x92: {  	[sflag:s0] =	ssyncadd.s32 $0xFFFFD800  }
0x93: {  	v2 =	vld [tilespmem:$0x1C00];
	_ =	sdelay $0x7  }
0x94: {  	[tilespmem:v2+s2+$0x0] =	vst.idx.add.f32.msk $0xffff, v1  }
0x95: {  	v2 =	vld [tilespmem:$0x1C10];
	_ =	sdelay $0x7  }
0x96: {  	[tilespmem:v2+s2+$0x0] =	vst.idx.add.f32.msk $0xffff, v1  }
0x97: {  	v2 =	vld [tilespmem:$0x1C20];
	_ =	sdelay $0x7  }
0x98: {  	[tilespmem:v2+s2+$0x0] =	vst.idx.add.f32.msk $0xffff, v1  }
0x99: {  	v2 =	vld [tilespmem:$0x1C30];
	_ =	sdelay $0x7  }
0x9a: {  	[tilespmem:v2+s2+$0x0] =	vst.idx.add.f32.msk $0xffff, v1  }
0x9b: {  	v2 =	vld [tilespmem:$0x1C40];
	_ =	sdelay $0x5  }
0x9c: {  	s13 =	sadd.s32 $0x1, s13  }
0x9d: {  	p0 =	sne.s32 s13, $0x5  }
.Ltmp3:
0x9e: {  	[tilespmem:v2+s2+$0x0] =	vst.idx.add.f32.msk $0xffff, v1;
	(pc) =	sbr.rel @p0 .LBB2_6-.Ltmp3, $4  }
0x9f: {  	[spmem:s3] =	stream.indirect.scatter.add.f32 [tilespmem:s25], [sflag:$0x5], $0x80, s9, s30, $0xb8;
	[tilespmem:$0x1D400] =	vst v63  }
0xa0: {  	_ =	swait.ge [sflag:s7], $0x2800  }
0xa1: {  	[sflag:s7] =	ssyncset.done $0x0  }
0xa2: {  	[sflag:s7] =	ssyncadd.s32 $0xFFFFD800  }
0xa3: {  	s12 =	stileid.u32  }
0xa4: {  	[bflag:$0x0] =	sbarrier.arrive $0xFFFF;
	s12 =	sshll.u32 s12, $0x6  }
0xa5: {  	s13 =	sshrl.u32 s6, $0x3;
	s15 =	rddreg [dreg:$0xb];
	s12 =	sor.u32 $0x1C03, s12  }
0xa6: {  	[hbm:s15], [sflag:s12] =	dma.local [spmem:s13], $0x2780  }
0xa7: {  	[hbm4b:s16+s10] =	stream.strided.scatter [tilespmem:s2], [sflag:$0x4], $0x500, s11, s10, $0x38;
	[tilespmem:$0x1D400] =	vst v63  }
0xa8: {  	s18 =	simm.s32 $0x7500;
	s12 =	rddreg [dreg:$0xc]  }
0xa9: {  	[hbm4b:s12+s10] =	stream.strided.scatter [tilespmem:s18], [sflag:$0x4], $0x500, s11, s10, $0x38;
	[tilespmem:$0x1D400] =	vst v63  }
0xaa: {  	s17 =	simm.s32 $0x7A00;
	s15 =	rddreg [dreg:$0xd]  }
0xab: {  	[hbm4b:s15+s10] =	stream.strided.scatter [tilespmem:s17], [sflag:$0x4], $0x500, s11, s10, $0x38;
	[tilespmem:$0x1D400] =	vst v63  }
0xac: {  	s18 =	simm.s32 $0x7F00  }
0xad: {  	[hbm4b:s19+s10] =	stream.strided.scatter [tilespmem:s18], [sflag:$0x4], $0x500, s11, s10, $0x38;
	[tilespmem:$0x1D400] =	vst v63  }
0xae: {  	s13 =	simm.s32 $0x8400  }
0xaf: {  	[hbm4b:s20+s10] =	stream.strided.scatter [tilespmem:s13], [sflag:$0x4], $0x500, s11, s10, $0x38;
	[tilespmem:$0x1D400] =	vst v63  }
0xb0: {  	s15 =	simm.s32 $0x8900  }
0xb1: {  	[hbm4b:s21+s10] =	stream.strided.scatter [tilespmem:s15], [sflag:$0x4], $0x500, s11, s10, $0x38;
	[tilespmem:$0x1D400] =	vst v63  }
0xb2: {  	s17 =	simm.s32 $0x8E00  }
0xb3: {  	[hbm4b:s22+s10] =	stream.strided.scatter [tilespmem:s17], [sflag:$0x4], $0x500, s11, s10, $0x38;
	[tilespmem:$0x1D400] =	vst v63  }
0xb4: {  	s18 =	simm.s32 $0x9300  }
0xb5: {  	[hbm4b:s23+s10] =	stream.strided.scatter [tilespmem:s18], [sflag:$0x4], $0x500, s11, s10, $0x38;
	[tilespmem:$0x1D400] =	vst v63  }
0xb6: {  	_ =	swait.ge [sflag:s26], $0x2780  }
0xb7: {  	[sflag:s26] =	ssyncset.done $0x0  }
0xb8: {  	[sflag:s26] =	ssyncadd.s32 $0xFFFFD880  }
0xb9: {  	_ =	swait.ge [sflag:s29], $0x500  }
0xba: {  	[sflag:s29] =	ssyncset.done $0x0  }
0xbb: {  	[sflag:s29] =	ssyncadd.s32 $0xFFFFFB00  }
0xbc: {  	_ =	swait.ge [sflag:s29], $0x500  }
0xbd: {  	[sflag:s29] =	ssyncset.done $0x0  }
0xbe: {  	[sflag:s29] =	ssyncadd.s32 $0xFFFFFB00  }
0xbf: {  	_ =	swait.ge [sflag:s29], $0x500  }
0xc0: {  	[sflag:s29] =	ssyncset.done $0x0  }
0xc1: {  	[sflag:s29] =	ssyncadd.s32 $0xFFFFFB00  }
0xc2: {  	_ =	swait.ge [sflag:s29], $0x500  }
0xc3: {  	[sflag:s29] =	ssyncset.done $0x0  }
0xc4: {  	[sflag:s29] =	ssyncadd.s32 $0xFFFFFB00  }
0xc5: {  	_ =	swait.ge [sflag:s29], $0x500  }
0xc6: {  	[sflag:s29] =	ssyncset.done $0x0  }
0xc7: {  	[sflag:s29] =	ssyncadd.s32 $0xFFFFFB00  }
0xc8: {  	_ =	swait.ge [sflag:s29], $0x500  }
0xc9: {  	[sflag:s29] =	ssyncset.done $0x0  }
0xca: {  	s4 =	sadd.s32 $0x1, s4;
	[sflag:s29] =	ssyncadd.s32 $0xFFFFFB00  }
0xcb: {  	p0 =	sne.s32 s4, s24;
	_ =	swait.ge [sflag:s29], $0x500  }
.Ltmp4:
0xcc: {  	[sflag:s29] =	ssyncset.done $0x0;
	(pc) =	sbr.rel @p0 .LBB2_1-.Ltmp4, $4  }
0xcd: {  	[sflag:s29] =	ssyncadd.s32 $0xFFFFFB00  }
0xce: {  	_ =	swait.ge [sflag:s29], $0x500  }
0xcf: {  	[sflag:s29] =	ssyncset.done $0x0  }
0xd0: {  	[sflag:s29] =	ssyncadd.s32 $0xFFFFFB00  }
0xd1: {  	_ =	sfence.sel $0x180000  }
0xd2: {  	[bflag:$0x0] =	sbarrier.arrive $0xFFFF  }
0xd3: {  	_ =	strace $0x90000047  }
0xd4: {  	s0 =	stileid.u32;
	[bflag:$0x2] =	sbarrier.arrive $0xFFFF  }
0xd5: {  	p0 =	sne.s32 s0, $0x0;
	s0 =	rddreg [dreg:$0x3]  }
0xd6: {  	s0 =	sadd.s32 @!p0 $0x100000, s0  }
0xd7: {  	[sflag:s0] =	ssyncadd.tile.s32 @!p0 $0x1;
	_ =	shalt  }
.Lfunc_end2:
_tile_overlayer_lowered:
.L_overlay_start_2:
0xd8: {  	(tag) =	ssettag $0x2  }
0xd9: {  	s0 =	rddreg [dreg:$0x0];
	s2 =	stileid.u32  }
0xda: {  	s1 =	rddreg [dreg:$0x1];
	p0 =	sne.s32 s2, $0x0  }
0xdb: {  	s3 =	rddreg [dreg:$0x2];
	[bflag:$0x3] =	sbarrier.arrive $0xFFFF;
	s2 =	simm.s32 @!p0 $0x1C05  }
0xdc: {  	[timem:s3], [sflag:s2] =	dma.local @!p0 [hbm:s0], s1  }
0xdd: {  	s0 =	simm.s32 @!p0 $0x5  }
0xde: {  	_ =	swait.ge @!p0 [sflag:s0], s1  }
0xdf: {  	s1 =	ssub.s32 @!p0 $0x0, s1;
	[sflag:s0] =	ssyncset.done @!p0 $0x0  }
0xe0: {  	[sflag:s0] =	ssyncadd.s32 @!p0 s1  }
0xe1: {  	[bflag:$0x3] =	sbarrier.arrive $0xFFFF  }
0xe2: {  	_ =	shalt  }

</sc_bundles>
